<compile_context>
chip_gen: v7x
topology: tpu7x:2x2x1
jax: 0.10.2.dev20260603
libtpu: 0.0.44.dev20260713+nightly
codegen_flags: <defaults>
</compile_context>

<pallas_src>
import dataclasses
import functools

import jax
import jax.numpy as jnp
from jax import lax
from jax.experimental import pallas as pl
from jax.experimental.pallas import tpu as pltpu
from jax.experimental.pallas import tpu_sc as plsc

C, N, D, K = 1024, 16384, 16, 64
L = 16
NW = 32
CPW = C // NW
BUF = 512
REFILL_AT = BUF - 128
BN = 2048


def _d2_body(embs_ref, cw_ref, out_ref):
    embs = embs_ref[...]
    cw = cw_ref[...]
    e_sq = jnp.sum(embs * embs, axis=1)[None, :]
    c_sq = jnp.sum(cw * cw, axis=1, keepdims=True)
    prod = lax.dot_general(cw, embs, (((1,), (1,)), ((), ())),
                           preferred_element_type=jnp.float32)
    out_ref[...] = jnp.maximum(c_sq - 2.0 * prod + e_sq, 1e-12)


def _tc_d2(embs, centers_w):
    return pl.pallas_call(
        _d2_body,
        grid=(N // BN,),
        in_specs=[
            pl.BlockSpec((BN, D), lambda i: (i, 0)),
            pl.BlockSpec((C, D), lambda i: (0, 0)),
        ],
        out_specs=pl.BlockSpec((C, BN), lambda i: (0, i)),
        out_shape=jax.ShapeDtypeStruct((C, N), jnp.float32),
    )(embs, centers_w)


def _ones(m):
    return jnp.where(m, jnp.int32(1), jnp.int32(0))


def _sc_body(d2_hbm, embs_hbm, ids_hbm, centers_hbm, loss_hbm,
             rowbuf, cand_v, cand_i, embbuf, ids_v, ctr_v, loss_v,
             dma_sem, sem_ids, sem_ctr, sem_g):
    wid = lax.axis_index("s") * 2 + lax.axis_index("c")
    inf16 = jnp.full((L,), jnp.inf, jnp.float32)
    iota16 = lax.broadcasted_iota(jnp.int32, (L,), 0)

    NVR = BUF // L

    def count_cmp(t_vec, strict):
        def b(k, acc):
            v = cand_v[pl.ds(k * L, L)]
            m = (v < t_vec) if strict else (v <= t_vec)
            return acc + plsc.all_reduce_population_count(m)
        return pl.loop(0, NVR, init_carry=jnp.zeros((L,), jnp.int32),
                       unroll=8)(b)

    def select64(cnt):

        def bs(_, lh):
            lo, hi = lh
            mid = lo + lax.shift_right_logical(hi - lo, 1)
            c = count_cmp(lax.bitcast_convert_type(mid, jnp.float32), False)
            big = c >= K
            return (jnp.where(big, lo, mid + 1), jnp.where(big, mid, hi))
        lo, _hi = pl.loop(0, 31, init_carry=(
            jnp.zeros((L,), jnp.int32),
            jnp.full((L,), 0x7F800000, jnp.int32)))(bs)
        t_vec = lax.bitcast_convert_type(lo, jnp.float32)
        cnt_lt = count_cmp(t_vec, True)
        need = K - cnt_lt

        def cb(k, carry):
            kept, eqs = carry
            v = cand_v[pl.ds(k * L, L)]
            ix = cand_i[pl.ds(k * L, L)]
            m_lt = v < t_vec
            m_eq = v == t_vec
            eq_rank = eqs + plsc.cumsum(_ones(m_eq)) - 1
            m_keep = m_lt | (m_eq & (eq_rank < need))
            slots = kept + plsc.cumsum(_ones(m_keep)) - 1
            plsc.store_scatter(cand_v, [slots], v, mask=m_keep)
            plsc.store_scatter(cand_i, [slots], ix, mask=m_keep)
            return (kept + plsc.all_reduce_population_count(m_keep),
                    eqs + plsc.all_reduce_population_count(m_eq))
        pl.loop(0, NVR, init_carry=(jnp.zeros((L,), jnp.int32),
                                    jnp.zeros((L,), jnp.int32)), unroll=4)(cb)

        @pl.loop(K // L, NVR, unroll=4)
        def _(k):
            cand_v[pl.ds(k * L, L)] = inf16

        return jnp.full((L,), K, jnp.int32), t_vec

    def cmpx(ak, av, bk, bv):
        c = ak <= bk
        return (jnp.where(c, ak, bk), jnp.where(c, av, bv),
                jnp.where(c, bk, ak), jnp.where(c, bv, av))

    def merge16(a, b):
        rbk = lax.rev(b[0], (0,))
        rbv = lax.rev(b[1], (0,))
        lk, lv, hk, hv = cmpx(a[0], a[1], rbk, rbv)
        return plsc.sort_key_val(lk, lv), plsc.sort_key_val(hk, hv)

    def clean32(x0, x1):
        ak, av, bk, bv = cmpx(x0[0], x0[1], x1[0], x1[1])
        return plsc.sort_key_val(ak, av), plsc.sort_key_val(bk, bv)

    def merge32(a0, a1, b0, b1):
        rb0 = (lax.rev(b1[0], (0,)), lax.rev(b1[1], (0,)))
        rb1 = (lax.rev(b0[0], (0,)), lax.rev(b0[1], (0,)))
        l0k, l0v, h0k, h0v = cmpx(a0[0], a0[1], rb0[0], rb0[1])
        l1k, l1v, h1k, h1v = cmpx(a1[0], a1[1], rb1[0], rb1[1])
        s0, s1 = clean32((l0k, l0v), (l1k, l1v))
        s2, s3 = clean32((h0k, h0v), (h1k, h1v))
        return s0, s1, s2, s3

    def newton_sqrt(v):
        bits = lax.bitcast_convert_type(v, jnp.int32)
        y = lax.bitcast_convert_type(jnp.int32(0x5F3759DF) - (bits >> 1),
                                     jnp.float32)
        for _ in range(4):
            y = y * (1.5 - 0.5 * v * y * y)
        return v * y

    GQ = 8

    def row_copy(j, par):
        c = wid * CPW + j
        return pltpu.make_async_copy(d2_hbm.at[c], rowbuf.at[par], dma_sem)

    row_copy(jnp.int32(0), jnp.int32(0)).start()

    def do_center(j, lacc):
        c = wid * CPW + j
        par = lax.rem(j, 2)
        row_copy(j, par).wait()
        row_copy(jnp.minimum(j + 1, CPW - 1), 1 - par).start()

        @pl.loop(0, BUF // L)
        def _(k):
            cand_v[pl.ds(k * L, L)] = inf16

        def group(g, carry):
            cnt, t_vec = carry
            base = g * (GQ * L)
            vs = [rowbuf[par, pl.ds(base + q * L, L)] for q in range(GQ)]
            m_or = vs[0] <= t_vec
            for q in range(1, GQ):
                m_or = m_or | (vs[q] <= t_vec)

            def accept(ct):
                cnt, t_vec = ct
                cnt, t_vec = lax.cond(
                    jnp.any(cnt >= REFILL_AT),
                    lambda cv: select64(cv),
                    lambda cv: (cv, ct[1]), cnt)
                ms = [vs[q] <= t_vec for q in range(GQ)]
                pcs = [plsc.all_reduce_population_count(m) for m in ms]
                csums = [plsc.cumsum(_ones(m)) for m in ms]
                bases = [cnt]
                for q in range(1, GQ):
                    bases.append(bases[q - 1] + pcs[q - 1])
                for q in range(GQ):
                    slots = bases[q] + csums[q] - 1
                    ixq = iota16 + (base + q * L)
                    plsc.store_scatter(cand_v, [slots], vs[q], mask=ms[q])
                    plsc.store_scatter(cand_i, [slots], ixq, mask=ms[q])
                return bases[GQ - 1] + pcs[GQ - 1], t_vec

            return lax.cond(jnp.any(m_or), accept, lambda ct: ct,
                            (cnt, t_vec))

        cnt_end, _t = pl.loop(0, N // (GQ * L),
                              init_carry=(jnp.zeros((L,), jnp.int32),
                                          inf16))(group)

        select64(cnt_end)

        pairs = []
        for q in range(4):
            kq = cand_v[pl.ds(q * L, L)]
            vq = cand_i[pl.ds(q * L, L)]
            pairs.append(plsc.sort_key_val(kq, vq))
        a = merge16(pairs[0], pairs[1])
        b = merge16(pairs[2], pairs[3])
        s0, s1, s2, s3 = merge32(a[0], a[1], b[0], b[1])

        @pl.when(j >= 2)
        def _():
            pltpu.make_async_copy(ids_v.at[par], ids_hbm.at[c - 2],
                                  sem_ids).wait()
            pltpu.make_async_copy(ctr_v.at[par], centers_hbm.at[c - 2],
                                  sem_ctr).wait()

        for q, s in enumerate((s0, s1, s2, s3)):
            ids_v[par, pl.ds(q * L, L)] = s[1]
        gather = pltpu.make_async_copy(embs_hbm.at[ids_v.at[par]], embbuf,
                                       sem_g)
        gather.start()
        lsum = (newton_sqrt(s0[0]) + newton_sqrt(s1[0])
                + newton_sqrt(s2[0]) + newton_sqrt(s3[0]))
        gather.wait()
        acc = pl.loop(0, K, init_carry=jnp.zeros((L,), jnp.float32),
                      unroll=8)(
            lambda r, a_: a_ + embbuf[r, pl.ds(0, L)])
        ctr_v[par, pl.ds(0, L)] = acc * (1.0 / K)
        pltpu.make_async_copy(ids_v.at[par], ids_hbm.at[c], sem_ids).start()
        pltpu.make_async_copy(ctr_v.at[par], centers_hbm.at[c],
                              sem_ctr).start()
        return lacc + lsum

    lacc = pl.loop(0, CPW, init_carry=jnp.zeros((L,), jnp.float32))(do_center)
    row_copy(jnp.int32(CPW - 1), jnp.int32(CPW % 2)).wait()
    for jd in (CPW - 2, CPW - 1):
        cd = wid * CPW + jd
        pltpu.make_async_copy(ids_v.at[jd % 2], ids_hbm.at[cd],
                              sem_ids).wait()
        pltpu.make_async_copy(ctr_v.at[jd % 2], centers_hbm.at[cd],
                              sem_ctr).wait()
    loss_v[...] = lacc
    pltpu.sync_copy(loss_v, loss_hbm.at[wid])


def _sc_select(d2, embs):
    mesh = plsc.VectorSubcoreMesh(core_axis_name="c", subcore_axis_name="s")
    cp = pltpu.CompilerParams()
    if "needs_layout_passes" in pltpu.CompilerParams.__dataclass_fields__:
        cp = dataclasses.replace(cp, needs_layout_passes=False)
    f = pl.kernel(
        _sc_body,
        out_type=[
            jax.ShapeDtypeStruct((C, K), jnp.int32),
            jax.ShapeDtypeStruct((C, D), jnp.float32),
            jax.ShapeDtypeStruct((NW, L), jnp.float32),
        ],
        mesh=mesh,
        scratch_types=[
            pltpu.VMEM((2, N), jnp.float32),
            pltpu.VMEM((BUF,), jnp.float32),
            pltpu.VMEM((BUF,), jnp.int32),
            pltpu.VMEM((K, 128), jnp.float32),
            pltpu.VMEM((2, K), jnp.int32),
            pltpu.VMEM((2, D), jnp.float32),
            pltpu.VMEM((L,), jnp.float32),
            pltpu.SemaphoreType.DMA,
            pltpu.SemaphoreType.DMA,
            pltpu.SemaphoreType.DMA,
            pltpu.SemaphoreType.DMA,
        ],
        compiler_params=cp,
    )
    return f(d2, embs)


def kernel(embs, centers_w):
    d2 = _tc_d2(embs, centers_w)
    embs128 = jnp.pad(embs, ((0, 0), (0, 128 - D)))
    ids, centers, loss_par = _sc_select(d2, embs128)
    return centers, ids, jnp.sum(loss_par)

# --- scband reference (transcript-rebuilt; emitter-appended) ---
"""Pipeline reference for scband-cluster-21191368639030 (READ-ONLY COPY).

The authoritative reference and input builder live on the scoring server;
editing this copy changes nothing except your own understanding.
"""

import jax, jax.numpy as jnp
import numpy as np

NUM_REPS = 64
NUM_CENTERS = 1024
DIM = 16
N_EMBS = 16384

def setup_inputs(seed: int = 0) -> dict:
    key = jax.random.key(seed)
    k1, k2 = jax.random.split(key)
    embs = jax.random.normal(k1, (N_EMBS, DIM), dtype=jnp.float32)
    centers_w = jax.random.normal(k2, (NUM_CENTERS, DIM), dtype=jnp.float32)
    return {"embs": embs, "centers_w": centers_w}

def reference(embs, centers_w):
    # EucCluster: pairwise Euclidean distances from each learned center to every embedding.
    # dists[c, n] = ||centers_w[c] - embs[n]||_2  -> shape [C, N]
    c_sq = jnp.sum(centers_w * centers_w, axis=1, keepdims=True)        # [C, 1]
    e_sq = jnp.sum(embs * embs, axis=1, keepdims=True).T                # [1, N]
    d2 = c_sq - 2.0 * (centers_w @ embs.T) + e_sq                        # [C, N]
    dists = jnp.sqrt(jnp.maximum(d2, 1e-12))
    # For each center, retrieve the num_reps nearest embeddings (kNN retrieval).
    neg_top, rep_ids = jax.lax.top_k(-dists, NUM_REPS)                   # [C, K]
    cluster_dists = -neg_top                                             # [C, K]
    # Updated centers: mean of the retrieved representative embeddings.
    reps = jnp.take(embs, rep_ids, axis=0)                               # [C, K, D]
    centers = jnp.mean(reps, axis=1)                                     # [C, D]
    loss = jnp.sum(cluster_dists)
    return (centers, rep_ids, loss)

if __name__ == "__main__":
    import jax
    _d = setup_inputs()
    print(jax.jit(kernel)(*tuple(_d.values())))

</pallas_src>

<mosaic_0001>
#map = affine_map<(d0, d1) -> (0, 0)>
module attributes {stable_mosaic.version = 14 : i64} {
  func.func @_sc_body(%arg0: i32, %arg1: i32, %arg2: memref<1024x16384xf32, #tpu.memory_space<hbm>>, %arg3: memref<16384x128xf32, #tpu.memory_space<hbm>>, %arg4: memref<1024x64xi32, #tpu.memory_space<hbm>>, %arg5: memref<1024x16xf32, #tpu.memory_space<hbm>>, %arg6: memref<32x16xf32, #tpu.memory_space<hbm>>, %arg7: memref<2x16384xf32, #tpu.memory_space<vmem>>, %arg8: memref<512xf32, #tpu.memory_space<vmem>>, %arg9: memref<512xi32, #tpu.memory_space<vmem>>, %arg10: memref<64x128xf32, #tpu.memory_space<vmem>>, %arg11: memref<2x64xi32, #tpu.memory_space<vmem>>, %arg12: memref<2x16xf32, #tpu.memory_space<vmem>>, %arg13: memref<16xf32, #tpu.memory_space<vmem>>, %arg14: memref<!tpu.dma_semaphore, #tpu.memory_space<semaphore_mem>>, %arg15: memref<!tpu.dma_semaphore, #tpu.memory_space<semaphore_mem>>, %arg16: memref<!tpu.dma_semaphore, #tpu.memory_space<semaphore_mem>>, %arg17: memref<!tpu.dma_semaphore, #tpu.memory_space<semaphore_mem>>) attributes {dimension_semantics = [#tpu.dimension_semantics<core_parallel>, #tpu.dimension_semantics<subcore_parallel>], iteration_bounds = array<i64: 2, 16>, scalar_prefetch = 0 : i64, scratch_operands = 11 : i64, tpu.core_type = #tpu.core_type<sc_vector_subcore>, window_params = [{transform_indices = #map}, {transform_indices = #map}, {transform_indices = #map}, {transform_indices = #map}, {transform_indices = #map}]} {
    %mul3A = arith.constant 2 : i32
    %mul3A_0 = arith.muli %arg1, %mul3A : i32
    %add3A = arith.addi %mul3A_0, %arg0 : i32
    %broadcast_in_dim3A = arith.constant 0x7F800000 : f32
    %broadcast_in_dim3A_1 = vector.broadcast %broadcast_in_dim3A : f32 to vector<16xf32>
    %iota3A = tpu.iota {dimensions = array<i32: 0>} : vector<16xi32>
    %mul3A_2 = arith.constant 32 : i32
    %mul3A_3 = arith.muli %add3A, %mul3A_2 : i32
    %add3A_4 = arith.constant 0 : i32
    %add3A_5 = arith.addi %mul3A_3, %add3A_4 : i32
    %dma_start3A = arith.constant 0 : i32
    %dma_start3A_6 = arith.constant 0 : i32
    %dma_start3A_7 = tpu.memref_slice %arg7[%dma_start3A, %dma_start3A_6] : memref<2x16384xf32, #tpu.memory_space<vmem>> -> memref<1x16384xf32, #tpu.memory_space<vmem>>
    %dma_start3A_8 = tpu.memref_squeeze %dma_start3A_7 : memref<1x16384xf32, #tpu.memory_space<vmem>> -> memref<16384xf32, #tpu.memory_space<vmem>>
    %dma_start3A_9 = arith.constant 0 : i32
    %dma_start3A_10 = tpu.memref_slice %arg2[%add3A_5, %dma_start3A_9] : memref<1024x16384xf32, #tpu.memory_space<hbm>> -> memref<1x16384xf32, #tpu.memory_space<hbm>>
    %dma_start3A_11 = tpu.memref_squeeze %dma_start3A_10 : memref<1x16384xf32, #tpu.memory_space<hbm>> -> memref<16384xf32, #tpu.memory_space<hbm>>
    %dma_start3A_12 = arith.constant 0 : i32
    %dma_start3A_13 = tpu.memref_slice %arg7[%dma_start3A, %dma_start3A_12] : memref<2x16384xf32, #tpu.memory_space<vmem>> -> memref<1x16384xf32, #tpu.memory_space<vmem>>
    %dma_start3A_14 = tpu.memref_squeeze %dma_start3A_13 : memref<1x16384xf32, #tpu.memory_space<vmem>> -> memref<16384xf32, #tpu.memory_space<vmem>>
    %dma_start3A_15 = arith.constant 0 : i32
    %dma_start3A_16 = tpu.memref_slice %arg2[%add3A_5, %dma_start3A_15] : memref<1024x16384xf32, #tpu.memory_space<hbm>> -> memref<1x16384xf32, #tpu.memory_space<hbm>>
    %dma_start3A_17 = tpu.memref_squeeze %dma_start3A_16 : memref<1x16384xf32, #tpu.memory_space<hbm>> -> memref<16384xf32, #tpu.memory_space<hbm>>
    tpu.enqueue_dma source(%dma_start3A_17 : memref<16384xf32, #tpu.memory_space<hbm>>) target(%dma_start3A_14 : memref<16384xf32, #tpu.memory_space<vmem>>) target_semaphore(%arg14 : memref<!tpu.dma_semaphore, #tpu.memory_space<semaphore_mem>>)
    %broadcast_in_dim3A_18 = arith.constant 0.000000e+00 : f32
    %broadcast_in_dim3A_19 = vector.broadcast %broadcast_in_dim3A_18 : f32 to vector<16xf32>
    %scan3A = arith.constant 0 : i32
    %scan3A_20 = arith.constant 32 : i32
    %scan3A_21 = arith.addi %scan3A, %scan3A_20 : i32
    %scan3A_22 = arith.constant 1 : i32
    %scan3A_23 = scf.for %scan3A_102 = %scan3A to %scan3A_21 step %scan3A_22 iter_args(%scan3A_103 = %broadcast_in_dim3A_19) -> (vector<16xf32>)  : i32 {
      %mul3A_104 = arith.constant 1 : i32
      %mul3A_105 = arith.muli %scan3A_102, %mul3A_104 : i32
      %add3A_106 = arith.constant 0 : i32
      %add3A_107 = arith.addi %add3A_106, %mul3A_105 : i32
      %mul3A_108 = arith.constant 32 : i32
      %mul3A_109 = arith.muli %add3A, %mul3A_108 : i32
      %add3A_110 = arith.addi %mul3A_109, %add3A_107 : i32
      %rem3A = arith.constant 2 : i32
      %rem3A_111 = arith.remsi %add3A_107, %rem3A : i32
      %mul3A_112 = arith.constant 32 : i32
      %mul3A_113 = arith.muli %add3A, %mul3A_112 : i32
      %add3A_114 = arith.addi %mul3A_113, %add3A_107 : i32
      %dma_wait3A_115 = arith.constant 0 : i32
      %dma_wait3A_116 = tpu.memref_slice %arg7[%rem3A_111, %dma_wait3A_115] : memref<2x16384xf32, #tpu.memory_space<vmem>> -> memref<1x16384xf32, #tpu.memory_space<vmem>>
      %dma_wait3A_117 = tpu.memref_squeeze %dma_wait3A_116 : memref<1x16384xf32, #tpu.memory_space<vmem>> -> memref<16384xf32, #tpu.memory_space<vmem>>
      %dma_wait3A_118 = arith.constant 0 : i32
      %dma_wait3A_119 = tpu.memref_slice %arg2[%add3A_114, %dma_wait3A_118] : memref<1024x16384xf32, #tpu.memory_space<hbm>> -> memref<1x16384xf32, #tpu.memory_space<hbm>>
      %dma_wait3A_120 = tpu.memref_squeeze %dma_wait3A_119 : memref<1x16384xf32, #tpu.memory_space<hbm>> -> memref<16384xf32, #tpu.memory_space<hbm>>
      %dma_wait3A_121 = arith.constant 0 : i32
      %dma_wait3A_122 = tpu.memref_slice %arg7[%rem3A_111, %dma_wait3A_121] : memref<2x16384xf32, #tpu.memory_space<vmem>> -> memref<1x16384xf32, #tpu.memory_space<vmem>>
      %dma_wait3A_123 = tpu.memref_squeeze %dma_wait3A_122 : memref<1x16384xf32, #tpu.memory_space<vmem>> -> memref<16384xf32, #tpu.memory_space<vmem>>
      %dma_wait3A_124 = arith.constant 0 : i32
      %dma_wait3A_125 = tpu.memref_slice %arg2[%add3A_114, %dma_wait3A_124] : memref<1024x16384xf32, #tpu.memory_space<hbm>> -> memref<1x16384xf32, #tpu.memory_space<hbm>>
      %dma_wait3A_126 = tpu.memref_squeeze %dma_wait3A_125 : memref<1x16384xf32, #tpu.memory_space<hbm>> -> memref<16384xf32, #tpu.memory_space<hbm>>
      tpu.wait_dma2 semaphore(%arg14 : memref<!tpu.dma_semaphore, #tpu.memory_space<semaphore_mem>>) src(%dma_wait3A_126 : memref<16384xf32, #tpu.memory_space<hbm>>) dst(%dma_wait3A_123 : memref<16384xf32, #tpu.memory_space<vmem>>)
      %add3A_127 = arith.constant 1 : i32
      %add3A_128 = arith.addi %add3A_107, %add3A_127 : i32
      %min3A = arith.constant 31 : i32
      %min3A_129 = arith.minsi %add3A_128, %min3A : i32
      %sub3A = arith.constant 1 : i32
      %sub3A_130 = arith.subi %sub3A, %rem3A_111 : i32
      %mul3A_131 = arith.constant 32 : i32
      %mul3A_132 = arith.muli %add3A, %mul3A_131 : i32
      %add3A_133 = arith.addi %mul3A_132, %min3A_129 : i32
      %dma_start3A_134 = arith.constant 0 : i32
      %dma_start3A_135 = tpu.memref_slice %arg7[%sub3A_130, %dma_start3A_134] : memref<2x16384xf32, #tpu.memory_space<vmem>> -> memref<1x16384xf32, #tpu.memory_space<vmem>>
      %dma_start3A_136 = tpu.memref_squeeze %dma_start3A_135 : memref<1x16384xf32, #tpu.memory_space<vmem>> -> memref<16384xf32, #tpu.memory_space<vmem>>
      %dma_start3A_137 = arith.constant 0 : i32
      %dma_start3A_138 = tpu.memref_slice %arg2[%add3A_133, %dma_start3A_137] : memref<1024x16384xf32, #tpu.memory_space<hbm>> -> memref<1x16384xf32, #tpu.memory_space<hbm>>
      %dma_start3A_139 = tpu.memref_squeeze %dma_start3A_138 : memref<1x16384xf32, #tpu.memory_space<hbm>> -> memref<16384xf32, #tpu.memory_space<hbm>>
      %dma_start3A_140 = arith.constant 0 : i32
      %dma_start3A_141 = tpu.memref_slice %arg7[%sub3A_130, %dma_start3A_140] : memref<2x16384xf32, #tpu.memory_space<vmem>> -> memref<1x16384xf32, #tpu.memory_space<vmem>>
      %dma_start3A_142 = tpu.memref_squeeze %dma_start3A_141 : memref<1x16384xf32, #tpu.memory_space<vmem>> -> memref<16384xf32, #tpu.memory_space<vmem>>
      %dma_start3A_143 = arith.constant 0 : i32
      %dma_start3A_144 = tpu.memref_slice %arg2[%add3A_133, %dma_start3A_143] : memref<1024x16384xf32, #tpu.memory_space<hbm>> -> memref<1x16384xf32, #tpu.memory_space<hbm>>
      %dma_start3A_145 = tpu.memref_squeeze %dma_start3A_144 : memref<1x16384xf32, #tpu.memory_space<hbm>> -> memref<16384xf32, #tpu.memory_space<hbm>>
      tpu.enqueue_dma source(%dma_start3A_145 : memref<16384xf32, #tpu.memory_space<hbm>>) target(%dma_start3A_142 : memref<16384xf32, #tpu.memory_space<vmem>>) target_semaphore(%arg14 : memref<!tpu.dma_semaphore, #tpu.memory_space<semaphore_mem>>)
      %scan3A_146 = arith.constant 0 : i32
      %scan3A_147 = arith.constant 32 : i32
      %scan3A_148 = arith.addi %scan3A_146, %scan3A_147 : i32
      %scan3A_149 = arith.constant 1 : i32
      scf.for %scan3A_573 = %scan3A_146 to %scan3A_148 step %scan3A_149  : i32 {
        %mul3A_574 = arith.constant 1 : i32
        %mul3A_575 = arith.muli %scan3A_573, %mul3A_574 : i32
        %add3A_576 = arith.constant 0 : i32
        %add3A_577 = arith.addi %add3A_576, %mul3A_575 : i32
        %mul3A_578 = arith.constant 16 : i32
        %mul3A_579 = arith.muli %add3A_577, %mul3A_578 : i32
        %swap3A_580 = arith.index_cast %mul3A_579 : i32 to index
        %swap3A_581 = tpu.vector_load %arg8[%swap3A_580] {strides = array<i32>} : memref<512xf32, #tpu.memory_space<vmem>>, vector<16xf32>,
        tpu.vector_store %arg8[%swap3A_580], %broadcast_in_dim3A_1 {strides = array<i32>} : memref<512xf32, #tpu.memory_space<vmem>>, vector<16xf32>,
      }
      %scan3A_150 = arith.constant 32 : i32
      %broadcast_in_dim3A_151 = arith.constant 0 : i32
      %broadcast_in_dim3A_152 = vector.broadcast %broadcast_in_dim3A_151 : i32 to vector<16xi32>
      %scan3A_153 = arith.constant 0 : i32
      %scan3A_154 = arith.constant 128 : i32
      %scan3A_155 = arith.addi %scan3A_153, %scan3A_154 : i32
      %scan3A_156 = arith.constant 1 : i32
      %scan3A_157:2 = scf.for %scan3A_573 = %scan3A_153 to %scan3A_155 step %scan3A_156 iter_args(%scan3A_574 = %broadcast_in_dim3A_152, %scan3A_575 = %broadcast_in_dim3A_1) -> (vector<16xi32>, vector<16xf32>)  : i32 {
        %mul3A_576 = arith.constant 1 : i32
        %mul3A_577 = arith.muli %scan3A_573, %mul3A_576 : i32
        %add3A_578 = arith.constant 0 : i32
        %add3A_579 = arith.addi %add3A_578, %mul3A_577 : i32
        %mul3A_580 = arith.constant 128 : i32
        %mul3A_581 = arith.muli %add3A_579, %mul3A_580 : i32
        %add3A_582 = arith.constant 0 : i32
        %add3A_583 = arith.addi %mul3A_581, %add3A_582 : i32
        %get3A_584 = arith.index_cast %rem3A_111 : i32 to index
        %get3A_585 = arith.index_cast %add3A_583 : i32 to index
        %get3A_586 = tpu.vector_load %arg7[%get3A_584, %get3A_585] {strides = array<i32>} : memref<2x16384xf32, #tpu.memory_space<vmem>>, vector<16xf32>,
        %add3A_587 = arith.constant 16 : i32
        %add3A_588 = arith.addi %mul3A_581, %add3A_587 : i32
        %get3A_589 = arith.index_cast %rem3A_111 : i32 to index
        %get3A_590 = arith.index_cast %add3A_588 : i32 to index
        %get3A_591 = tpu.vector_load %arg7[%get3A_589, %get3A_590] {strides = array<i32>} : memref<2x16384xf32, #tpu.memory_space<vmem>>, vector<16xf32>,
        %add3A_592 = arith.constant 32 : i32
        %add3A_593 = arith.addi %mul3A_581, %add3A_592 : i32
        %get3A_594 = arith.index_cast %rem3A_111 : i32 to index
        %get3A_595 = arith.index_cast %add3A_593 : i32 to index
        %get3A_596 = tpu.vector_load %arg7[%get3A_594, %get3A_595] {strides = array<i32>} : memref<2x16384xf32, #tpu.memory_space<vmem>>, vector<16xf32>,
        %add3A_597 = arith.constant 48 : i32
        %add3A_598 = arith.addi %mul3A_581, %add3A_597 : i32
        %get3A_599 = arith.index_cast %rem3A_111 : i32 to index
        %get3A_600 = arith.index_cast %add3A_598 : i32 to index
        %get3A_601 = tpu.vector_load %arg7[%get3A_599, %get3A_600] {strides = array<i32>} : memref<2x16384xf32, #tpu.memory_space<vmem>>, vector<16xf32>,
        %add3A_602 = arith.constant 64 : i32
        %add3A_603 = arith.addi %mul3A_581, %add3A_602 : i32
        %get3A_604 = arith.index_cast %rem3A_111 : i32 to index
        %get3A_605 = arith.index_cast %add3A_603 : i32 to index
        %get3A_606 = tpu.vector_load %arg7[%get3A_604, %get3A_605] {strides = array<i32>} : memref<2x16384xf32, #tpu.memory_space<vmem>>, vector<16xf32>,
        %add3A_607 = arith.constant 80 : i32
        %add3A_608 = arith.addi %mul3A_581, %add3A_607 : i32
        %get3A_609 = arith.index_cast %rem3A_111 : i32 to index
        %get3A_610 = arith.index_cast %add3A_608 : i32 to index
        %get3A_611 = tpu.vector_load %arg7[%get3A_609, %get3A_610] {strides = array<i32>} : memref<2x16384xf32, #tpu.memory_space<vmem>>, vector<16xf32>,
        %add3A_612 = arith.constant 96 : i32
        %add3A_613 = arith.addi %mul3A_581, %add3A_612 : i32
        %get3A_614 = arith.index_cast %rem3A_111 : i32 to index
        %get3A_615 = arith.index_cast %add3A_613 : i32 to index
        %get3A_616 = tpu.vector_load %arg7[%get3A_614, %get3A_615] {strides = array<i32>} : memref<2x16384xf32, #tpu.memory_space<vmem>>, vector<16xf32>,
        %add3A_617 = arith.constant 112 : i32
        %add3A_618 = arith.addi %mul3A_581, %add3A_617 : i32
        %get3A_619 = arith.index_cast %rem3A_111 : i32 to index
        %get3A_620 = arith.index_cast %add3A_618 : i32 to index
        %get3A_621 = tpu.vector_load %arg7[%get3A_619, %get3A_620] {strides = array<i32>} : memref<2x16384xf32, #tpu.memory_space<vmem>>, vector<16xf32>,
        %le3A_622 = arith.cmpf ole, %get3A_586, %scan3A_575 : vector<16xf32>
        %le3A_623 = arith.cmpf ole, %get3A_591, %scan3A_575 : vector<16xf32>
        %or3A = arith.ori %le3A_622, %le3A_623 : vector<16xi1>
        %le3A_624 = arith.cmpf ole, %get3A_596, %scan3A_575 : vector<16xf32>
        %or3A_625 = arith.ori %or3A, %le3A_624 : vector<16xi1>
        %le3A_626 = arith.cmpf ole, %get3A_601, %scan3A_575 : vector<16xf32>
        %or3A_627 = arith.ori %or3A_625, %le3A_626 : vector<16xi1>
        %le3A_628 = arith.cmpf ole, %get3A_606, %scan3A_575 : vector<16xf32>
        %or3A_629 = arith.ori %or3A_627, %le3A_628 : vector<16xi1>
        %le3A_630 = arith.cmpf ole, %get3A_611, %scan3A_575 : vector<16xf32>
        %or3A_631 = arith.ori %or3A_629, %le3A_630 : vector<16xi1>
        %le3A_632 = arith.cmpf ole, %get3A_616, %scan3A_575 : vector<16xf32>
        %or3A_633 = arith.ori %or3A_631, %le3A_632 : vector<16xi1>
        %le3A_634 = arith.cmpf ole, %get3A_621, %scan3A_575 : vector<16xf32>
        %or3A_635 = arith.ori %or3A_633, %le3A_634 : vector<16xi1>
        %reduce_or3A = arith.constant 1.000000e+00 : f32
        %reduce_or3A_636 = arith.constant 0.000000e+00 : f32
        %reduce_or3A_637 = vector.broadcast %reduce_or3A : f32 to vector<16xf32>
        %reduce_or3A_638 = vector.broadcast %reduce_or3A_636 : f32 to vector<16xf32>
        %reduce_or3A_639 = arith.select %or3A_635, %reduce_or3A_637, %reduce_or3A_638 : vector<16xi1>, vector<16xf32>
        %reduce_or3A_640 = arith.constant true
        %reduce_or3A_641 = vector.broadcast %reduce_or3A_640 : i1 to vector<16xi1>
        %reduce_or3A_642 = tpu.scan <max>, %reduce_or3A_639 masked %reduce_or3A_641 : vector<16xf32>, vector<16xi1> -> vector<16xf32>
        %reduce_or3A_643 = vector.extract %reduce_or3A_642[15] : f32 from vector<16xf32>
        %reduce_or3A_644 = arith.constant 0.000000e+00 : f32
        %reduce_or3A_645 = arith.cmpf ogt, %reduce_or3A_643, %reduce_or3A_644 : f32
        %convert_element_type3A_646 = arith.extui %reduce_or3A_645 : i1 to i32
        %cond3A_647 = arith.constant 0 : i32
        %cond3A_648 = arith.cmpi ne, %convert_element_type3A_646, %cond3A_647 : i32
        %cond3A_649:2 = scf.if %cond3A_648 -> (vector<16xi32>, vector<16xf32>) {
          %ge3A_650 = arith.constant 384 : i32
          %ge3A_651 = vector.broadcast %ge3A_650 : i32 to vector<16xi32>
          %ge3A_652 = arith.cmpi sge, %scan3A_574, %ge3A_651 : vector<16xi32>
          %reduce_or3A_653 = arith.constant 1.000000e+00 : f32
          %reduce_or3A_654 = arith.constant 0.000000e+00 : f32
          %reduce_or3A_655 = vector.broadcast %reduce_or3A_653 : f32 to vector<16xf32>
          %reduce_or3A_656 = vector.broadcast %reduce_or3A_654 : f32 to vector<16xf32>
          %reduce_or3A_657 = arith.select %ge3A_652, %reduce_or3A_655, %reduce_or3A_656 : vector<16xi1>, vector<16xf32>
          %reduce_or3A_658 = arith.constant true
          %reduce_or3A_659 = vector.broadcast %reduce_or3A_658 : i1 to vector<16xi1>
          %reduce_or3A_660 = tpu.scan <max>, %reduce_or3A_657 masked %reduce_or3A_659 : vector<16xf32>, vector<16xi1> -> vector<16xf32>
          %reduce_or3A_661 = vector.extract %reduce_or3A_660[15] : f32 from vector<16xf32>
          %reduce_or3A_662 = arith.constant 0.000000e+00 : f32
          %reduce_or3A_663 = arith.cmpf ogt, %reduce_or3A_661, %reduce_or3A_662 : f32
          %convert_element_type3A_664 = arith.extui %reduce_or3A_663 : i1 to i32
          %cond3A_665 = arith.constant 0 : i32
          %cond3A_666 = arith.cmpi ne, %convert_element_type3A_664, %cond3A_665 : i32
          %cond3A_667:2 = scf.if %cond3A_666 -> (vector<16xi32>, vector<16xf32>) {
            %broadcast_in_dim3A_817 = arith.constant 0 : i32
            %broadcast_in_dim3A_818 = vector.broadcast %broadcast_in_dim3A_817 : i32 to vector<16xi32>
            %broadcast_in_dim3A_819 = arith.constant 2139095040 : i32
            %broadcast_in_dim3A_820 = vector.broadcast %broadcast_in_dim3A_819 : i32 to vector<16xi32>
            %scan3A_821 = arith.constant 0 : i32
            %scan3A_822 = arith.constant 31 : i32
            %scan3A_823 = arith.addi %scan3A_821, %scan3A_822 : i32
            %scan3A_824 = arith.constant 1 : i32
            %scan3A_825:2 = scf.for %scan3A_856 = %scan3A_821 to %scan3A_823 step %scan3A_824 iter_args(%scan3A_857 = %broadcast_in_dim3A_818, %scan3A_858 = %broadcast_in_dim3A_820) -> (vector<16xi32>, vector<16xi32>)  : i32 {
              %mul3A_859 = arith.constant 1 : i32
              %mul3A_860 = arith.muli %scan3A_856, %mul3A_859 : i32
              %add3A_861 = arith.constant 0 : i32
              %add3A_862 = arith.addi %add3A_861, %mul3A_860 : i32
              %sub3A_863 = arith.subi %scan3A_858, %scan3A_857 : vector<16xi32>
              %shift_right_logical3A = arith.constant 1 : i32
              %shift_right_logical3A_864 = vector.broadcast %shift_right_logical3A : i32 to vector<16xi32>
              %shift_right_logical3A_865 = arith.shrui %sub3A_863, %shift_right_logical3A_864 : vector<16xi32>
              %add3A_866 = arith.addi %scan3A_857, %shift_right_logical3A_865 : vector<16xi32>
              %bitcast_convert_type3A_867 = tpu.bitcast %add3A_866 : vector<16xi32> -> vector<16xf32>
              %broadcast_in_dim3A_868 = arith.constant 0 : i32
              %broadcast_in_dim3A_869 = vector.broadcast %broadcast_in_dim3A_868 : i32 to vector<16xi32>
              %scan3A_870 = arith.constant 0 : i32
              %scan3A_871 = arith.constant 32 : i32
              %scan3A_872 = arith.addi %scan3A_870, %scan3A_871 : i32
              %scan3A_873 = arith.constant 8 : i32
              %scan3A_874 = scf.for %scan3A_884 = %scan3A_870 to %scan3A_872 step %scan3A_873 iter_args(%scan3A_885 = %broadcast_in_dim3A_869) -> (vector<16xi32>)  : i32 {
                %mul3A_886 = arith.constant 1 : i32
                %mul3A_887 = arith.muli %scan3A_884, %mul3A_886 : i32
                %add3A_888 = arith.constant 0 : i32
                %add3A_889 = arith.addi %add3A_888, %mul3A_887 : i32
                %mul3A_890 = arith.constant 16 : i32
                %mul3A_891 = arith.muli %add3A_889, %mul3A_890 : i32
                %get3A_892 = arith.index_cast %mul3A_891 : i32 to index
                %get3A_893 = tpu.vector_load %arg8[%get3A_892] {strides = array<i32>} : memref<512xf32, #tpu.memory_space<vmem>>, vector<16xf32>,
                %le3A_894 = arith.cmpf ole, %get3A_893, %bitcast_convert_type3A_867 : vector<16xf32>
                %all_reduce_population_count3A_895 = tpu.all_reduce %le3A_894 {dim = 0 : i64, kind = #tpu.reduction_kind<sum>} : vector<16xi1> -> vector<16xi32>
                %add3A_896 = arith.addi %scan3A_885, %all_reduce_population_count3A_895 : vector<16xi32>
                %scan3A_897 = arith.constant 1 : i32
                %scan3A_898 = arith.addi %scan3A_884, %scan3A_897 : i32
                %mul3A_899 = arith.constant 1 : i32
                %mul3A_900 = arith.muli %scan3A_898, %mul3A_899 : i32
                %add3A_901 = arith.constant 0 : i32
                %add3A_902 = arith.addi %add3A_901, %mul3A_900 : i32
                %mul3A_903 = arith.constant 16 : i32
                %mul3A_904 = arith.muli %add3A_902, %mul3A_903 : i32
                %get3A_905 = arith.index_cast %mul3A_904 : i32 to index
                %get3A_906 = tpu.vector_load %arg8[%get3A_905] {strides = array<i32>} : memref<512xf32, #tpu.memory_space<vmem>>, vector<16xf32>,
                %le3A_907 = arith.cmpf ole, %get3A_906, %bitcast_convert_type3A_867 : vector<16xf32>
                %all_reduce_population_count3A_908 = tpu.all_reduce %le3A_907 {dim = 0 : i64, kind = #tpu.reduction_kind<sum>} : vector<16xi1> -> vector<16xi32>
                %add3A_909 = arith.addi %add3A_896, %all_reduce_population_count3A_908 : vector<16xi32>
                %scan3A_910 = arith.constant 2 : i32
                %scan3A_911 = arith.addi %scan3A_884, %scan3A_910 : i32
                %mul3A_912 = arith.constant 1 : i32
                %mul3A_913 = arith.muli %scan3A_911, %mul3A_912 : i32
                %add3A_914 = arith.constant 0 : i32
                %add3A_915 = arith.addi %add3A_914, %mul3A_913 : i32
                %mul3A_916 = arith.constant 16 : i32
                %mul3A_917 = arith.muli %add3A_915, %mul3A_916 : i32
                %get3A_918 = arith.index_cast %mul3A_917 : i32 to index
                %get3A_919 = tpu.vector_load %arg8[%get3A_918] {strides = array<i32>} : memref<512xf32, #tpu.memory_space<vmem>>, vector<16xf32>,
                %le3A_920 = arith.cmpf ole, %get3A_919, %bitcast_convert_type3A_867 : vector<16xf32>
                %all_reduce_population_count3A_921 = tpu.all_reduce %le3A_920 {dim = 0 : i64, kind = #tpu.reduction_kind<sum>} : vector<16xi1> -> vector<16xi32>
                %add3A_922 = arith.addi %add3A_909, %all_reduce_population_count3A_921 : vector<16xi32>
                %scan3A_923 = arith.constant 3 : i32
                %scan3A_924 = arith.addi %scan3A_884, %scan3A_923 : i32
                %mul3A_925 = arith.constant 1 : i32
                %mul3A_926 = arith.muli %scan3A_924, %mul3A_925 : i32
                %add3A_927 = arith.constant 0 : i32
                %add3A_928 = arith.addi %add3A_927, %mul3A_926 : i32
                %mul3A_929 = arith.constant 16 : i32
                %mul3A_930 = arith.muli %add3A_928, %mul3A_929 : i32
                %get3A_931 = arith.index_cast %mul3A_930 : i32 to index
                %get3A_932 = tpu.vector_load %arg8[%get3A_931] {strides = array<i32>} : memref<512xf32, #tpu.memory_space<vmem>>, vector<16xf32>,
                %le3A_933 = arith.cmpf ole, %get3A_932, %bitcast_convert_type3A_867 : vector<16xf32>
                %all_reduce_population_count3A_934 = tpu.all_reduce %le3A_933 {dim = 0 : i64, kind = #tpu.reduction_kind<sum>} : vector<16xi1> -> vector<16xi32>
                %add3A_935 = arith.addi %add3A_922, %all_reduce_population_count3A_934 : vector<16xi32>
                %scan3A_936 = arith.constant 4 : i32
                %scan3A_937 = arith.addi %scan3A_884, %scan3A_936 : i32
                %mul3A_938 = arith.constant 1 : i32
                %mul3A_939 = arith.muli %scan3A_937, %mul3A_938 : i32
                %add3A_940 = arith.constant 0 : i32
                %add3A_941 = arith.addi %add3A_940, %mul3A_939 : i32
                %mul3A_942 = arith.constant 16 : i32
                %mul3A_943 = arith.muli %add3A_941, %mul3A_942 : i32
                %get3A_944 = arith.index_cast %mul3A_943 : i32 to index
                %get3A_945 = tpu.vector_load %arg8[%get3A_944] {strides = array<i32>} : memref<512xf32, #tpu.memory_space<vmem>>, vector<16xf32>,
                %le3A_946 = arith.cmpf ole, %get3A_945, %bitcast_convert_type3A_867 : vector<16xf32>
                %all_reduce_population_count3A_947 = tpu.all_reduce %le3A_946 {dim = 0 : i64, kind = #tpu.reduction_kind<sum>} : vector<16xi1> -> vector<16xi32>
                %add3A_948 = arith.addi %add3A_935, %all_reduce_population_count3A_947 : vector<16xi32>
                %scan3A_949 = arith.constant 5 : i32
                %scan3A_950 = arith.addi %scan3A_884, %scan3A_949 : i32
                %mul3A_951 = arith.constant 1 : i32
                %mul3A_952 = arith.muli %scan3A_950, %mul3A_951 : i32
                %add3A_953 = arith.constant 0 : i32
                %add3A_954 = arith.addi %add3A_953, %mul3A_952 : i32
                %mul3A_955 = arith.constant 16 : i32
                %mul3A_956 = arith.muli %add3A_954, %mul3A_955 : i32
                %get3A_957 = arith.index_cast %mul3A_956 : i32 to index
                %get3A_958 = tpu.vector_load %arg8[%get3A_957] {strides = array<i32>} : memref<512xf32, #tpu.memory_space<vmem>>, vector<16xf32>,
                %le3A_959 = arith.cmpf ole, %get3A_958, %bitcast_convert_type3A_867 : vector<16xf32>
                %all_reduce_population_count3A_960 = tpu.all_reduce %le3A_959 {dim = 0 : i64, kind = #tpu.reduction_kind<sum>} : vector<16xi1> -> vector<16xi32>
                %add3A_961 = arith.addi %add3A_948, %all_reduce_population_count3A_960 : vector<16xi32>
                %scan3A_962 = arith.constant 6 : i32
                %scan3A_963 = arith.addi %scan3A_884, %scan3A_962 : i32
                %mul3A_964 = arith.constant 1 : i32
                %mul3A_965 = arith.muli %scan3A_963, %mul3A_964 : i32
                %add3A_966 = arith.constant 0 : i32
                %add3A_967 = arith.addi %add3A_966, %mul3A_965 : i32
                %mul3A_968 = arith.constant 16 : i32
                %mul3A_969 = arith.muli %add3A_967, %mul3A_968 : i32
                %get3A_970 = arith.index_cast %mul3A_969 : i32 to index
                %get3A_971 = tpu.vector_load %arg8[%get3A_970] {strides = array<i32>} : memref<512xf32, #tpu.memory_space<vmem>>, vector<16xf32>,
                %le3A_972 = arith.cmpf ole, %get3A_971, %bitcast_convert_type3A_867 : vector<16xf32>
                %all_reduce_population_count3A_973 = tpu.all_reduce %le3A_972 {dim = 0 : i64, kind = #tpu.reduction_kind<sum>} : vector<16xi1> -> vector<16xi32>
                %add3A_974 = arith.addi %add3A_961, %all_reduce_population_count3A_973 : vector<16xi32>
                %scan3A_975 = arith.constant 7 : i32
                %scan3A_976 = arith.addi %scan3A_884, %scan3A_975 : i32
                %mul3A_977 = arith.constant 1 : i32
                %mul3A_978 = arith.muli %scan3A_976, %mul3A_977 : i32
                %add3A_979 = arith.constant 0 : i32
                %add3A_980 = arith.addi %add3A_979, %mul3A_978 : i32
                %mul3A_981 = arith.constant 16 : i32
                %mul3A_982 = arith.muli %add3A_980, %mul3A_981 : i32
                %get3A_983 = arith.index_cast %mul3A_982 : i32 to index
                %get3A_984 = tpu.vector_load %arg8[%get3A_983] {strides = array<i32>} : memref<512xf32, #tpu.memory_space<vmem>>, vector<16xf32>,
                %le3A_985 = arith.cmpf ole, %get3A_984, %bitcast_convert_type3A_867 : vector<16xf32>
                %all_reduce_population_count3A_986 = tpu.all_reduce %le3A_985 {dim = 0 : i64, kind = #tpu.reduction_kind<sum>} : vector<16xi1> -> vector<16xi32>
                %add3A_987 = arith.addi %add3A_974, %all_reduce_population_count3A_986 : vector<16xi32>
                scf.yield %add3A_987 : vector<16xi32>
              }
              %scan3A_875 = arith.constant 32 : i32
              %ge3A_876 = arith.constant 64 : i32
              %ge3A_877 = vector.broadcast %ge3A_876 : i32 to vector<16xi32>
              %ge3A_878 = arith.cmpi sge, %scan3A_874, %ge3A_877 : vector<16xi32>
              %add3A_879 = arith.constant 1 : i32
              %add3A_880 = vector.broadcast %add3A_879 : i32 to vector<16xi32>
              %add3A_881 = arith.addi %add3A_866, %add3A_880 : vector<16xi32>
              %select_n3A_882 = arith.select %ge3A_878, %scan3A_857, %add3A_881 : vector<16xi1>, vector<16xi32>
              %select_n3A_883 = arith.select %ge3A_878, %add3A_866, %scan3A_858 : vector<16xi1>, vector<16xi32>
              scf.yield %select_n3A_882, %select_n3A_883 : vector<16xi32>, vector<16xi32>
            }
            %scan3A_826 = arith.constant 31 : i32
            %bitcast_convert_type3A_827 = tpu.bitcast %scan3A_825#0 : vector<16xi32> -> vector<16xf32>
            %broadcast_in_dim3A_828 = arith.constant 0 : i32
            %broadcast_in_dim3A_829 = vector.broadcast %broadcast_in_dim3A_828 : i32 to vector<16xi32>
            %scan3A_830 = arith.constant 0 : i32
            %scan3A_831 = arith.constant 32 : i32
            %scan3A_832 = arith.addi %scan3A_830, %scan3A_831 : i32
            %scan3A_833 = arith.constant 8 : i32
            %scan3A_834 = scf.for %scan3A_856 = %scan3A_830 to %scan3A_832 step %scan3A_833 iter_args(%scan3A_857 = %broadcast_in_dim3A_829) -> (vector<16xi32>)  : i32 {
              %mul3A_858 = arith.constant 1 : i32
              %mul3A_859 = arith.muli %scan3A_856, %mul3A_858 : i32
              %add3A_860 = arith.constant 0 : i32
              %add3A_861 = arith.addi %add3A_860, %mul3A_859 : i32
              %mul3A_862 = arith.constant 16 : i32
              %mul3A_863 = arith.muli %add3A_861, %mul3A_862 : i32
              %get3A_864 = arith.index_cast %mul3A_863 : i32 to index
              %get3A_865 = tpu.vector_load %arg8[%get3A_864] {strides = array<i32>} : memref<512xf32, #tpu.memory_space<vmem>>, vector<16xf32>,
              %lt3A = arith.cmpf olt, %get3A_865, %bitcast_convert_type3A_827 : vector<16xf32>
              %all_reduce_population_count3A_866 = tpu.all_reduce %lt3A {dim = 0 : i64, kind = #tpu.reduction_kind<sum>} : vector<16xi1> -> vector<16xi32>
              %add3A_867 = arith.addi %scan3A_857, %all_reduce_population_count3A_866 : vector<16xi32>
              %scan3A_868 = arith.constant 1 : i32
              %scan3A_869 = arith.addi %scan3A_856, %scan3A_868 : i32
              %mul3A_870 = arith.constant 1 : i32
              %mul3A_871 = arith.muli %scan3A_869, %mul3A_870 : i32
              %add3A_872 = arith.constant 0 : i32
              %add3A_873 = arith.addi %add3A_872, %mul3A_871 : i32
              %mul3A_874 = arith.constant 16 : i32
              %mul3A_875 = arith.muli %add3A_873, %mul3A_874 : i32
              %get3A_876 = arith.index_cast %mul3A_875 : i32 to index
              %get3A_877 = tpu.vector_load %arg8[%get3A_876] {strides = array<i32>} : memref<512xf32, #tpu.memory_space<vmem>>, vector<16xf32>,
              %lt3A_878 = arith.cmpf olt, %get3A_877, %bitcast_convert_type3A_827 : vector<16xf32>
              %all_reduce_population_count3A_879 = tpu.all_reduce %lt3A_878 {dim = 0 : i64, kind = #tpu.reduction_kind<sum>} : vector<16xi1> -> vector<16xi32>
              %add3A_880 = arith.addi %add3A_867, %all_reduce_population_count3A_879 : vector<16xi32>
              %scan3A_881 = arith.constant 2 : i32
              %scan3A_882 = arith.addi %scan3A_856, %scan3A_881 : i32
              %mul3A_883 = arith.constant 1 : i32
              %mul3A_884 = arith.muli %scan3A_882, %mul3A_883 : i32
              %add3A_885 = arith.constant 0 : i32
              %add3A_886 = arith.addi %add3A_885, %mul3A_884 : i32
              %mul3A_887 = arith.constant 16 : i32
              %mul3A_888 = arith.muli %add3A_886, %mul3A_887 : i32
              %get3A_889 = arith.index_cast %mul3A_888 : i32 to index
              %get3A_890 = tpu.vector_load %arg8[%get3A_889] {strides = array<i32>} : memref<512xf32, #tpu.memory_space<vmem>>, vector<16xf32>,
              %lt3A_891 = arith.cmpf olt, %get3A_890, %bitcast_convert_type3A_827 : vector<16xf32>
              %all_reduce_population_count3A_892 = tpu.all_reduce %lt3A_891 {dim = 0 : i64, kind = #tpu.reduction_kind<sum>} : vector<16xi1> -> vector<16xi32>
              %add3A_893 = arith.addi %add3A_880, %all_reduce_population_count3A_892 : vector<16xi32>
              %scan3A_894 = arith.constant 3 : i32
              %scan3A_895 = arith.addi %scan3A_856, %scan3A_894 : i32
              %mul3A_896 = arith.constant 1 : i32
              %mul3A_897 = arith.muli %scan3A_895, %mul3A_896 : i32
              %add3A_898 = arith.constant 0 : i32
              %add3A_899 = arith.addi %add3A_898, %mul3A_897 : i32
              %mul3A_900 = arith.constant 16 : i32
              %mul3A_901 = arith.muli %add3A_899, %mul3A_900 : i32
              %get3A_902 = arith.index_cast %mul3A_901 : i32 to index
              %get3A_903 = tpu.vector_load %arg8[%get3A_902] {strides = array<i32>} : memref<512xf32, #tpu.memory_space<vmem>>, vector<16xf32>,
              %lt3A_904 = arith.cmpf olt, %get3A_903, %bitcast_convert_type3A_827 : vector<16xf32>
              %all_reduce_population_count3A_905 = tpu.all_reduce %lt3A_904 {dim = 0 : i64, kind = #tpu.reduction_kind<sum>} : vector<16xi1> -> vector<16xi32>
              %add3A_906 = arith.addi %add3A_893, %all_reduce_population_count3A_905 : vector<16xi32>
              %scan3A_907 = arith.constant 4 : i32
              %scan3A_908 = arith.addi %scan3A_856, %scan3A_907 : i32
              %mul3A_909 = arith.constant 1 : i32
              %mul3A_910 = arith.muli %scan3A_908, %mul3A_909 : i32
              %add3A_911 = arith.constant 0 : i32
              %add3A_912 = arith.addi %add3A_911, %mul3A_910 : i32
              %mul3A_913 = arith.constant 16 : i32
              %mul3A_914 = arith.muli %add3A_912, %mul3A_913 : i32
              %get3A_915 = arith.index_cast %mul3A_914 : i32 to index
              %get3A_916 = tpu.vector_load %arg8[%get3A_915] {strides = array<i32>} : memref<512xf32, #tpu.memory_space<vmem>>, vector<16xf32>,
              %lt3A_917 = arith.cmpf olt, %get3A_916, %bitcast_convert_type3A_827 : vector<16xf32>
              %all_reduce_population_count3A_918 = tpu.all_reduce %lt3A_917 {dim = 0 : i64, kind = #tpu.reduction_kind<sum>} : vector<16xi1> -> vector<16xi32>
              %add3A_919 = arith.addi %add3A_906, %all_reduce_population_count3A_918 : vector<16xi32>
              %scan3A_920 = arith.constant 5 : i32
              %scan3A_921 = arith.addi %scan3A_856, %scan3A_920 : i32
              %mul3A_922 = arith.constant 1 : i32
              %mul3A_923 = arith.muli %scan3A_921, %mul3A_922 : i32
              %add3A_924 = arith.constant 0 : i32
              %add3A_925 = arith.addi %add3A_924, %mul3A_923 : i32
              %mul3A_926 = arith.constant 16 : i32
              %mul3A_927 = arith.muli %add3A_925, %mul3A_926 : i32
              %get3A_928 = arith.index_cast %mul3A_927 : i32 to index
              %get3A_929 = tpu.vector_load %arg8[%get3A_928] {strides = array<i32>} : memref<512xf32, #tpu.memory_space<vmem>>, vector<16xf32>,
              %lt3A_930 = arith.cmpf olt, %get3A_929, %bitcast_convert_type3A_827 : vector<16xf32>
              %all_reduce_population_count3A_931 = tpu.all_reduce %lt3A_930 {dim = 0 : i64, kind = #tpu.reduction_kind<sum>} : vector<16xi1> -> vector<16xi32>
              %add3A_932 = arith.addi %add3A_919, %all_reduce_population_count3A_931 : vector<16xi32>
              %scan3A_933 = arith.constant 6 : i32
              %scan3A_934 = arith.addi %scan3A_856, %scan3A_933 : i32
              %mul3A_935 = arith.constant 1 : i32
              %mul3A_936 = arith.muli %scan3A_934, %mul3A_935 : i32
              %add3A_937 = arith.constant 0 : i32
              %add3A_938 = arith.addi %add3A_937, %mul3A_936 : i32
              %mul3A_939 = arith.constant 16 : i32
              %mul3A_940 = arith.muli %add3A_938, %mul3A_939 : i32
              %get3A_941 = arith.index_cast %mul3A_940 : i32 to index
              %get3A_942 = tpu.vector_load %arg8[%get3A_941] {strides = array<i32>} : memref<512xf32, #tpu.memory_space<vmem>>, vector<16xf32>,
              %lt3A_943 = arith.cmpf olt, %get3A_942, %bitcast_convert_type3A_827 : vector<16xf32>
              %all_reduce_population_count3A_944 = tpu.all_reduce %lt3A_943 {dim = 0 : i64, kind = #tpu.reduction_kind<sum>} : vector<16xi1> -> vector<16xi32>
              %add3A_945 = arith.addi %add3A_932, %all_reduce_population_count3A_944 : vector<16xi32>
              %scan3A_946 = arith.constant 7 : i32
              %scan3A_947 = arith.addi %scan3A_856, %scan3A_946 : i32
              %mul3A_948 = arith.constant 1 : i32
              %mul3A_949 = arith.muli %scan3A_947, %mul3A_948 : i32
              %add3A_950 = arith.constant 0 : i32
              %add3A_951 = arith.addi %add3A_950, %mul3A_949 : i32
              %mul3A_952 = arith.constant 16 : i32
              %mul3A_953 = arith.muli %add3A_951, %mul3A_952 : i32
              %get3A_954 = arith.index_cast %mul3A_953 : i32 to index
              %get3A_955 = tpu.vector_load %arg8[%get3A_954] {strides = array<i32>} : memref<512xf32, #tpu.memory_space<vmem>>, vector<16xf32>,
              %lt3A_956 = arith.cmpf olt, %get3A_955, %bitcast_convert_type3A_827 : vector<16xf32>
              %all_reduce_population_count3A_957 = tpu.all_reduce %lt3A_956 {dim = 0 : i64, kind = #tpu.reduction_kind<sum>} : vector<16xi1> -> vector<16xi32>
              %add3A_958 = arith.addi %add3A_945, %all_reduce_population_count3A_957 : vector<16xi32>
              scf.yield %add3A_958 : vector<16xi32>
            }
            %scan3A_835 = arith.constant 32 : i32
            %sub3A_836 = arith.constant 64 : i32
            %sub3A_837 = vector.broadcast %sub3A_836 : i32 to vector<16xi32>
            %sub3A_838 = arith.subi %sub3A_837, %scan3A_834 : vector<16xi32>
            %broadcast_in_dim3A_839 = arith.constant 0 : i32
            %broadcast_in_dim3A_840 = vector.broadcast %broadcast_in_dim3A_839 : i32 to vector<16xi32>
            %broadcast_in_dim3A_841 = arith.constant 0 : i32
            %broadcast_in_dim3A_842 = vector.broadcast %broadcast_in_dim3A_841 : i32 to vector<16xi32>
            %scan3A_843 = arith.constant 0 : i32
            %scan3A_844 = arith.constant 32 : i32
            %scan3A_845 = arith.addi %scan3A_843, %scan3A_844 : i32
            %scan3A_846 = arith.constant 4 : i32
            %scan3A_847:2 = scf.for %scan3A_856 = %scan3A_843 to %scan3A_845 step %scan3A_846 iter_args(%scan3A_857 = %broadcast_in_dim3A_840, %scan3A_858 = %broadcast_in_dim3A_842) -> (vector<16xi32>, vector<16xi32>)  : i32 {
              %mul3A_859 = arith.constant 1 : i32
              %mul3A_860 = arith.muli %scan3A_856, %mul3A_859 : i32
              %add3A_861 = arith.constant 0 : i32
              %add3A_862 = arith.addi %add3A_861, %mul3A_860 : i32
              %mul3A_863 = arith.constant 16 : i32
              %mul3A_864 = arith.muli %add3A_862, %mul3A_863 : i32
              %get3A_865 = arith.index_cast %mul3A_864 : i32 to index
              %get3A_866 = tpu.vector_load %arg8[%get3A_865] {strides = array<i32>} : memref<512xf32, #tpu.memory_space<vmem>>, vector<16xf32>,
              %mul3A_867 = arith.constant 16 : i32
              %mul3A_868 = arith.muli %add3A_862, %mul3A_867 : i32
              %get3A_869 = arith.index_cast %mul3A_868 : i32 to index
              %get3A_870 = tpu.vector_load %arg9[%get3A_869] {strides = array<i32>} : memref<512xi32, #tpu.memory_space<vmem>>, vector<16xi32>,
              %lt3A = arith.cmpf olt, %get3A_866, %bitcast_convert_type3A_827 : vector<16xf32>
              %eq3A = arith.cmpf oeq, %get3A_866, %bitcast_convert_type3A_827 : vector<16xf32>
              %jit3A_871 = arith.constant 1 : i32
              %jit3A_872 = arith.constant 0 : i32
              %broadcast_in_dim3A_873 = vector.broadcast %jit3A_871 : i32 to vector<16xi32>
              %broadcast_in_dim3A_874 = vector.broadcast %jit3A_872 : i32 to vector<16xi32>
              %select_n3A_875 = arith.select %eq3A, %broadcast_in_dim3A_873, %broadcast_in_dim3A_874 : vector<16xi1>, vector<16xi32>
              %broadcast_in_dim3A_876 = arith.constant true
              %broadcast_in_dim3A_877 = vector.broadcast %broadcast_in_dim3A_876 : i1 to vector<16xi1>
              %masked_cumsum3A_878 = tpu.scan <sum>, %select_n3A_875 masked %broadcast_in_dim3A_877 : vector<16xi32>, vector<16xi1> -> vector<16xi32>
              %add3A_879 = arith.addi %scan3A_858, %masked_cumsum3A_878 : vector<16xi32>
              %sub3A_880 = arith.constant 1 : i32
              %sub3A_881 = vector.broadcast %sub3A_880 : i32 to vector<16xi32>
              %sub3A_882 = arith.subi %add3A_879, %sub3A_881 : vector<16xi32>
              %lt3A_883 = arith.cmpi slt, %sub3A_882, %sub3A_838 : vector<16xi32>
              %and3A = arith.andi %eq3A, %lt3A_883 : vector<16xi1>
              %or3A_884 = arith.ori %lt3A, %and3A : vector<16xi1>
              %jit3A_885 = arith.constant 1 : i32
              %jit3A_886 = arith.constant 0 : i32
              %broadcast_in_dim3A_887 = vector.broadcast %jit3A_885 : i32 to vector<16xi32>
              %broadcast_in_dim3A_888 = vector.broadcast %jit3A_886 : i32 to vector<16xi32>
              %select_n3A_889 = arith.select %or3A_884, %broadcast_in_dim3A_887, %broadcast_in_dim3A_888 : vector<16xi1>, vector<16xi32>
              %broadcast_in_dim3A_890 = arith.constant true
              %broadcast_in_dim3A_891 = vector.broadcast %broadcast_in_dim3A_890 : i1 to vector<16xi1>
              %masked_cumsum3A_892 = tpu.scan <sum>, %select_n3A_889 masked %broadcast_in_dim3A_891 : vector<16xi32>, vector<16xi1> -> vector<16xi32>
              %add3A_893 = arith.addi %scan3A_857, %masked_cumsum3A_892 : vector<16xi32>
              %sub3A_894 = arith.constant 1 : i32
              %sub3A_895 = vector.broadcast %sub3A_894 : i32 to vector<16xi32>
              %sub3A_896 = arith.subi %add3A_893, %sub3A_895 : vector<16xi32>
              tpu.vector_store_idx %arg8[%sub3A_896], %get3A_866 masked %or3A_884 : memref<512xf32, #tpu.memory_space<vmem>>[vector<16xi32>], vector<16xf32>, vector<16xi1>
              tpu.vector_store_idx %arg9[%sub3A_896], %get3A_870 masked %or3A_884 : memref<512xi32, #tpu.memory_space<vmem>>[vector<16xi32>], vector<16xi32>, vector<16xi1>
              %all_reduce_population_count3A_897 = tpu.all_reduce %or3A_884 {dim = 0 : i64, kind = #tpu.reduction_kind<sum>} : vector<16xi1> -> vector<16xi32>
              %add3A_898 = arith.addi %scan3A_857, %all_reduce_population_count3A_897 : vector<16xi32>
              %all_reduce_population_count3A_899 = tpu.all_reduce %eq3A {dim = 0 : i64, kind = #tpu.reduction_kind<sum>} : vector<16xi1> -> vector<16xi32>
              %add3A_900 = arith.addi %scan3A_858, %all_reduce_population_count3A_899 : vector<16xi32>
              %scan3A_901 = arith.constant 1 : i32
              %scan3A_902 = arith.addi %scan3A_856, %scan3A_901 : i32
              %mul3A_903 = arith.constant 1 : i32
              %mul3A_904 = arith.muli %scan3A_902, %mul3A_903 : i32
              %add3A_905 = arith.constant 0 : i32
              %add3A_906 = arith.addi %add3A_905, %mul3A_904 : i32
              %mul3A_907 = arith.constant 16 : i32
              %mul3A_908 = arith.muli %add3A_906, %mul3A_907 : i32
              %get3A_909 = arith.index_cast %mul3A_908 : i32 to index
              %get3A_910 = tpu.vector_load %arg8[%get3A_909] {strides = array<i32>} : memref<512xf32, #tpu.memory_space<vmem>>, vector<16xf32>,
              %mul3A_911 = arith.constant 16 : i32
              %mul3A_912 = arith.muli %add3A_906, %mul3A_911 : i32
              %get3A_913 = arith.index_cast %mul3A_912 : i32 to index
              %get3A_914 = tpu.vector_load %arg9[%get3A_913] {strides = array<i32>} : memref<512xi32, #tpu.memory_space<vmem>>, vector<16xi32>,
              %lt3A_915 = arith.cmpf olt, %get3A_910, %bitcast_convert_type3A_827 : vector<16xf32>
              %eq3A_916 = arith.cmpf oeq, %get3A_910, %bitcast_convert_type3A_827 : vector<16xf32>
              %jit3A_917 = arith.constant 1 : i32
              %jit3A_918 = arith.constant 0 : i32
              %broadcast_in_dim3A_919 = vector.broadcast %jit3A_917 : i32 to vector<16xi32>
              %broadcast_in_dim3A_920 = vector.broadcast %jit3A_918 : i32 to vector<16xi32>
              %select_n3A_921 = arith.select %eq3A_916, %broadcast_in_dim3A_919, %broadcast_in_dim3A_920 : vector<16xi1>, vector<16xi32>
              %broadcast_in_dim3A_922 = arith.constant true
              %broadcast_in_dim3A_923 = vector.broadcast %broadcast_in_dim3A_922 : i1 to vector<16xi1>
              %masked_cumsum3A_924 = tpu.scan <sum>, %select_n3A_921 masked %broadcast_in_dim3A_923 : vector<16xi32>, vector<16xi1> -> vector<16xi32>
              %add3A_925 = arith.addi %add3A_900, %masked_cumsum3A_924 : vector<16xi32>
              %sub3A_926 = arith.constant 1 : i32
              %sub3A_927 = vector.broadcast %sub3A_926 : i32 to vector<16xi32>
              %sub3A_928 = arith.subi %add3A_925, %sub3A_927 : vector<16xi32>
              %lt3A_929 = arith.cmpi slt, %sub3A_928, %sub3A_838 : vector<16xi32>
              %and3A_930 = arith.andi %eq3A_916, %lt3A_929 : vector<16xi1>
              %or3A_931 = arith.ori %lt3A_915, %and3A_930 : vector<16xi1>
              %jit3A_932 = arith.constant 1 : i32
              %jit3A_933 = arith.constant 0 : i32
              %broadcast_in_dim3A_934 = vector.broadcast %jit3A_932 : i32 to vector<16xi32>
              %broadcast_in_dim3A_935 = vector.broadcast %jit3A_933 : i32 to vector<16xi32>
              %select_n3A_936 = arith.select %or3A_931, %broadcast_in_dim3A_934, %broadcast_in_dim3A_935 : vector<16xi1>, vector<16xi32>
              %broadcast_in_dim3A_937 = arith.constant true
              %broadcast_in_dim3A_938 = vector.broadcast %broadcast_in_dim3A_937 : i1 to vector<16xi1>
              %masked_cumsum3A_939 = tpu.scan <sum>, %select_n3A_936 masked %broadcast_in_dim3A_938 : vector<16xi32>, vector<16xi1> -> vector<16xi32>
              %add3A_940 = arith.addi %add3A_898, %masked_cumsum3A_939 : vector<16xi32>
              %sub3A_941 = arith.constant 1 : i32
              %sub3A_942 = vector.broadcast %sub3A_941 : i32 to vector<16xi32>
              %sub3A_943 = arith.subi %add3A_940, %sub3A_942 : vector<16xi32>
              tpu.vector_store_idx %arg8[%sub3A_943], %get3A_910 masked %or3A_931 : memref<512xf32, #tpu.memory_space<vmem>>[vector<16xi32>], vector<16xf32>, vector<16xi1>
              tpu.vector_store_idx %arg9[%sub3A_943], %get3A_914 masked %or3A_931 : memref<512xi32, #tpu.memory_space<vmem>>[vector<16xi32>], vector<16xi32>, vector<16xi1>
              %all_reduce_population_count3A_944 = tpu.all_reduce %or3A_931 {dim = 0 : i64, kind = #tpu.reduction_kind<sum>} : vector<16xi1> -> vector<16xi32>
              %add3A_945 = arith.addi %add3A_898, %all_reduce_population_count3A_944 : vector<16xi32>
              %all_reduce_population_count3A_946 = tpu.all_reduce %eq3A_916 {dim = 0 : i64, kind = #tpu.reduction_kind<sum>} : vector<16xi1> -> vector<16xi32>
              %add3A_947 = arith.addi %add3A_900, %all_reduce_population_count3A_946 : vector<16xi32>
              %scan3A_948 = arith.constant 2 : i32
              %scan3A_949 = arith.addi %scan3A_856, %scan3A_948 : i32
              %mul3A_950 = arith.constant 1 : i32
              %mul3A_951 = arith.muli %scan3A_949, %mul3A_950 : i32
              %add3A_952 = arith.constant 0 : i32
              %add3A_953 = arith.addi %add3A_952, %mul3A_951 : i32
              %mul3A_954 = arith.constant 16 : i32
              %mul3A_955 = arith.muli %add3A_953, %mul3A_954 : i32
              %get3A_956 = arith.index_cast %mul3A_955 : i32 to index
              %get3A_957 = tpu.vector_load %arg8[%get3A_956] {strides = array<i32>} : memref<512xf32, #tpu.memory_space<vmem>>, vector<16xf32>,
              %mul3A_958 = arith.constant 16 : i32
              %mul3A_959 = arith.muli %add3A_953, %mul3A_958 : i32
              %get3A_960 = arith.index_cast %mul3A_959 : i32 to index
              %get3A_961 = tpu.vector_load %arg9[%get3A_960] {strides = array<i32>} : memref<512xi32, #tpu.memory_space<vmem>>, vector<16xi32>,
              %lt3A_962 = arith.cmpf olt, %get3A_957, %bitcast_convert_type3A_827 : vector<16xf32>
              %eq3A_963 = arith.cmpf oeq, %get3A_957, %bitcast_convert_type3A_827 : vector<16xf32>
              %jit3A_964 = arith.constant 1 : i32
              %jit3A_965 = arith.constant 0 : i32
              %broadcast_in_dim3A_966 = vector.broadcast %jit3A_964 : i32 to vector<16xi32>
              %broadcast_in_dim3A_967 = vector.broadcast %jit3A_965 : i32 to vector<16xi32>
              %select_n3A_968 = arith.select %eq3A_963, %broadcast_in_dim3A_966, %broadcast_in_dim3A_967 : vector<16xi1>, vector<16xi32>
              %broadcast_in_dim3A_969 = arith.constant true
              %broadcast_in_dim3A_970 = vector.broadcast %broadcast_in_dim3A_969 : i1 to vector<16xi1>
              %masked_cumsum3A_971 = tpu.scan <sum>, %select_n3A_968 masked %broadcast_in_dim3A_970 : vector<16xi32>, vector<16xi1> -> vector<16xi32>
              %add3A_972 = arith.addi %add3A_947, %masked_cumsum3A_971 : vector<16xi32>
              %sub3A_973 = arith.constant 1 : i32
              %sub3A_974 = vector.broadcast %sub3A_973 : i32 to vector<16xi32>
              %sub3A_975 = arith.subi %add3A_972, %sub3A_974 : vector<16xi32>
              %lt3A_976 = arith.cmpi slt, %sub3A_975, %sub3A_838 : vector<16xi32>
              %and3A_977 = arith.andi %eq3A_963, %lt3A_976 : vector<16xi1>
              %or3A_978 = arith.ori %lt3A_962, %and3A_977 : vector<16xi1>
              %jit3A_979 = arith.constant 1 : i32
              %jit3A_980 = arith.constant 0 : i32
              %broadcast_in_dim3A_981 = vector.broadcast %jit3A_979 : i32 to vector<16xi32>
              %broadcast_in_dim3A_982 = vector.broadcast %jit3A_980 : i32 to vector<16xi32>
              %select_n3A_983 = arith.select %or3A_978, %broadcast_in_dim3A_981, %broadcast_in_dim3A_982 : vector<16xi1>, vector<16xi32>
              %broadcast_in_dim3A_984 = arith.constant true
              %broadcast_in_dim3A_985 = vector.broadcast %broadcast_in_dim3A_984 : i1 to vector<16xi1>
              %masked_cumsum3A_986 = tpu.scan <sum>, %select_n3A_983 masked %broadcast_in_dim3A_985 : vector<16xi32>, vector<16xi1> -> vector<16xi32>
              %add3A_987 = arith.addi %add3A_945, %masked_cumsum3A_986 : vector<16xi32>
              %sub3A_988 = arith.constant 1 : i32
              %sub3A_989 = vector.broadcast %sub3A_988 : i32 to vector<16xi32>
              %sub3A_990 = arith.subi %add3A_987, %sub3A_989 : vector<16xi32>
              tpu.vector_store_idx %arg8[%sub3A_990], %get3A_957 masked %or3A_978 : memref<512xf32, #tpu.memory_space<vmem>>[vector<16xi32>], vector<16xf32>, vector<16xi1>
              tpu.vector_store_idx %arg9[%sub3A_990], %get3A_961 masked %or3A_978 : memref<512xi32, #tpu.memory_space<vmem>>[vector<16xi32>], vector<16xi32>, vector<16xi1>
              %all_reduce_population_count3A_991 = tpu.all_reduce %or3A_978 {dim = 0 : i64, kind = #tpu.reduction_kind<sum>} : vector<16xi1> -> vector<16xi32>
              %add3A_992 = arith.addi %add3A_945, %all_reduce_population_count3A_991 : vector<16xi32>
              %all_reduce_population_count3A_993 = tpu.all_reduce %eq3A_963 {dim = 0 : i64, kind = #tpu.reduction_kind<sum>} : vector<16xi1> -> vector<16xi32>
              %add3A_994 = arith.addi %add3A_947, %all_reduce_population_count3A_993 : vector<16xi32>
              %scan3A_995 = arith.constant 3 : i32
              %scan3A_996 = arith.addi %scan3A_856, %scan3A_995 : i32
              %mul3A_997 = arith.constant 1 : i32
              %mul3A_998 = arith.muli %scan3A_996, %mul3A_997 : i32
              %add3A_999 = arith.constant 0 : i32
              %add3A_1000 = arith.addi %add3A_999, %mul3A_998 : i32
              %mul3A_1001 = arith.constant 16 : i32
              %mul3A_1002 = arith.muli %add3A_1000, %mul3A_1001 : i32
              %get3A_1003 = arith.index_cast %mul3A_1002 : i32 to index
              %get3A_1004 = tpu.vector_load %arg8[%get3A_1003] {strides = array<i32>} : memref<512xf32, #tpu.memory_space<vmem>>, vector<16xf32>,
              %mul3A_1005 = arith.constant 16 : i32
              %mul3A_1006 = arith.muli %add3A_1000, %mul3A_1005 : i32
              %get3A_1007 = arith.index_cast %mul3A_1006 : i32 to index
              %get3A_1008 = tpu.vector_load %arg9[%get3A_1007] {strides = array<i32>} : memref<512xi32, #tpu.memory_space<vmem>>, vector<16xi32>,
              %lt3A_1009 = arith.cmpf olt, %get3A_1004, %bitcast_convert_type3A_827 : vector<16xf32>
              %eq3A_1010 = arith.cmpf oeq, %get3A_1004, %bitcast_convert_type3A_827 : vector<16xf32>
              %jit3A_1011 = arith.constant 1 : i32
              %jit3A_1012 = arith.constant 0 : i32
              %broadcast_in_dim3A_1013 = vector.broadcast %jit3A_1011 : i32 to vector<16xi32>
              %broadcast_in_dim3A_1014 = vector.broadcast %jit3A_1012 : i32 to vector<16xi32>
              %select_n3A_1015 = arith.select %eq3A_1010, %broadcast_in_dim3A_1013, %broadcast_in_dim3A_1014 : vector<16xi1>, vector<16xi32>
              %broadcast_in_dim3A_1016 = arith.constant true
              %broadcast_in_dim3A_1017 = vector.broadcast %broadcast_in_dim3A_1016 : i1 to vector<16xi1>
              %masked_cumsum3A_1018 = tpu.scan <sum>, %select_n3A_1015 masked %broadcast_in_dim3A_1017 : vector<16xi32>, vector<16xi1> -> vector<16xi32>
              %add3A_1019 = arith.addi %add3A_994, %masked_cumsum3A_1018 : vector<16xi32>
              %sub3A_1020 = arith.constant 1 : i32
              %sub3A_1021 = vector.broadcast %sub3A_1020 : i32 to vector<16xi32>
              %sub3A_1022 = arith.subi %add3A_1019, %sub3A_1021 : vector<16xi32>
              %lt3A_1023 = arith.cmpi slt, %sub3A_1022, %sub3A_838 : vector<16xi32>
              %and3A_1024 = arith.andi %eq3A_1010, %lt3A_1023 : vector<16xi1>
              %or3A_1025 = arith.ori %lt3A_1009, %and3A_1024 : vector<16xi1>
              %jit3A_1026 = arith.constant 1 : i32
              %jit3A_1027 = arith.constant 0 : i32
              %broadcast_in_dim3A_1028 = vector.broadcast %jit3A_1026 : i32 to vector<16xi32>
              %broadcast_in_dim3A_1029 = vector.broadcast %jit3A_1027 : i32 to vector<16xi32>
              %select_n3A_1030 = arith.select %or3A_1025, %broadcast_in_dim3A_1028, %broadcast_in_dim3A_1029 : vector<16xi1>, vector<16xi32>
              %broadcast_in_dim3A_1031 = arith.constant true
              %broadcast_in_dim3A_1032 = vector.broadcast %broadcast_in_dim3A_1031 : i1 to vector<16xi1>
              %masked_cumsum3A_1033 = tpu.scan <sum>, %select_n3A_1030 masked %broadcast_in_dim3A_1032 : vector<16xi32>, vector<16xi1> -> vector<16xi32>
              %add3A_1034 = arith.addi %add3A_992, %masked_cumsum3A_1033 : vector<16xi32>
              %sub3A_1035 = arith.constant 1 : i32
              %sub3A_1036 = vector.broadcast %sub3A_1035 : i32 to vector<16xi32>
              %sub3A_1037 = arith.subi %add3A_1034, %sub3A_1036 : vector<16xi32>
              tpu.vector_store_idx %arg8[%sub3A_1037], %get3A_1004 masked %or3A_1025 : memref<512xf32, #tpu.memory_space<vmem>>[vector<16xi32>], vector<16xf32>, vector<16xi1>
              tpu.vector_store_idx %arg9[%sub3A_1037], %get3A_1008 masked %or3A_1025 : memref<512xi32, #tpu.memory_space<vmem>>[vector<16xi32>], vector<16xi32>, vector<16xi1>
              %all_reduce_population_count3A_1038 = tpu.all_reduce %or3A_1025 {dim = 0 : i64, kind = #tpu.reduction_kind<sum>} : vector<16xi1> -> vector<16xi32>
              %add3A_1039 = arith.addi %add3A_992, %all_reduce_population_count3A_1038 : vector<16xi32>
              %all_reduce_population_count3A_1040 = tpu.all_reduce %eq3A_1010 {dim = 0 : i64, kind = #tpu.reduction_kind<sum>} : vector<16xi1> -> vector<16xi32>
              %add3A_1041 = arith.addi %add3A_994, %all_reduce_population_count3A_1040 : vector<16xi32>
              scf.yield %add3A_1039, %add3A_1041 : vector<16xi32>, vector<16xi32>
            }
            %scan3A_848 = arith.constant 32 : i32
            %scan3A_849 = arith.constant 0 : i32
            %scan3A_850 = arith.constant 28 : i32
            %scan3A_851 = arith.addi %scan3A_849, %scan3A_850 : i32
            %scan3A_852 = arith.constant 4 : i32
            scf.for %scan3A_856 = %scan3A_849 to %scan3A_851 step %scan3A_852  : i32 {
              %mul3A_857 = arith.constant 1 : i32
              %mul3A_858 = arith.muli %scan3A_856, %mul3A_857 : i32
              %add3A_859 = arith.constant 4 : i32
              %add3A_860 = arith.addi %add3A_859, %mul3A_858 : i32
              %mul3A_861 = arith.constant 16 : i32
              %mul3A_862 = arith.muli %add3A_860, %mul3A_861 : i32
              %swap3A_863 = arith.index_cast %mul3A_862 : i32 to index
              %swap3A_864 = tpu.vector_load %arg8[%swap3A_863] {strides = array<i32>} : memref<512xf32, #tpu.memory_space<vmem>>, vector<16xf32>,
              tpu.vector_store %arg8[%swap3A_863], %broadcast_in_dim3A_1 {strides = array<i32>} : memref<512xf32, #tpu.memory_space<vmem>>, vector<16xf32>,
              %scan3A_865 = arith.constant 1 : i32
              %scan3A_866 = arith.addi %scan3A_856, %scan3A_865 : i32
              %mul3A_867 = arith.constant 1 : i32
              %mul3A_868 = arith.muli %scan3A_866, %mul3A_867 : i32
              %add3A_869 = arith.constant 4 : i32
              %add3A_870 = arith.addi %add3A_869, %mul3A_868 : i32
              %mul3A_871 = arith.constant 16 : i32
              %mul3A_872 = arith.muli %add3A_870, %mul3A_871 : i32
              %swap3A_873 = arith.index_cast %mul3A_872 : i32 to index
              %swap3A_874 = tpu.vector_load %arg8[%swap3A_873] {strides = array<i32>} : memref<512xf32, #tpu.memory_space<vmem>>, vector<16xf32>,
              tpu.vector_store %arg8[%swap3A_873], %broadcast_in_dim3A_1 {strides = array<i32>} : memref<512xf32, #tpu.memory_space<vmem>>, vector<16xf32>,
              %scan3A_875 = arith.constant 2 : i32
              %scan3A_876 = arith.addi %scan3A_856, %scan3A_875 : i32
              %mul3A_877 = arith.constant 1 : i32
              %mul3A_878 = arith.muli %scan3A_876, %mul3A_877 : i32
              %add3A_879 = arith.constant 4 : i32
              %add3A_880 = arith.addi %add3A_879, %mul3A_878 : i32
              %mul3A_881 = arith.constant 16 : i32
              %mul3A_882 = arith.muli %add3A_880, %mul3A_881 : i32
              %swap3A_883 = arith.index_cast %mul3A_882 : i32 to index
              %swap3A_884 = tpu.vector_load %arg8[%swap3A_883] {strides = array<i32>} : memref<512xf32, #tpu.memory_space<vmem>>, vector<16xf32>,
              tpu.vector_store %arg8[%swap3A_883], %broadcast_in_dim3A_1 {strides = array<i32>} : memref<512xf32, #tpu.memory_space<vmem>>, vector<16xf32>,
              %scan3A_885 = arith.constant 3 : i32
              %scan3A_886 = arith.addi %scan3A_856, %scan3A_885 : i32
              %mul3A_887 = arith.constant 1 : i32
              %mul3A_888 = arith.muli %scan3A_886, %mul3A_887 : i32
              %add3A_889 = arith.constant 4 : i32
              %add3A_890 = arith.addi %add3A_889, %mul3A_888 : i32
              %mul3A_891 = arith.constant 16 : i32
              %mul3A_892 = arith.muli %add3A_890, %mul3A_891 : i32
              %swap3A_893 = arith.index_cast %mul3A_892 : i32 to index
              %swap3A_894 = tpu.vector_load %arg8[%swap3A_893] {strides = array<i32>} : memref<512xf32, #tpu.memory_space<vmem>>, vector<16xf32>,
              tpu.vector_store %arg8[%swap3A_893], %broadcast_in_dim3A_1 {strides = array<i32>} : memref<512xf32, #tpu.memory_space<vmem>>, vector<16xf32>,
            }
            %scan3A_853 = arith.constant 28 : i32
            %broadcast_in_dim3A_854 = arith.constant 64 : i32
            %broadcast_in_dim3A_855 = vector.broadcast %broadcast_in_dim3A_854 : i32 to vector<16xi32>
            scf.yield %broadcast_in_dim3A_855, %bitcast_convert_type3A_827 : vector<16xi32>, vector<16xf32>
          } else {
            scf.yield %scan3A_574, %scan3A_575 : vector<16xi32>, vector<16xf32>
          }
          %le3A_668 = arith.cmpf ole, %get3A_586, %cond3A_667#1 : vector<16xf32>
          %le3A_669 = arith.cmpf ole, %get3A_591, %cond3A_667#1 : vector<16xf32>
          %le3A_670 = arith.cmpf ole, %get3A_596, %cond3A_667#1 : vector<16xf32>
          %le3A_671 = arith.cmpf ole, %get3A_601, %cond3A_667#1 : vector<16xf32>
          %le3A_672 = arith.cmpf ole, %get3A_606, %cond3A_667#1 : vector<16xf32>
          %le3A_673 = arith.cmpf ole, %get3A_611, %cond3A_667#1 : vector<16xf32>
          %le3A_674 = arith.cmpf ole, %get3A_616, %cond3A_667#1 : vector<16xf32>
          %le3A_675 = arith.cmpf ole, %get3A_621, %cond3A_667#1 : vector<16xf32>
          %all_reduce_population_count3A = tpu.all_reduce %le3A_668 {dim = 0 : i64, kind = #tpu.reduction_kind<sum>} : vector<16xi1> -> vector<16xi32>
          %all_reduce_population_count3A_676 = tpu.all_reduce %le3A_669 {dim = 0 : i64, kind = #tpu.reduction_kind<sum>} : vector<16xi1> -> vector<16xi32>
          %all_reduce_population_count3A_677 = tpu.all_reduce %le3A_670 {dim = 0 : i64, kind = #tpu.reduction_kind<sum>} : vector<16xi1> -> vector<16xi32>
          %all_reduce_population_count3A_678 = tpu.all_reduce %le3A_671 {dim = 0 : i64, kind = #tpu.reduction_kind<sum>} : vector<16xi1> -> vector<16xi32>
          %all_reduce_population_count3A_679 = tpu.all_reduce %le3A_672 {dim = 0 : i64, kind = #tpu.reduction_kind<sum>} : vector<16xi1> -> vector<16xi32>
          %all_reduce_population_count3A_680 = tpu.all_reduce %le3A_673 {dim = 0 : i64, kind = #tpu.reduction_kind<sum>} : vector<16xi1> -> vector<16xi32>
          %all_reduce_population_count3A_681 = tpu.all_reduce %le3A_674 {dim = 0 : i64, kind = #tpu.reduction_kind<sum>} : vector<16xi1> -> vector<16xi32>
          %all_reduce_population_count3A_682 = tpu.all_reduce %le3A_675 {dim = 0 : i64, kind = #tpu.reduction_kind<sum>} : vector<16xi1> -> vector<16xi32>
          %jit3A = arith.constant 1 : i32
          %jit3A_683 = arith.constant 0 : i32
          %broadcast_in_dim3A_684 = vector.broadcast %jit3A : i32 to vector<16xi32>
          %broadcast_in_dim3A_685 = vector.broadcast %jit3A_683 : i32 to vector<16xi32>
          %select_n3A_686 = arith.select %le3A_668, %broadcast_in_dim3A_684, %broadcast_in_dim3A_685 : vector<16xi1>, vector<16xi32>
          %broadcast_in_dim3A_687 = arith.constant true
          %broadcast_in_dim3A_688 = vector.broadcast %broadcast_in_dim3A_687 : i1 to vector<16xi1>
          %masked_cumsum3A = tpu.scan <sum>, %select_n3A_686 masked %broadcast_in_dim3A_688 : vector<16xi32>, vector<16xi1> -> vector<16xi32>
          %jit3A_689 = arith.constant 1 : i32
          %jit3A_690 = arith.constant 0 : i32
          %broadcast_in_dim3A_691 = vector.broadcast %jit3A_689 : i32 to vector<16xi32>
          %broadcast_in_dim3A_692 = vector.broadcast %jit3A_690 : i32 to vector<16xi32>
          %select_n3A_693 = arith.select %le3A_669, %broadcast_in_dim3A_691, %broadcast_in_dim3A_692 : vector<16xi1>, vector<16xi32>
          %broadcast_in_dim3A_694 = arith.constant true
          %broadcast_in_dim3A_695 = vector.broadcast %broadcast_in_dim3A_694 : i1 to vector<16xi1>
          %masked_cumsum3A_696 = tpu.scan <sum>, %select_n3A_693 masked %broadcast_in_dim3A_695 : vector<16xi32>, vector<16xi1> -> vector<16xi32>
          %jit3A_697 = arith.constant 1 : i32
          %jit3A_698 = arith.constant 0 : i32
          %broadcast_in_dim3A_699 = vector.broadcast %jit3A_697 : i32 to vector<16xi32>
          %broadcast_in_dim3A_700 = vector.broadcast %jit3A_698 : i32 to vector<16xi32>
          %select_n3A_701 = arith.select %le3A_670, %broadcast_in_dim3A_699, %broadcast_in_dim3A_700 : vector<16xi1>, vector<16xi32>
          %broadcast_in_dim3A_702 = arith.constant true
          %broadcast_in_dim3A_703 = vector.broadcast %broadcast_in_dim3A_702 : i1 to vector<16xi1>
          %masked_cumsum3A_704 = tpu.scan <sum>, %select_n3A_701 masked %broadcast_in_dim3A_703 : vector<16xi32>, vector<16xi1> -> vector<16xi32>
          %jit3A_705 = arith.constant 1 : i32
          %jit3A_706 = arith.constant 0 : i32
          %broadcast_in_dim3A_707 = vector.broadcast %jit3A_705 : i32 to vector<16xi32>
          %broadcast_in_dim3A_708 = vector.broadcast %jit3A_706 : i32 to vector<16xi32>
          %select_n3A_709 = arith.select %le3A_671, %broadcast_in_dim3A_707, %broadcast_in_dim3A_708 : vector<16xi1>, vector<16xi32>
          %broadcast_in_dim3A_710 = arith.constant true
          %broadcast_in_dim3A_711 = vector.broadcast %broadcast_in_dim3A_710 : i1 to vector<16xi1>
          %masked_cumsum3A_712 = tpu.scan <sum>, %select_n3A_709 masked %broadcast_in_dim3A_711 : vector<16xi32>, vector<16xi1> -> vector<16xi32>
          %jit3A_713 = arith.constant 1 : i32
          %jit3A_714 = arith.constant 0 : i32
          %broadcast_in_dim3A_715 = vector.broadcast %jit3A_713 : i32 to vector<16xi32>
          %broadcast_in_dim3A_716 = vector.broadcast %jit3A_714 : i32 to vector<16xi32>
          %select_n3A_717 = arith.select %le3A_672, %broadcast_in_dim3A_715, %broadcast_in_dim3A_716 : vector<16xi1>, vector<16xi32>
          %broadcast_in_dim3A_718 = arith.constant true
          %broadcast_in_dim3A_719 = vector.broadcast %broadcast_in_dim3A_718 : i1 to vector<16xi1>
          %masked_cumsum3A_720 = tpu.scan <sum>, %select_n3A_717 masked %broadcast_in_dim3A_719 : vector<16xi32>, vector<16xi1> -> vector<16xi32>
          %jit3A_721 = arith.constant 1 : i32
          %jit3A_722 = arith.constant 0 : i32
          %broadcast_in_dim3A_723 = vector.broadcast %jit3A_721 : i32 to vector<16xi32>
          %broadcast_in_dim3A_724 = vector.broadcast %jit3A_722 : i32 to vector<16xi32>
          %select_n3A_725 = arith.select %le3A_673, %broadcast_in_dim3A_723, %broadcast_in_dim3A_724 : vector<16xi1>, vector<16xi32>
          %broadcast_in_dim3A_726 = arith.constant true
          %broadcast_in_dim3A_727 = vector.broadcast %broadcast_in_dim3A_726 : i1 to vector<16xi1>
          %masked_cumsum3A_728 = tpu.scan <sum>, %select_n3A_725 masked %broadcast_in_dim3A_727 : vector<16xi32>, vector<16xi1> -> vector<16xi32>
          %jit3A_729 = arith.constant 1 : i32
          %jit3A_730 = arith.constant 0 : i32
          %broadcast_in_dim3A_731 = vector.broadcast %jit3A_729 : i32 to vector<16xi32>
          %broadcast_in_dim3A_732 = vector.broadcast %jit3A_730 : i32 to vector<16xi32>
          %select_n3A_733 = arith.select %le3A_674, %broadcast_in_dim3A_731, %broadcast_in_dim3A_732 : vector<16xi1>, vector<16xi32>
          %broadcast_in_dim3A_734 = arith.constant true
          %broadcast_in_dim3A_735 = vector.broadcast %broadcast_in_dim3A_734 : i1 to vector<16xi1>
          %masked_cumsum3A_736 = tpu.scan <sum>, %select_n3A_733 masked %broadcast_in_dim3A_735 : vector<16xi32>, vector<16xi1> -> vector<16xi32>
          %jit3A_737 = arith.constant 1 : i32
          %jit3A_738 = arith.constant 0 : i32
          %broadcast_in_dim3A_739 = vector.broadcast %jit3A_737 : i32 to vector<16xi32>
          %broadcast_in_dim3A_740 = vector.broadcast %jit3A_738 : i32 to vector<16xi32>
          %select_n3A_741 = arith.select %le3A_675, %broadcast_in_dim3A_739, %broadcast_in_dim3A_740 : vector<16xi1>, vector<16xi32>
          %broadcast_in_dim3A_742 = arith.constant true
          %broadcast_in_dim3A_743 = vector.broadcast %broadcast_in_dim3A_742 : i1 to vector<16xi1>
          %masked_cumsum3A_744 = tpu.scan <sum>, %select_n3A_741 masked %broadcast_in_dim3A_743 : vector<16xi32>, vector<16xi1> -> vector<16xi32>
          %add3A_745 = arith.addi %cond3A_667#0, %all_reduce_population_count3A : vector<16xi32>
          %add3A_746 = arith.addi %add3A_745, %all_reduce_population_count3A_676 : vector<16xi32>
          %add3A_747 = arith.addi %add3A_746, %all_reduce_population_count3A_677 : vector<16xi32>
          %add3A_748 = arith.addi %add3A_747, %all_reduce_population_count3A_678 : vector<16xi32>
          %add3A_749 = arith.addi %add3A_748, %all_reduce_population_count3A_679 : vector<16xi32>
          %add3A_750 = arith.addi %add3A_749, %all_reduce_population_count3A_680 : vector<16xi32>
          %add3A_751 = arith.addi %add3A_750, %all_reduce_population_count3A_681 : vector<16xi32>
          %add3A_752 = arith.addi %cond3A_667#0, %masked_cumsum3A : vector<16xi32>
          %sub3A_753 = arith.constant 1 : i32
          %sub3A_754 = vector.broadcast %sub3A_753 : i32 to vector<16xi32>
          %sub3A_755 = arith.subi %add3A_752, %sub3A_754 : vector<16xi32>
          %add3A_756 = arith.constant 0 : i32
          %add3A_757 = arith.addi %mul3A_581, %add3A_756 : i32
          %add3A_758 = vector.broadcast %add3A_757 : i32 to vector<16xi32>
          %add3A_759 = arith.addi %iota3A, %add3A_758 : vector<16xi32>
          tpu.vector_store_idx %arg8[%sub3A_755], %get3A_586 masked %le3A_668 : memref<512xf32, #tpu.memory_space<vmem>>[vector<16xi32>], vector<16xf32>, vector<16xi1>
          tpu.vector_store_idx %arg9[%sub3A_755], %add3A_759 masked %le3A_668 : memref<512xi32, #tpu.memory_space<vmem>>[vector<16xi32>], vector<16xi32>, vector<16xi1>
          %add3A_760 = arith.addi %add3A_745, %masked_cumsum3A_696 : vector<16xi32>
          %sub3A_761 = arith.constant 1 : i32
          %sub3A_762 = vector.broadcast %sub3A_761 : i32 to vector<16xi32>
          %sub3A_763 = arith.subi %add3A_760, %sub3A_762 : vector<16xi32>
          %add3A_764 = arith.constant 16 : i32
          %add3A_765 = arith.addi %mul3A_581, %add3A_764 : i32
          %add3A_766 = vector.broadcast %add3A_765 : i32 to vector<16xi32>
          %add3A_767 = arith.addi %iota3A, %add3A_766 : vector<16xi32>
          tpu.vector_store_idx %arg8[%sub3A_763], %get3A_591 masked %le3A_669 : memref<512xf32, #tpu.memory_space<vmem>>[vector<16xi32>], vector<16xf32>, vector<16xi1>
          tpu.vector_store_idx %arg9[%sub3A_763], %add3A_767 masked %le3A_669 : memref<512xi32, #tpu.memory_space<vmem>>[vector<16xi32>], vector<16xi32>, vector<16xi1>
          %add3A_768 = arith.addi %add3A_746, %masked_cumsum3A_704 : vector<16xi32>
          %sub3A_769 = arith.constant 1 : i32
          %sub3A_770 = vector.broadcast %sub3A_769 : i32 to vector<16xi32>
          %sub3A_771 = arith.subi %add3A_768, %sub3A_770 : vector<16xi32>
          %add3A_772 = arith.constant 32 : i32
          %add3A_773 = arith.addi %mul3A_581, %add3A_772 : i32
          %add3A_774 = vector.broadcast %add3A_773 : i32 to vector<16xi32>
          %add3A_775 = arith.addi %iota3A, %add3A_774 : vector<16xi32>
          tpu.vector_store_idx %arg8[%sub3A_771], %get3A_596 masked %le3A_670 : memref<512xf32, #tpu.memory_space<vmem>>[vector<16xi32>], vector<16xf32>, vector<16xi1>
          tpu.vector_store_idx %arg9[%sub3A_771], %add3A_775 masked %le3A_670 : memref<512xi32, #tpu.memory_space<vmem>>[vector<16xi32>], vector<16xi32>, vector<16xi1>
          %add3A_776 = arith.addi %add3A_747, %masked_cumsum3A_712 : vector<16xi32>
          %sub3A_777 = arith.constant 1 : i32
          %sub3A_778 = vector.broadcast %sub3A_777 : i32 to vector<16xi32>
          %sub3A_779 = arith.subi %add3A_776, %sub3A_778 : vector<16xi32>
          %add3A_780 = arith.constant 48 : i32
          %add3A_781 = arith.addi %mul3A_581, %add3A_780 : i32
          %add3A_782 = vector.broadcast %add3A_781 : i32 to vector<16xi32>
          %add3A_783 = arith.addi %iota3A, %add3A_782 : vector<16xi32>
          tpu.vector_store_idx %arg8[%sub3A_779], %get3A_601 masked %le3A_671 : memref<512xf32, #tpu.memory_space<vmem>>[vector<16xi32>], vector<16xf32>, vector<16xi1>
          tpu.vector_store_idx %arg9[%sub3A_779], %add3A_783 masked %le3A_671 : memref<512xi32, #tpu.memory_space<vmem>>[vector<16xi32>], vector<16xi32>, vector<16xi1>
          %add3A_784 = arith.addi %add3A_748, %masked_cumsum3A_720 : vector<16xi32>
          %sub3A_785 = arith.constant 1 : i32
          %sub3A_786 = vector.broadcast %sub3A_785 : i32 to vector<16xi32>
          %sub3A_787 = arith.subi %add3A_784, %sub3A_786 : vector<16xi32>
          %add3A_788 = arith.constant 64 : i32
          %add3A_789 = arith.addi %mul3A_581, %add3A_788 : i32
          %add3A_790 = vector.broadcast %add3A_789 : i32 to vector<16xi32>
          %add3A_791 = arith.addi %iota3A, %add3A_790 : vector<16xi32>
          tpu.vector_store_idx %arg8[%sub3A_787], %get3A_606 masked %le3A_672 : memref<512xf32, #tpu.memory_space<vmem>>[vector<16xi32>], vector<16xf32>, vector<16xi1>
          tpu.vector_store_idx %arg9[%sub3A_787], %add3A_791 masked %le3A_672 : memref<512xi32, #tpu.memory_space<vmem>>[vector<16xi32>], vector<16xi32>, vector<16xi1>
          %add3A_792 = arith.addi %add3A_749, %masked_cumsum3A_728 : vector<16xi32>
          %sub3A_793 = arith.constant 1 : i32
          %sub3A_794 = vector.broadcast %sub3A_793 : i32 to vector<16xi32>
          %sub3A_795 = arith.subi %add3A_792, %sub3A_794 : vector<16xi32>
          %add3A_796 = arith.constant 80 : i32
          %add3A_797 = arith.addi %mul3A_581, %add3A_796 : i32
          %add3A_798 = vector.broadcast %add3A_797 : i32 to vector<16xi32>
          %add3A_799 = arith.addi %iota3A, %add3A_798 : vector<16xi32>
          tpu.vector_store_idx %arg8[%sub3A_795], %get3A_611 masked %le3A_673 : memref<512xf32, #tpu.memory_space<vmem>>[vector<16xi32>], vector<16xf32>, vector<16xi1>
          tpu.vector_store_idx %arg9[%sub3A_795], %add3A_799 masked %le3A_673 : memref<512xi32, #tpu.memory_space<vmem>>[vector<16xi32>], vector<16xi32>, vector<16xi1>
          %add3A_800 = arith.addi %add3A_750, %masked_cumsum3A_736 : vector<16xi32>
          %sub3A_801 = arith.constant 1 : i32
          %sub3A_802 = vector.broadcast %sub3A_801 : i32 to vector<16xi32>
          %sub3A_803 = arith.subi %add3A_800, %sub3A_802 : vector<16xi32>
          %add3A_804 = arith.constant 96 : i32
          %add3A_805 = arith.addi %mul3A_581, %add3A_804 : i32
          %add3A_806 = vector.broadcast %add3A_805 : i32 to vector<16xi32>
          %add3A_807 = arith.addi %iota3A, %add3A_806 : vector<16xi32>
          tpu.vector_store_idx %arg8[%sub3A_803], %get3A_616 masked %le3A_674 : memref<512xf32, #tpu.memory_space<vmem>>[vector<16xi32>], vector<16xf32>, vector<16xi1>
          tpu.vector_store_idx %arg9[%sub3A_803], %add3A_807 masked %le3A_674 : memref<512xi32, #tpu.memory_space<vmem>>[vector<16xi32>], vector<16xi32>, vector<16xi1>
          %add3A_808 = arith.addi %add3A_751, %masked_cumsum3A_744 : vector<16xi32>
          %sub3A_809 = arith.constant 1 : i32
          %sub3A_810 = vector.broadcast %sub3A_809 : i32 to vector<16xi32>
          %sub3A_811 = arith.subi %add3A_808, %sub3A_810 : vector<16xi32>
          %add3A_812 = arith.constant 112 : i32
          %add3A_813 = arith.addi %mul3A_581, %add3A_812 : i32
          %add3A_814 = vector.broadcast %add3A_813 : i32 to vector<16xi32>
          %add3A_815 = arith.addi %iota3A, %add3A_814 : vector<16xi32>
          tpu.vector_store_idx %arg8[%sub3A_811], %get3A_621 masked %le3A_675 : memref<512xf32, #tpu.memory_space<vmem>>[vector<16xi32>], vector<16xf32>, vector<16xi1>
          tpu.vector_store_idx %arg9[%sub3A_811], %add3A_815 masked %le3A_675 : memref<512xi32, #tpu.memory_space<vmem>>[vector<16xi32>], vector<16xi32>, vector<16xi1>
          %add3A_816 = arith.addi %add3A_751, %all_reduce_population_count3A_682 : vector<16xi32>
          scf.yield %add3A_816, %cond3A_667#1 : vector<16xi32>, vector<16xf32>
        } else {
          scf.yield %scan3A_574, %scan3A_575 : vector<16xi32>, vector<16xf32>
        }
        scf.yield %cond3A_649#0, %cond3A_649#1 : vector<16xi32>, vector<16xf32>
      }
      %scan3A_158 = arith.constant 128 : i32
      %broadcast_in_dim3A_159 = arith.constant 0 : i32
      %broadcast_in_dim3A_160 = vector.broadcast %broadcast_in_dim3A_159 : i32 to vector<16xi32>
      %broadcast_in_dim3A_161 = arith.constant 2139095040 : i32
      %broadcast_in_dim3A_162 = vector.broadcast %broadcast_in_dim3A_161 : i32 to vector<16xi32>
      %scan3A_163 = arith.constant 0 : i32
      %scan3A_164 = arith.constant 31 : i32
      %scan3A_165 = arith.addi %scan3A_163, %scan3A_164 : i32
      %scan3A_166 = arith.constant 1 : i32
      %scan3A_167:2 = scf.for %scan3A_573 = %scan3A_163 to %scan3A_165 step %scan3A_166 iter_args(%scan3A_574 = %broadcast_in_dim3A_160, %scan3A_575 = %broadcast_in_dim3A_162) -> (vector<16xi32>, vector<16xi32>)  : i32 {
        %mul3A_576 = arith.constant 1 : i32
        %mul3A_577 = arith.muli %scan3A_573, %mul3A_576 : i32
        %add3A_578 = arith.constant 0 : i32
        %add3A_579 = arith.addi %add3A_578, %mul3A_577 : i32
        %sub3A_580 = arith.subi %scan3A_575, %scan3A_574 : vector<16xi32>
        %shift_right_logical3A = arith.constant 1 : i32
        %shift_right_logical3A_581 = vector.broadcast %shift_right_logical3A : i32 to vector<16xi32>
        %shift_right_logical3A_582 = arith.shrui %sub3A_580, %shift_right_logical3A_581 : vector<16xi32>
        %add3A_583 = arith.addi %scan3A_574, %shift_right_logical3A_582 : vector<16xi32>
        %bitcast_convert_type3A_584 = tpu.bitcast %add3A_583 : vector<16xi32> -> vector<16xf32>
        %broadcast_in_dim3A_585 = arith.constant 0 : i32
        %broadcast_in_dim3A_586 = vector.broadcast %broadcast_in_dim3A_585 : i32 to vector<16xi32>
        %scan3A_587 = arith.constant 0 : i32
        %scan3A_588 = arith.constant 32 : i32
        %scan3A_589 = arith.addi %scan3A_587, %scan3A_588 : i32
        %scan3A_590 = arith.constant 8 : i32
        %scan3A_591 = scf.for %scan3A_601 = %scan3A_587 to %scan3A_589 step %scan3A_590 iter_args(%scan3A_602 = %broadcast_in_dim3A_586) -> (vector<16xi32>)  : i32 {
          %mul3A_603 = arith.constant 1 : i32
          %mul3A_604 = arith.muli %scan3A_601, %mul3A_603 : i32
          %add3A_605 = arith.constant 0 : i32
          %add3A_606 = arith.addi %add3A_605, %mul3A_604 : i32
          %mul3A_607 = arith.constant 16 : i32
          %mul3A_608 = arith.muli %add3A_606, %mul3A_607 : i32
          %get3A_609 = arith.index_cast %mul3A_608 : i32 to index
          %get3A_610 = tpu.vector_load %arg8[%get3A_609] {strides = array<i32>} : memref<512xf32, #tpu.memory_space<vmem>>, vector<16xf32>,
          %le3A_611 = arith.cmpf ole, %get3A_610, %bitcast_convert_type3A_584 : vector<16xf32>
          %all_reduce_population_count3A = tpu.all_reduce %le3A_611 {dim = 0 : i64, kind = #tpu.reduction_kind<sum>} : vector<16xi1> -> vector<16xi32>
          %add3A_612 = arith.addi %scan3A_602, %all_reduce_population_count3A : vector<16xi32>
          %scan3A_613 = arith.constant 1 : i32
          %scan3A_614 = arith.addi %scan3A_601, %scan3A_613 : i32
          %mul3A_615 = arith.constant 1 : i32
          %mul3A_616 = arith.muli %scan3A_614, %mul3A_615 : i32
          %add3A_617 = arith.constant 0 : i32
          %add3A_618 = arith.addi %add3A_617, %mul3A_616 : i32
          %mul3A_619 = arith.constant 16 : i32
          %mul3A_620 = arith.muli %add3A_618, %mul3A_619 : i32
          %get3A_621 = arith.index_cast %mul3A_620 : i32 to index
          %get3A_622 = tpu.vector_load %arg8[%get3A_621] {strides = array<i32>} : memref<512xf32, #tpu.memory_space<vmem>>, vector<16xf32>,
          %le3A_623 = arith.cmpf ole, %get3A_622, %bitcast_convert_type3A_584 : vector<16xf32>
          %all_reduce_population_count3A_624 = tpu.all_reduce %le3A_623 {dim = 0 : i64, kind = #tpu.reduction_kind<sum>} : vector<16xi1> -> vector<16xi32>
          %add3A_625 = arith.addi %add3A_612, %all_reduce_population_count3A_624 : vector<16xi32>
          %scan3A_626 = arith.constant 2 : i32
          %scan3A_627 = arith.addi %scan3A_601, %scan3A_626 : i32
          %mul3A_628 = arith.constant 1 : i32
          %mul3A_629 = arith.muli %scan3A_627, %mul3A_628 : i32
          %add3A_630 = arith.constant 0 : i32
          %add3A_631 = arith.addi %add3A_630, %mul3A_629 : i32
          %mul3A_632 = arith.constant 16 : i32
          %mul3A_633 = arith.muli %add3A_631, %mul3A_632 : i32
          %get3A_634 = arith.index_cast %mul3A_633 : i32 to index
          %get3A_635 = tpu.vector_load %arg8[%get3A_634] {strides = array<i32>} : memref<512xf32, #tpu.memory_space<vmem>>, vector<16xf32>,
          %le3A_636 = arith.cmpf ole, %get3A_635, %bitcast_convert_type3A_584 : vector<16xf32>
          %all_reduce_population_count3A_637 = tpu.all_reduce %le3A_636 {dim = 0 : i64, kind = #tpu.reduction_kind<sum>} : vector<16xi1> -> vector<16xi32>
          %add3A_638 = arith.addi %add3A_625, %all_reduce_population_count3A_637 : vector<16xi32>
          %scan3A_639 = arith.constant 3 : i32
          %scan3A_640 = arith.addi %scan3A_601, %scan3A_639 : i32
          %mul3A_641 = arith.constant 1 : i32
          %mul3A_642 = arith.muli %scan3A_640, %mul3A_641 : i32
          %add3A_643 = arith.constant 0 : i32
          %add3A_644 = arith.addi %add3A_643, %mul3A_642 : i32
          %mul3A_645 = arith.constant 16 : i32
          %mul3A_646 = arith.muli %add3A_644, %mul3A_645 : i32
          %get3A_647 = arith.index_cast %mul3A_646 : i32 to index
          %get3A_648 = tpu.vector_load %arg8[%get3A_647] {strides = array<i32>} : memref<512xf32, #tpu.memory_space<vmem>>, vector<16xf32>,
          %le3A_649 = arith.cmpf ole, %get3A_648, %bitcast_convert_type3A_584 : vector<16xf32>
          %all_reduce_population_count3A_650 = tpu.all_reduce %le3A_649 {dim = 0 : i64, kind = #tpu.reduction_kind<sum>} : vector<16xi1> -> vector<16xi32>
          %add3A_651 = arith.addi %add3A_638, %all_reduce_population_count3A_650 : vector<16xi32>
          %scan3A_652 = arith.constant 4 : i32
          %scan3A_653 = arith.addi %scan3A_601, %scan3A_652 : i32
          %mul3A_654 = arith.constant 1 : i32
          %mul3A_655 = arith.muli %scan3A_653, %mul3A_654 : i32
          %add3A_656 = arith.constant 0 : i32
          %add3A_657 = arith.addi %add3A_656, %mul3A_655 : i32
          %mul3A_658 = arith.constant 16 : i32
          %mul3A_659 = arith.muli %add3A_657, %mul3A_658 : i32
          %get3A_660 = arith.index_cast %mul3A_659 : i32 to index
          %get3A_661 = tpu.vector_load %arg8[%get3A_660] {strides = array<i32>} : memref<512xf32, #tpu.memory_space<vmem>>, vector<16xf32>,
          %le3A_662 = arith.cmpf ole, %get3A_661, %bitcast_convert_type3A_584 : vector<16xf32>
          %all_reduce_population_count3A_663 = tpu.all_reduce %le3A_662 {dim = 0 : i64, kind = #tpu.reduction_kind<sum>} : vector<16xi1> -> vector<16xi32>
          %add3A_664 = arith.addi %add3A_651, %all_reduce_population_count3A_663 : vector<16xi32>
          %scan3A_665 = arith.constant 5 : i32
          %scan3A_666 = arith.addi %scan3A_601, %scan3A_665 : i32
          %mul3A_667 = arith.constant 1 : i32
          %mul3A_668 = arith.muli %scan3A_666, %mul3A_667 : i32
          %add3A_669 = arith.constant 0 : i32
          %add3A_670 = arith.addi %add3A_669, %mul3A_668 : i32
          %mul3A_671 = arith.constant 16 : i32
          %mul3A_672 = arith.muli %add3A_670, %mul3A_671 : i32
          %get3A_673 = arith.index_cast %mul3A_672 : i32 to index
          %get3A_674 = tpu.vector_load %arg8[%get3A_673] {strides = array<i32>} : memref<512xf32, #tpu.memory_space<vmem>>, vector<16xf32>,
          %le3A_675 = arith.cmpf ole, %get3A_674, %bitcast_convert_type3A_584 : vector<16xf32>
          %all_reduce_population_count3A_676 = tpu.all_reduce %le3A_675 {dim = 0 : i64, kind = #tpu.reduction_kind<sum>} : vector<16xi1> -> vector<16xi32>
          %add3A_677 = arith.addi %add3A_664, %all_reduce_population_count3A_676 : vector<16xi32>
          %scan3A_678 = arith.constant 6 : i32
          %scan3A_679 = arith.addi %scan3A_601, %scan3A_678 : i32
          %mul3A_680 = arith.constant 1 : i32
          %mul3A_681 = arith.muli %scan3A_679, %mul3A_680 : i32
          %add3A_682 = arith.constant 0 : i32
          %add3A_683 = arith.addi %add3A_682, %mul3A_681 : i32
          %mul3A_684 = arith.constant 16 : i32
          %mul3A_685 = arith.muli %add3A_683, %mul3A_684 : i32
          %get3A_686 = arith.index_cast %mul3A_685 : i32 to index
          %get3A_687 = tpu.vector_load %arg8[%get3A_686] {strides = array<i32>} : memref<512xf32, #tpu.memory_space<vmem>>, vector<16xf32>,
          %le3A_688 = arith.cmpf ole, %get3A_687, %bitcast_convert_type3A_584 : vector<16xf32>
          %all_reduce_population_count3A_689 = tpu.all_reduce %le3A_688 {dim = 0 : i64, kind = #tpu.reduction_kind<sum>} : vector<16xi1> -> vector<16xi32>
          %add3A_690 = arith.addi %add3A_677, %all_reduce_population_count3A_689 : vector<16xi32>
          %scan3A_691 = arith.constant 7 : i32
          %scan3A_692 = arith.addi %scan3A_601, %scan3A_691 : i32
          %mul3A_693 = arith.constant 1 : i32
          %mul3A_694 = arith.muli %scan3A_692, %mul3A_693 : i32
          %add3A_695 = arith.constant 0 : i32
          %add3A_696 = arith.addi %add3A_695, %mul3A_694 : i32
          %mul3A_697 = arith.constant 16 : i32
          %mul3A_698 = arith.muli %add3A_696, %mul3A_697 : i32
          %get3A_699 = arith.index_cast %mul3A_698 : i32 to index
          %get3A_700 = tpu.vector_load %arg8[%get3A_699] {strides = array<i32>} : memref<512xf32, #tpu.memory_space<vmem>>, vector<16xf32>,
          %le3A_701 = arith.cmpf ole, %get3A_700, %bitcast_convert_type3A_584 : vector<16xf32>
          %all_reduce_population_count3A_702 = tpu.all_reduce %le3A_701 {dim = 0 : i64, kind = #tpu.reduction_kind<sum>} : vector<16xi1> -> vector<16xi32>
          %add3A_703 = arith.addi %add3A_690, %all_reduce_population_count3A_702 : vector<16xi32>
          scf.yield %add3A_703 : vector<16xi32>
        }
        %scan3A_592 = arith.constant 32 : i32
        %ge3A_593 = arith.constant 64 : i32
        %ge3A_594 = vector.broadcast %ge3A_593 : i32 to vector<16xi32>
        %ge3A_595 = arith.cmpi sge, %scan3A_591, %ge3A_594 : vector<16xi32>
        %add3A_596 = arith.constant 1 : i32
        %add3A_597 = vector.broadcast %add3A_596 : i32 to vector<16xi32>
        %add3A_598 = arith.addi %add3A_583, %add3A_597 : vector<16xi32>
        %select_n3A_599 = arith.select %ge3A_595, %scan3A_574, %add3A_598 : vector<16xi1>, vector<16xi32>
        %select_n3A_600 = arith.select %ge3A_595, %add3A_583, %scan3A_575 : vector<16xi1>, vector<16xi32>
        scf.yield %select_n3A_599, %select_n3A_600 : vector<16xi32>, vector<16xi32>
      }
      %scan3A_168 = arith.constant 31 : i32
      %bitcast_convert_type3A = tpu.bitcast %scan3A_167#0 : vector<16xi32> -> vector<16xf32>
      %broadcast_in_dim3A_169 = arith.constant 0 : i32
      %broadcast_in_dim3A_170 = vector.broadcast %broadcast_in_dim3A_169 : i32 to vector<16xi32>
      %scan3A_171 = arith.constant 0 : i32
      %scan3A_172 = arith.constant 32 : i32
      %scan3A_173 = arith.addi %scan3A_171, %scan3A_172 : i32
      %scan3A_174 = arith.constant 8 : i32
      %scan3A_175 = scf.for %scan3A_573 = %scan3A_171 to %scan3A_173 step %scan3A_174 iter_args(%scan3A_574 = %broadcast_in_dim3A_170) -> (vector<16xi32>)  : i32 {
        %mul3A_575 = arith.constant 1 : i32
        %mul3A_576 = arith.muli %scan3A_573, %mul3A_575 : i32
        %add3A_577 = arith.constant 0 : i32
        %add3A_578 = arith.addi %add3A_577, %mul3A_576 : i32
        %mul3A_579 = arith.constant 16 : i32
        %mul3A_580 = arith.muli %add3A_578, %mul3A_579 : i32
        %get3A_581 = arith.index_cast %mul3A_580 : i32 to index
        %get3A_582 = tpu.vector_load %arg8[%get3A_581] {strides = array<i32>} : memref<512xf32, #tpu.memory_space<vmem>>, vector<16xf32>,
        %lt3A = arith.cmpf olt, %get3A_582, %bitcast_convert_type3A : vector<16xf32>
        %all_reduce_population_count3A = tpu.all_reduce %lt3A {dim = 0 : i64, kind = #tpu.reduction_kind<sum>} : vector<16xi1> -> vector<16xi32>
        %add3A_583 = arith.addi %scan3A_574, %all_reduce_population_count3A : vector<16xi32>
        %scan3A_584 = arith.constant 1 : i32
        %scan3A_585 = arith.addi %scan3A_573, %scan3A_584 : i32
        %mul3A_586 = arith.constant 1 : i32
        %mul3A_587 = arith.muli %scan3A_585, %mul3A_586 : i32
        %add3A_588 = arith.constant 0 : i32
        %add3A_589 = arith.addi %add3A_588, %mul3A_587 : i32
        %mul3A_590 = arith.constant 16 : i32
        %mul3A_591 = arith.muli %add3A_589, %mul3A_590 : i32
        %get3A_592 = arith.index_cast %mul3A_591 : i32 to index
        %get3A_593 = tpu.vector_load %arg8[%get3A_592] {strides = array<i32>} : memref<512xf32, #tpu.memory_space<vmem>>, vector<16xf32>,
        %lt3A_594 = arith.cmpf olt, %get3A_593, %bitcast_convert_type3A : vector<16xf32>
        %all_reduce_population_count3A_595 = tpu.all_reduce %lt3A_594 {dim = 0 : i64, kind = #tpu.reduction_kind<sum>} : vector<16xi1> -> vector<16xi32>
        %add3A_596 = arith.addi %add3A_583, %all_reduce_population_count3A_595 : vector<16xi32>
        %scan3A_597 = arith.constant 2 : i32
        %scan3A_598 = arith.addi %scan3A_573, %scan3A_597 : i32
        %mul3A_599 = arith.constant 1 : i32
        %mul3A_600 = arith.muli %scan3A_598, %mul3A_599 : i32
        %add3A_601 = arith.constant 0 : i32
        %add3A_602 = arith.addi %add3A_601, %mul3A_600 : i32
        %mul3A_603 = arith.constant 16 : i32
        %mul3A_604 = arith.muli %add3A_602, %mul3A_603 : i32
        %get3A_605 = arith.index_cast %mul3A_604 : i32 to index
        %get3A_606 = tpu.vector_load %arg8[%get3A_605] {strides = array<i32>} : memref<512xf32, #tpu.memory_space<vmem>>, vector<16xf32>,
        %lt3A_607 = arith.cmpf olt, %get3A_606, %bitcast_convert_type3A : vector<16xf32>
        %all_reduce_population_count3A_608 = tpu.all_reduce %lt3A_607 {dim = 0 : i64, kind = #tpu.reduction_kind<sum>} : vector<16xi1> -> vector<16xi32>
        %add3A_609 = arith.addi %add3A_596, %all_reduce_population_count3A_608 : vector<16xi32>
        %scan3A_610 = arith.constant 3 : i32
        %scan3A_611 = arith.addi %scan3A_573, %scan3A_610 : i32
        %mul3A_612 = arith.constant 1 : i32
        %mul3A_613 = arith.muli %scan3A_611, %mul3A_612 : i32
        %add3A_614 = arith.constant 0 : i32
        %add3A_615 = arith.addi %add3A_614, %mul3A_613 : i32
        %mul3A_616 = arith.constant 16 : i32
        %mul3A_617 = arith.muli %add3A_615, %mul3A_616 : i32
        %get3A_618 = arith.index_cast %mul3A_617 : i32 to index
        %get3A_619 = tpu.vector_load %arg8[%get3A_618] {strides = array<i32>} : memref<512xf32, #tpu.memory_space<vmem>>, vector<16xf32>,
        %lt3A_620 = arith.cmpf olt, %get3A_619, %bitcast_convert_type3A : vector<16xf32>
        %all_reduce_population_count3A_621 = tpu.all_reduce %lt3A_620 {dim = 0 : i64, kind = #tpu.reduction_kind<sum>} : vector<16xi1> -> vector<16xi32>
        %add3A_622 = arith.addi %add3A_609, %all_reduce_population_count3A_621 : vector<16xi32>
        %scan3A_623 = arith.constant 4 : i32
        %scan3A_624 = arith.addi %scan3A_573, %scan3A_623 : i32
        %mul3A_625 = arith.constant 1 : i32
        %mul3A_626 = arith.muli %scan3A_624, %mul3A_625 : i32
        %add3A_627 = arith.constant 0 : i32
        %add3A_628 = arith.addi %add3A_627, %mul3A_626 : i32
        %mul3A_629 = arith.constant 16 : i32
        %mul3A_630 = arith.muli %add3A_628, %mul3A_629 : i32
        %get3A_631 = arith.index_cast %mul3A_630 : i32 to index
        %get3A_632 = tpu.vector_load %arg8[%get3A_631] {strides = array<i32>} : memref<512xf32, #tpu.memory_space<vmem>>, vector<16xf32>,
        %lt3A_633 = arith.cmpf olt, %get3A_632, %bitcast_convert_type3A : vector<16xf32>
        %all_reduce_population_count3A_634 = tpu.all_reduce %lt3A_633 {dim = 0 : i64, kind = #tpu.reduction_kind<sum>} : vector<16xi1> -> vector<16xi32>
        %add3A_635 = arith.addi %add3A_622, %all_reduce_population_count3A_634 : vector<16xi32>
        %scan3A_636 = arith.constant 5 : i32
        %scan3A_637 = arith.addi %scan3A_573, %scan3A_636 : i32
        %mul3A_638 = arith.constant 1 : i32
        %mul3A_639 = arith.muli %scan3A_637, %mul3A_638 : i32
        %add3A_640 = arith.constant 0 : i32
        %add3A_641 = arith.addi %add3A_640, %mul3A_639 : i32
        %mul3A_642 = arith.constant 16 : i32
        %mul3A_643 = arith.muli %add3A_641, %mul3A_642 : i32
        %get3A_644 = arith.index_cast %mul3A_643 : i32 to index
        %get3A_645 = tpu.vector_load %arg8[%get3A_644] {strides = array<i32>} : memref<512xf32, #tpu.memory_space<vmem>>, vector<16xf32>,
        %lt3A_646 = arith.cmpf olt, %get3A_645, %bitcast_convert_type3A : vector<16xf32>
        %all_reduce_population_count3A_647 = tpu.all_reduce %lt3A_646 {dim = 0 : i64, kind = #tpu.reduction_kind<sum>} : vector<16xi1> -> vector<16xi32>
        %add3A_648 = arith.addi %add3A_635, %all_reduce_population_count3A_647 : vector<16xi32>
        %scan3A_649 = arith.constant 6 : i32
        %scan3A_650 = arith.addi %scan3A_573, %scan3A_649 : i32
        %mul3A_651 = arith.constant 1 : i32
        %mul3A_652 = arith.muli %scan3A_650, %mul3A_651 : i32
        %add3A_653 = arith.constant 0 : i32
        %add3A_654 = arith.addi %add3A_653, %mul3A_652 : i32
        %mul3A_655 = arith.constant 16 : i32
        %mul3A_656 = arith.muli %add3A_654, %mul3A_655 : i32
        %get3A_657 = arith.index_cast %mul3A_656 : i32 to index
        %get3A_658 = tpu.vector_load %arg8[%get3A_657] {strides = array<i32>} : memref<512xf32, #tpu.memory_space<vmem>>, vector<16xf32>,
        %lt3A_659 = arith.cmpf olt, %get3A_658, %bitcast_convert_type3A : vector<16xf32>
        %all_reduce_population_count3A_660 = tpu.all_reduce %lt3A_659 {dim = 0 : i64, kind = #tpu.reduction_kind<sum>} : vector<16xi1> -> vector<16xi32>
        %add3A_661 = arith.addi %add3A_648, %all_reduce_population_count3A_660 : vector<16xi32>
        %scan3A_662 = arith.constant 7 : i32
        %scan3A_663 = arith.addi %scan3A_573, %scan3A_662 : i32
        %mul3A_664 = arith.constant 1 : i32
        %mul3A_665 = arith.muli %scan3A_663, %mul3A_664 : i32
        %add3A_666 = arith.constant 0 : i32
        %add3A_667 = arith.addi %add3A_666, %mul3A_665 : i32
        %mul3A_668 = arith.constant 16 : i32
        %mul3A_669 = arith.muli %add3A_667, %mul3A_668 : i32
        %get3A_670 = arith.index_cast %mul3A_669 : i32 to index
        %get3A_671 = tpu.vector_load %arg8[%get3A_670] {strides = array<i32>} : memref<512xf32, #tpu.memory_space<vmem>>, vector<16xf32>,
        %lt3A_672 = arith.cmpf olt, %get3A_671, %bitcast_convert_type3A : vector<16xf32>
        %all_reduce_population_count3A_673 = tpu.all_reduce %lt3A_672 {dim = 0 : i64, kind = #tpu.reduction_kind<sum>} : vector<16xi1> -> vector<16xi32>
        %add3A_674 = arith.addi %add3A_661, %all_reduce_population_count3A_673 : vector<16xi32>
        scf.yield %add3A_674 : vector<16xi32>
      }
      %scan3A_176 = arith.constant 32 : i32
      %sub3A_177 = arith.constant 64 : i32
      %sub3A_178 = vector.broadcast %sub3A_177 : i32 to vector<16xi32>
      %sub3A_179 = arith.subi %sub3A_178, %scan3A_175 : vector<16xi32>
      %broadcast_in_dim3A_180 = arith.constant 0 : i32
      %broadcast_in_dim3A_181 = vector.broadcast %broadcast_in_dim3A_180 : i32 to vector<16xi32>
      %broadcast_in_dim3A_182 = arith.constant 0 : i32
      %broadcast_in_dim3A_183 = vector.broadcast %broadcast_in_dim3A_182 : i32 to vector<16xi32>
      %scan3A_184 = arith.constant 0 : i32
      %scan3A_185 = arith.constant 32 : i32
      %scan3A_186 = arith.addi %scan3A_184, %scan3A_185 : i32
      %scan3A_187 = arith.constant 4 : i32
      %scan3A_188:2 = scf.for %scan3A_573 = %scan3A_184 to %scan3A_186 step %scan3A_187 iter_args(%scan3A_574 = %broadcast_in_dim3A_181, %scan3A_575 = %broadcast_in_dim3A_183) -> (vector<16xi32>, vector<16xi32>)  : i32 {
        %mul3A_576 = arith.constant 1 : i32
        %mul3A_577 = arith.muli %scan3A_573, %mul3A_576 : i32
        %add3A_578 = arith.constant 0 : i32
        %add3A_579 = arith.addi %add3A_578, %mul3A_577 : i32
        %mul3A_580 = arith.constant 16 : i32
        %mul3A_581 = arith.muli %add3A_579, %mul3A_580 : i32
        %get3A_582 = arith.index_cast %mul3A_581 : i32 to index
        %get3A_583 = tpu.vector_load %arg8[%get3A_582] {strides = array<i32>} : memref<512xf32, #tpu.memory_space<vmem>>, vector<16xf32>,
        %mul3A_584 = arith.constant 16 : i32
        %mul3A_585 = arith.muli %add3A_579, %mul3A_584 : i32
        %get3A_586 = arith.index_cast %mul3A_585 : i32 to index
        %get3A_587 = tpu.vector_load %arg9[%get3A_586] {strides = array<i32>} : memref<512xi32, #tpu.memory_space<vmem>>, vector<16xi32>,
        %lt3A = arith.cmpf olt, %get3A_583, %bitcast_convert_type3A : vector<16xf32>
        %eq3A = arith.cmpf oeq, %get3A_583, %bitcast_convert_type3A : vector<16xf32>
        %jit3A = arith.constant 1 : i32
        %jit3A_588 = arith.constant 0 : i32
        %broadcast_in_dim3A_589 = vector.broadcast %jit3A : i32 to vector<16xi32>
        %broadcast_in_dim3A_590 = vector.broadcast %jit3A_588 : i32 to vector<16xi32>
        %select_n3A_591 = arith.select %eq3A, %broadcast_in_dim3A_589, %broadcast_in_dim3A_590 : vector<16xi1>, vector<16xi32>
        %broadcast_in_dim3A_592 = arith.constant true
        %broadcast_in_dim3A_593 = vector.broadcast %broadcast_in_dim3A_592 : i1 to vector<16xi1>
        %masked_cumsum3A = tpu.scan <sum>, %select_n3A_591 masked %broadcast_in_dim3A_593 : vector<16xi32>, vector<16xi1> -> vector<16xi32>
        %add3A_594 = arith.addi %scan3A_575, %masked_cumsum3A : vector<16xi32>
        %sub3A_595 = arith.constant 1 : i32
        %sub3A_596 = vector.broadcast %sub3A_595 : i32 to vector<16xi32>
        %sub3A_597 = arith.subi %add3A_594, %sub3A_596 : vector<16xi32>
        %lt3A_598 = arith.cmpi slt, %sub3A_597, %sub3A_179 : vector<16xi32>
        %and3A = arith.andi %eq3A, %lt3A_598 : vector<16xi1>
        %or3A = arith.ori %lt3A, %and3A : vector<16xi1>
        %jit3A_599 = arith.constant 1 : i32
        %jit3A_600 = arith.constant 0 : i32
        %broadcast_in_dim3A_601 = vector.broadcast %jit3A_599 : i32 to vector<16xi32>
        %broadcast_in_dim3A_602 = vector.broadcast %jit3A_600 : i32 to vector<16xi32>
        %select_n3A_603 = arith.select %or3A, %broadcast_in_dim3A_601, %broadcast_in_dim3A_602 : vector<16xi1>, vector<16xi32>
        %broadcast_in_dim3A_604 = arith.constant true
        %broadcast_in_dim3A_605 = vector.broadcast %broadcast_in_dim3A_604 : i1 to vector<16xi1>
        %masked_cumsum3A_606 = tpu.scan <sum>, %select_n3A_603 masked %broadcast_in_dim3A_605 : vector<16xi32>, vector<16xi1> -> vector<16xi32>
        %add3A_607 = arith.addi %scan3A_574, %masked_cumsum3A_606 : vector<16xi32>
        %sub3A_608 = arith.constant 1 : i32
        %sub3A_609 = vector.broadcast %sub3A_608 : i32 to vector<16xi32>
        %sub3A_610 = arith.subi %add3A_607, %sub3A_609 : vector<16xi32>
        tpu.vector_store_idx %arg8[%sub3A_610], %get3A_583 masked %or3A : memref<512xf32, #tpu.memory_space<vmem>>[vector<16xi32>], vector<16xf32>, vector<16xi1>
        tpu.vector_store_idx %arg9[%sub3A_610], %get3A_587 masked %or3A : memref<512xi32, #tpu.memory_space<vmem>>[vector<16xi32>], vector<16xi32>, vector<16xi1>
        %all_reduce_population_count3A = tpu.all_reduce %or3A {dim = 0 : i64, kind = #tpu.reduction_kind<sum>} : vector<16xi1> -> vector<16xi32>
        %add3A_611 = arith.addi %scan3A_574, %all_reduce_population_count3A : vector<16xi32>
        %all_reduce_population_count3A_612 = tpu.all_reduce %eq3A {dim = 0 : i64, kind = #tpu.reduction_kind<sum>} : vector<16xi1> -> vector<16xi32>
        %add3A_613 = arith.addi %scan3A_575, %all_reduce_population_count3A_612 : vector<16xi32>
        %scan3A_614 = arith.constant 1 : i32
        %scan3A_615 = arith.addi %scan3A_573, %scan3A_614 : i32
        %mul3A_616 = arith.constant 1 : i32
        %mul3A_617 = arith.muli %scan3A_615, %mul3A_616 : i32
        %add3A_618 = arith.constant 0 : i32
        %add3A_619 = arith.addi %add3A_618, %mul3A_617 : i32
        %mul3A_620 = arith.constant 16 : i32
        %mul3A_621 = arith.muli %add3A_619, %mul3A_620 : i32
        %get3A_622 = arith.index_cast %mul3A_621 : i32 to index
        %get3A_623 = tpu.vector_load %arg8[%get3A_622] {strides = array<i32>} : memref<512xf32, #tpu.memory_space<vmem>>, vector<16xf32>,
        %mul3A_624 = arith.constant 16 : i32
        %mul3A_625 = arith.muli %add3A_619, %mul3A_624 : i32
        %get3A_626 = arith.index_cast %mul3A_625 : i32 to index
        %get3A_627 = tpu.vector_load %arg9[%get3A_626] {strides = array<i32>} : memref<512xi32, #tpu.memory_space<vmem>>, vector<16xi32>,
        %lt3A_628 = arith.cmpf olt, %get3A_623, %bitcast_convert_type3A : vector<16xf32>
        %eq3A_629 = arith.cmpf oeq, %get3A_623, %bitcast_convert_type3A : vector<16xf32>
        %jit3A_630 = arith.constant 1 : i32
        %jit3A_631 = arith.constant 0 : i32
        %broadcast_in_dim3A_632 = vector.broadcast %jit3A_630 : i32 to vector<16xi32>
        %broadcast_in_dim3A_633 = vector.broadcast %jit3A_631 : i32 to vector<16xi32>
        %select_n3A_634 = arith.select %eq3A_629, %broadcast_in_dim3A_632, %broadcast_in_dim3A_633 : vector<16xi1>, vector<16xi32>
        %broadcast_in_dim3A_635 = arith.constant true
        %broadcast_in_dim3A_636 = vector.broadcast %broadcast_in_dim3A_635 : i1 to vector<16xi1>
        %masked_cumsum3A_637 = tpu.scan <sum>, %select_n3A_634 masked %broadcast_in_dim3A_636 : vector<16xi32>, vector<16xi1> -> vector<16xi32>
        %add3A_638 = arith.addi %add3A_613, %masked_cumsum3A_637 : vector<16xi32>
        %sub3A_639 = arith.constant 1 : i32
        %sub3A_640 = vector.broadcast %sub3A_639 : i32 to vector<16xi32>
        %sub3A_641 = arith.subi %add3A_638, %sub3A_640 : vector<16xi32>
        %lt3A_642 = arith.cmpi slt, %sub3A_641, %sub3A_179 : vector<16xi32>
        %and3A_643 = arith.andi %eq3A_629, %lt3A_642 : vector<16xi1>
        %or3A_644 = arith.ori %lt3A_628, %and3A_643 : vector<16xi1>
        %jit3A_645 = arith.constant 1 : i32
        %jit3A_646 = arith.constant 0 : i32
        %broadcast_in_dim3A_647 = vector.broadcast %jit3A_645 : i32 to vector<16xi32>
        %broadcast_in_dim3A_648 = vector.broadcast %jit3A_646 : i32 to vector<16xi32>
        %select_n3A_649 = arith.select %or3A_644, %broadcast_in_dim3A_647, %broadcast_in_dim3A_648 : vector<16xi1>, vector<16xi32>
        %broadcast_in_dim3A_650 = arith.constant true
        %broadcast_in_dim3A_651 = vector.broadcast %broadcast_in_dim3A_650 : i1 to vector<16xi1>
        %masked_cumsum3A_652 = tpu.scan <sum>, %select_n3A_649 masked %broadcast_in_dim3A_651 : vector<16xi32>, vector<16xi1> -> vector<16xi32>
        %add3A_653 = arith.addi %add3A_611, %masked_cumsum3A_652 : vector<16xi32>
        %sub3A_654 = arith.constant 1 : i32
        %sub3A_655 = vector.broadcast %sub3A_654 : i32 to vector<16xi32>
        %sub3A_656 = arith.subi %add3A_653, %sub3A_655 : vector<16xi32>
        tpu.vector_store_idx %arg8[%sub3A_656], %get3A_623 masked %or3A_644 : memref<512xf32, #tpu.memory_space<vmem>>[vector<16xi32>], vector<16xf32>, vector<16xi1>
        tpu.vector_store_idx %arg9[%sub3A_656], %get3A_627 masked %or3A_644 : memref<512xi32, #tpu.memory_space<vmem>>[vector<16xi32>], vector<16xi32>, vector<16xi1>
        %all_reduce_population_count3A_657 = tpu.all_reduce %or3A_644 {dim = 0 : i64, kind = #tpu.reduction_kind<sum>} : vector<16xi1> -> vector<16xi32>
        %add3A_658 = arith.addi %add3A_611, %all_reduce_population_count3A_657 : vector<16xi32>
        %all_reduce_population_count3A_659 = tpu.all_reduce %eq3A_629 {dim = 0 : i64, kind = #tpu.reduction_kind<sum>} : vector<16xi1> -> vector<16xi32>
        %add3A_660 = arith.addi %add3A_613, %all_reduce_population_count3A_659 : vector<16xi32>
        %scan3A_661 = arith.constant 2 : i32
        %scan3A_662 = arith.addi %scan3A_573, %scan3A_661 : i32
        %mul3A_663 = arith.constant 1 : i32
        %mul3A_664 = arith.muli %scan3A_662, %mul3A_663 : i32
        %add3A_665 = arith.constant 0 : i32
        %add3A_666 = arith.addi %add3A_665, %mul3A_664 : i32
        %mul3A_667 = arith.constant 16 : i32
        %mul3A_668 = arith.muli %add3A_666, %mul3A_667 : i32
        %get3A_669 = arith.index_cast %mul3A_668 : i32 to index
        %get3A_670 = tpu.vector_load %arg8[%get3A_669] {strides = array<i32>} : memref<512xf32, #tpu.memory_space<vmem>>, vector<16xf32>,
        %mul3A_671 = arith.constant 16 : i32
        %mul3A_672 = arith.muli %add3A_666, %mul3A_671 : i32
        %get3A_673 = arith.index_cast %mul3A_672 : i32 to index
        %get3A_674 = tpu.vector_load %arg9[%get3A_673] {strides = array<i32>} : memref<512xi32, #tpu.memory_space<vmem>>, vector<16xi32>,
        %lt3A_675 = arith.cmpf olt, %get3A_670, %bitcast_convert_type3A : vector<16xf32>
        %eq3A_676 = arith.cmpf oeq, %get3A_670, %bitcast_convert_type3A : vector<16xf32>
        %jit3A_677 = arith.constant 1 : i32
        %jit3A_678 = arith.constant 0 : i32
        %broadcast_in_dim3A_679 = vector.broadcast %jit3A_677 : i32 to vector<16xi32>
        %broadcast_in_dim3A_680 = vector.broadcast %jit3A_678 : i32 to vector<16xi32>
        %select_n3A_681 = arith.select %eq3A_676, %broadcast_in_dim3A_679, %broadcast_in_dim3A_680 : vector<16xi1>, vector<16xi32>
        %broadcast_in_dim3A_682 = arith.constant true
        %broadcast_in_dim3A_683 = vector.broadcast %broadcast_in_dim3A_682 : i1 to vector<16xi1>
        %masked_cumsum3A_684 = tpu.scan <sum>, %select_n3A_681 masked %broadcast_in_dim3A_683 : vector<16xi32>, vector<16xi1> -> vector<16xi32>
        %add3A_685 = arith.addi %add3A_660, %masked_cumsum3A_684 : vector<16xi32>
        %sub3A_686 = arith.constant 1 : i32
        %sub3A_687 = vector.broadcast %sub3A_686 : i32 to vector<16xi32>
        %sub3A_688 = arith.subi %add3A_685, %sub3A_687 : vector<16xi32>
        %lt3A_689 = arith.cmpi slt, %sub3A_688, %sub3A_179 : vector<16xi32>
        %and3A_690 = arith.andi %eq3A_676, %lt3A_689 : vector<16xi1>
        %or3A_691 = arith.ori %lt3A_675, %and3A_690 : vector<16xi1>
        %jit3A_692 = arith.constant 1 : i32
        %jit3A_693 = arith.constant 0 : i32
        %broadcast_in_dim3A_694 = vector.broadcast %jit3A_692 : i32 to vector<16xi32>
        %broadcast_in_dim3A_695 = vector.broadcast %jit3A_693 : i32 to vector<16xi32>
        %select_n3A_696 = arith.select %or3A_691, %broadcast_in_dim3A_694, %broadcast_in_dim3A_695 : vector<16xi1>, vector<16xi32>
        %broadcast_in_dim3A_697 = arith.constant true
        %broadcast_in_dim3A_698 = vector.broadcast %broadcast_in_dim3A_697 : i1 to vector<16xi1>
        %masked_cumsum3A_699 = tpu.scan <sum>, %select_n3A_696 masked %broadcast_in_dim3A_698 : vector<16xi32>, vector<16xi1> -> vector<16xi32>
        %add3A_700 = arith.addi %add3A_658, %masked_cumsum3A_699 : vector<16xi32>
        %sub3A_701 = arith.constant 1 : i32
        %sub3A_702 = vector.broadcast %sub3A_701 : i32 to vector<16xi32>
        %sub3A_703 = arith.subi %add3A_700, %sub3A_702 : vector<16xi32>
        tpu.vector_store_idx %arg8[%sub3A_703], %get3A_670 masked %or3A_691 : memref<512xf32, #tpu.memory_space<vmem>>[vector<16xi32>], vector<16xf32>, vector<16xi1>
        tpu.vector_store_idx %arg9[%sub3A_703], %get3A_674 masked %or3A_691 : memref<512xi32, #tpu.memory_space<vmem>>[vector<16xi32>], vector<16xi32>, vector<16xi1>
        %all_reduce_population_count3A_704 = tpu.all_reduce %or3A_691 {dim = 0 : i64, kind = #tpu.reduction_kind<sum>} : vector<16xi1> -> vector<16xi32>
        %add3A_705 = arith.addi %add3A_658, %all_reduce_population_count3A_704 : vector<16xi32>
        %all_reduce_population_count3A_706 = tpu.all_reduce %eq3A_676 {dim = 0 : i64, kind = #tpu.reduction_kind<sum>} : vector<16xi1> -> vector<16xi32>
        %add3A_707 = arith.addi %add3A_660, %all_reduce_population_count3A_706 : vector<16xi32>
        %scan3A_708 = arith.constant 3 : i32
        %scan3A_709 = arith.addi %scan3A_573, %scan3A_708 : i32
        %mul3A_710 = arith.constant 1 : i32
        %mul3A_711 = arith.muli %scan3A_709, %mul3A_710 : i32
        %add3A_712 = arith.constant 0 : i32
        %add3A_713 = arith.addi %add3A_712, %mul3A_711 : i32
        %mul3A_714 = arith.constant 16 : i32
        %mul3A_715 = arith.muli %add3A_713, %mul3A_714 : i32
        %get3A_716 = arith.index_cast %mul3A_715 : i32 to index
        %get3A_717 = tpu.vector_load %arg8[%get3A_716] {strides = array<i32>} : memref<512xf32, #tpu.memory_space<vmem>>, vector<16xf32>,
        %mul3A_718 = arith.constant 16 : i32
        %mul3A_719 = arith.muli %add3A_713, %mul3A_718 : i32
        %get3A_720 = arith.index_cast %mul3A_719 : i32 to index
        %get3A_721 = tpu.vector_load %arg9[%get3A_720] {strides = array<i32>} : memref<512xi32, #tpu.memory_space<vmem>>, vector<16xi32>,
        %lt3A_722 = arith.cmpf olt, %get3A_717, %bitcast_convert_type3A : vector<16xf32>
        %eq3A_723 = arith.cmpf oeq, %get3A_717, %bitcast_convert_type3A : vector<16xf32>
        %jit3A_724 = arith.constant 1 : i32
        %jit3A_725 = arith.constant 0 : i32
        %broadcast_in_dim3A_726 = vector.broadcast %jit3A_724 : i32 to vector<16xi32>
        %broadcast_in_dim3A_727 = vector.broadcast %jit3A_725 : i32 to vector<16xi32>
        %select_n3A_728 = arith.select %eq3A_723, %broadcast_in_dim3A_726, %broadcast_in_dim3A_727 : vector<16xi1>, vector<16xi32>
        %broadcast_in_dim3A_729 = arith.constant true
        %broadcast_in_dim3A_730 = vector.broadcast %broadcast_in_dim3A_729 : i1 to vector<16xi1>
        %masked_cumsum3A_731 = tpu.scan <sum>, %select_n3A_728 masked %broadcast_in_dim3A_730 : vector<16xi32>, vector<16xi1> -> vector<16xi32>
        %add3A_732 = arith.addi %add3A_707, %masked_cumsum3A_731 : vector<16xi32>
        %sub3A_733 = arith.constant 1 : i32
        %sub3A_734 = vector.broadcast %sub3A_733 : i32 to vector<16xi32>
        %sub3A_735 = arith.subi %add3A_732, %sub3A_734 : vector<16xi32>
        %lt3A_736 = arith.cmpi slt, %sub3A_735, %sub3A_179 : vector<16xi32>
        %and3A_737 = arith.andi %eq3A_723, %lt3A_736 : vector<16xi1>
        %or3A_738 = arith.ori %lt3A_722, %and3A_737 : vector<16xi1>
        %jit3A_739 = arith.constant 1 : i32
        %jit3A_740 = arith.constant 0 : i32
        %broadcast_in_dim3A_741 = vector.broadcast %jit3A_739 : i32 to vector<16xi32>
        %broadcast_in_dim3A_742 = vector.broadcast %jit3A_740 : i32 to vector<16xi32>
        %select_n3A_743 = arith.select %or3A_738, %broadcast_in_dim3A_741, %broadcast_in_dim3A_742 : vector<16xi1>, vector<16xi32>
        %broadcast_in_dim3A_744 = arith.constant true
        %broadcast_in_dim3A_745 = vector.broadcast %broadcast_in_dim3A_744 : i1 to vector<16xi1>
        %masked_cumsum3A_746 = tpu.scan <sum>, %select_n3A_743 masked %broadcast_in_dim3A_745 : vector<16xi32>, vector<16xi1> -> vector<16xi32>
        %add3A_747 = arith.addi %add3A_705, %masked_cumsum3A_746 : vector<16xi32>
        %sub3A_748 = arith.constant 1 : i32
        %sub3A_749 = vector.broadcast %sub3A_748 : i32 to vector<16xi32>
        %sub3A_750 = arith.subi %add3A_747, %sub3A_749 : vector<16xi32>
        tpu.vector_store_idx %arg8[%sub3A_750], %get3A_717 masked %or3A_738 : memref<512xf32, #tpu.memory_space<vmem>>[vector<16xi32>], vector<16xf32>, vector<16xi1>
        tpu.vector_store_idx %arg9[%sub3A_750], %get3A_721 masked %or3A_738 : memref<512xi32, #tpu.memory_space<vmem>>[vector<16xi32>], vector<16xi32>, vector<16xi1>
        %all_reduce_population_count3A_751 = tpu.all_reduce %or3A_738 {dim = 0 : i64, kind = #tpu.reduction_kind<sum>} : vector<16xi1> -> vector<16xi32>
        %add3A_752 = arith.addi %add3A_705, %all_reduce_population_count3A_751 : vector<16xi32>
        %all_reduce_population_count3A_753 = tpu.all_reduce %eq3A_723 {dim = 0 : i64, kind = #tpu.reduction_kind<sum>} : vector<16xi1> -> vector<16xi32>
        %add3A_754 = arith.addi %add3A_707, %all_reduce_population_count3A_753 : vector<16xi32>
        scf.yield %add3A_752, %add3A_754 : vector<16xi32>, vector<16xi32>
      }
      %scan3A_189 = arith.constant 32 : i32
      %scan3A_190 = arith.constant 0 : i32
      %scan3A_191 = arith.constant 28 : i32
      %scan3A_192 = arith.addi %scan3A_190, %scan3A_191 : i32
      %scan3A_193 = arith.constant 4 : i32
      scf.for %scan3A_573 = %scan3A_190 to %scan3A_192 step %scan3A_193  : i32 {
        %mul3A_574 = arith.constant 1 : i32
        %mul3A_575 = arith.muli %scan3A_573, %mul3A_574 : i32
        %add3A_576 = arith.constant 4 : i32
        %add3A_577 = arith.addi %add3A_576, %mul3A_575 : i32
        %mul3A_578 = arith.constant 16 : i32
        %mul3A_579 = arith.muli %add3A_577, %mul3A_578 : i32
        %swap3A_580 = arith.index_cast %mul3A_579 : i32 to index
        %swap3A_581 = tpu.vector_load %arg8[%swap3A_580] {strides = array<i32>} : memref<512xf32, #tpu.memory_space<vmem>>, vector<16xf32>,
        tpu.vector_store %arg8[%swap3A_580], %broadcast_in_dim3A_1 {strides = array<i32>} : memref<512xf32, #tpu.memory_space<vmem>>, vector<16xf32>,
        %scan3A_582 = arith.constant 1 : i32
        %scan3A_583 = arith.addi %scan3A_573, %scan3A_582 : i32
        %mul3A_584 = arith.constant 1 : i32
        %mul3A_585 = arith.muli %scan3A_583, %mul3A_584 : i32
        %add3A_586 = arith.constant 4 : i32
        %add3A_587 = arith.addi %add3A_586, %mul3A_585 : i32
        %mul3A_588 = arith.constant 16 : i32
        %mul3A_589 = arith.muli %add3A_587, %mul3A_588 : i32
        %swap3A_590 = arith.index_cast %mul3A_589 : i32 to index
        %swap3A_591 = tpu.vector_load %arg8[%swap3A_590] {strides = array<i32>} : memref<512xf32, #tpu.memory_space<vmem>>, vector<16xf32>,
        tpu.vector_store %arg8[%swap3A_590], %broadcast_in_dim3A_1 {strides = array<i32>} : memref<512xf32, #tpu.memory_space<vmem>>, vector<16xf32>,
        %scan3A_592 = arith.constant 2 : i32
        %scan3A_593 = arith.addi %scan3A_573, %scan3A_592 : i32
        %mul3A_594 = arith.constant 1 : i32
        %mul3A_595 = arith.muli %scan3A_593, %mul3A_594 : i32
        %add3A_596 = arith.constant 4 : i32
        %add3A_597 = arith.addi %add3A_596, %mul3A_595 : i32
        %mul3A_598 = arith.constant 16 : i32
        %mul3A_599 = arith.muli %add3A_597, %mul3A_598 : i32
        %swap3A_600 = arith.index_cast %mul3A_599 : i32 to index
        %swap3A_601 = tpu.vector_load %arg8[%swap3A_600] {strides = array<i32>} : memref<512xf32, #tpu.memory_space<vmem>>, vector<16xf32>,
        tpu.vector_store %arg8[%swap3A_600], %broadcast_in_dim3A_1 {strides = array<i32>} : memref<512xf32, #tpu.memory_space<vmem>>, vector<16xf32>,
        %scan3A_602 = arith.constant 3 : i32
        %scan3A_603 = arith.addi %scan3A_573, %scan3A_602 : i32
        %mul3A_604 = arith.constant 1 : i32
        %mul3A_605 = arith.muli %scan3A_603, %mul3A_604 : i32
        %add3A_606 = arith.constant 4 : i32
        %add3A_607 = arith.addi %add3A_606, %mul3A_605 : i32
        %mul3A_608 = arith.constant 16 : i32
        %mul3A_609 = arith.muli %add3A_607, %mul3A_608 : i32
        %swap3A_610 = arith.index_cast %mul3A_609 : i32 to index
        %swap3A_611 = tpu.vector_load %arg8[%swap3A_610] {strides = array<i32>} : memref<512xf32, #tpu.memory_space<vmem>>, vector<16xf32>,
        tpu.vector_store %arg8[%swap3A_610], %broadcast_in_dim3A_1 {strides = array<i32>} : memref<512xf32, #tpu.memory_space<vmem>>, vector<16xf32>,
      }
      %scan3A_194 = arith.constant 28 : i32
      %broadcast_in_dim3A_195 = arith.constant 64 : i32
      %broadcast_in_dim3A_196 = vector.broadcast %broadcast_in_dim3A_195 : i32 to vector<16xi32>
      %get3A = arith.constant 0 : index
      %get3A_197 = tpu.vector_load %arg8[%get3A] {strides = array<i32>} : memref<512xf32, #tpu.memory_space<vmem>>, vector<16xf32>,
      %get3A_198 = arith.constant 0 : index
      %get3A_199 = tpu.vector_load %arg9[%get3A_198] {strides = array<i32>} : memref<512xi32, #tpu.memory_space<vmem>>, vector<16xi32>,
      %masked_sort3A = arith.constant dense<true> : vector<16xi1>
      %masked_sort3A_200, %masked_sort3A_201, %masked_sort3A_202 = tpu.sort %get3A_197, %get3A_199 masked %masked_sort3A : (vector<16xf32>, vector<16xi32>, vector<16xi1>) -> (vector<16xi1>, vector<16xf32>, vector<16xi32>)
      %get3A_203 = arith.constant 16 : index
      %get3A_204 = tpu.vector_load %arg8[%get3A_203] {strides = array<i32>} : memref<512xf32, #tpu.memory_space<vmem>>, vector<16xf32>,
      %get3A_205 = arith.constant 16 : index
      %get3A_206 = tpu.vector_load %arg9[%get3A_205] {strides = array<i32>} : memref<512xi32, #tpu.memory_space<vmem>>, vector<16xi32>,
      %masked_sort3A_207 = arith.constant dense<true> : vector<16xi1>
      %masked_sort3A_208, %masked_sort3A_209, %masked_sort3A_210 = tpu.sort %get3A_204, %get3A_206 masked %masked_sort3A_207 : (vector<16xf32>, vector<16xi32>, vector<16xi1>) -> (vector<16xi1>, vector<16xf32>, vector<16xi32>)
      %get3A_211 = arith.constant 32 : index
      %get3A_212 = tpu.vector_load %arg8[%get3A_211] {strides = array<i32>} : memref<512xf32, #tpu.memory_space<vmem>>, vector<16xf32>,
      %get3A_213 = arith.constant 32 : index
      %get3A_214 = tpu.vector_load %arg9[%get3A_213] {strides = array<i32>} : memref<512xi32, #tpu.memory_space<vmem>>, vector<16xi32>,
      %masked_sort3A_215 = arith.constant dense<true> : vector<16xi1>
      %masked_sort3A_216, %masked_sort3A_217, %masked_sort3A_218 = tpu.sort %get3A_212, %get3A_214 masked %masked_sort3A_215 : (vector<16xf32>, vector<16xi32>, vector<16xi1>) -> (vector<16xi1>, vector<16xf32>, vector<16xi32>)
      %get3A_219 = arith.constant 48 : index
      %get3A_220 = tpu.vector_load %arg8[%get3A_219] {strides = array<i32>} : memref<512xf32, #tpu.memory_space<vmem>>, vector<16xf32>,
      %get3A_221 = arith.constant 48 : index
      %get3A_222 = tpu.vector_load %arg9[%get3A_221] {strides = array<i32>} : memref<512xi32, #tpu.memory_space<vmem>>, vector<16xi32>,
      %masked_sort3A_223 = arith.constant dense<true> : vector<16xi1>
      %masked_sort3A_224, %masked_sort3A_225, %masked_sort3A_226 = tpu.sort %get3A_220, %get3A_222 masked %masked_sort3A_223 : (vector<16xf32>, vector<16xi32>, vector<16xi1>) -> (vector<16xi1>, vector<16xf32>, vector<16xi32>)
      %rev3A = arith.constant 15 : i32
      %rev3A_227 = vector.broadcast %rev3A : i32 to vector<16xi32>
      %rev3A_228 = tpu.iota {dimensions = array<i32: 0>} : vector<16xi32>
      %rev3A_229 = arith.subi %rev3A_227, %rev3A_228 : vector<16xi32>
      %rev3A_230 = tpu.dynamic_gather %masked_sort3A_209[%rev3A_229] in [0] : vector<16xf32>, vector<16xi32> -> vector<16xf32>
      %rev3A_231 = arith.constant 15 : i32
      %rev3A_232 = vector.broadcast %rev3A_231 : i32 to vector<16xi32>
      %rev3A_233 = tpu.iota {dimensions = array<i32: 0>} : vector<16xi32>
      %rev3A_234 = arith.subi %rev3A_232, %rev3A_233 : vector<16xi32>
      %rev3A_235 = tpu.dynamic_gather %masked_sort3A_210[%rev3A_234] in [0] : vector<16xi32>, vector<16xi32> -> vector<16xi32>
      %le3A = arith.cmpf ole, %masked_sort3A_201, %rev3A_230 : vector<16xf32>
      %select_n3A = arith.select %le3A, %masked_sort3A_201, %rev3A_230 : vector<16xi1>, vector<16xf32>
      %select_n3A_236 = arith.select %le3A, %masked_sort3A_202, %rev3A_235 : vector<16xi1>, vector<16xi32>
      %select_n3A_237 = arith.select %le3A, %rev3A_230, %masked_sort3A_201 : vector<16xi1>, vector<16xf32>
      %select_n3A_238 = arith.select %le3A, %rev3A_235, %masked_sort3A_202 : vector<16xi1>, vector<16xi32>
      %masked_sort3A_239 = arith.constant dense<true> : vector<16xi1>
      %masked_sort3A_240, %masked_sort3A_241, %masked_sort3A_242 = tpu.sort %select_n3A, %select_n3A_236 masked %masked_sort3A_239 : (vector<16xf32>, vector<16xi32>, vector<16xi1>) -> (vector<16xi1>, vector<16xf32>, vector<16xi32>)
      %masked_sort3A_243 = arith.constant dense<true> : vector<16xi1>
      %masked_sort3A_244, %masked_sort3A_245, %masked_sort3A_246 = tpu.sort %select_n3A_237, %select_n3A_238 masked %masked_sort3A_243 : (vector<16xf32>, vector<16xi32>, vector<16xi1>) -> (vector<16xi1>, vector<16xf32>, vector<16xi32>)
      %rev3A_247 = arith.constant 15 : i32
      %rev3A_248 = vector.broadcast %rev3A_247 : i32 to vector<16xi32>
      %rev3A_249 = tpu.iota {dimensions = array<i32: 0>} : vector<16xi32>
      %rev3A_250 = arith.subi %rev3A_248, %rev3A_249 : vector<16xi32>
      %rev3A_251 = tpu.dynamic_gather %masked_sort3A_225[%rev3A_250] in [0] : vector<16xf32>, vector<16xi32> -> vector<16xf32>
      %rev3A_252 = arith.constant 15 : i32
      %rev3A_253 = vector.broadcast %rev3A_252 : i32 to vector<16xi32>
      %rev3A_254 = tpu.iota {dimensions = array<i32: 0>} : vector<16xi32>
      %rev3A_255 = arith.subi %rev3A_253, %rev3A_254 : vector<16xi32>
      %rev3A_256 = tpu.dynamic_gather %masked_sort3A_226[%rev3A_255] in [0] : vector<16xi32>, vector<16xi32> -> vector<16xi32>
      %le3A_257 = arith.cmpf ole, %masked_sort3A_217, %rev3A_251 : vector<16xf32>
      %select_n3A_258 = arith.select %le3A_257, %masked_sort3A_217, %rev3A_251 : vector<16xi1>, vector<16xf32>
      %select_n3A_259 = arith.select %le3A_257, %masked_sort3A_218, %rev3A_256 : vector<16xi1>, vector<16xi32>
      %select_n3A_260 = arith.select %le3A_257, %rev3A_251, %masked_sort3A_217 : vector<16xi1>, vector<16xf32>
      %select_n3A_261 = arith.select %le3A_257, %rev3A_256, %masked_sort3A_218 : vector<16xi1>, vector<16xi32>
      %masked_sort3A_262 = arith.constant dense<true> : vector<16xi1>
      %masked_sort3A_263, %masked_sort3A_264, %masked_sort3A_265 = tpu.sort %select_n3A_258, %select_n3A_259 masked %masked_sort3A_262 : (vector<16xf32>, vector<16xi32>, vector<16xi1>) -> (vector<16xi1>, vector<16xf32>, vector<16xi32>)
      %masked_sort3A_266 = arith.constant dense<true> : vector<16xi1>
      %masked_sort3A_267, %masked_sort3A_268, %masked_sort3A_269 = tpu.sort %select_n3A_260, %select_n3A_261 masked %masked_sort3A_266 : (vector<16xf32>, vector<16xi32>, vector<16xi1>) -> (vector<16xi1>, vector<16xf32>, vector<16xi32>)
      %rev3A_270 = arith.constant 15 : i32
      %rev3A_271 = vector.broadcast %rev3A_270 : i32 to vector<16xi32>
      %rev3A_272 = tpu.iota {dimensions = array<i32: 0>} : vector<16xi32>
      %rev3A_273 = arith.subi %rev3A_271, %rev3A_272 : vector<16xi32>
      %rev3A_274 = tpu.dynamic_gather %masked_sort3A_268[%rev3A_273] in [0] : vector<16xf32>, vector<16xi32> -> vector<16xf32>
      %rev3A_275 = arith.constant 15 : i32
      %rev3A_276 = vector.broadcast %rev3A_275 : i32 to vector<16xi32>
      %rev3A_277 = tpu.iota {dimensions = array<i32: 0>} : vector<16xi32>
      %rev3A_278 = arith.subi %rev3A_276, %rev3A_277 : vector<16xi32>
      %rev3A_279 = tpu.dynamic_gather %masked_sort3A_269[%rev3A_278] in [0] : vector<16xi32>, vector<16xi32> -> vector<16xi32>
      %rev3A_280 = arith.constant 15 : i32
      %rev3A_281 = vector.broadcast %rev3A_280 : i32 to vector<16xi32>
      %rev3A_282 = tpu.iota {dimensions = array<i32: 0>} : vector<16xi32>
      %rev3A_283 = arith.subi %rev3A_281, %rev3A_282 : vector<16xi32>
      %rev3A_284 = tpu.dynamic_gather %masked_sort3A_264[%rev3A_283] in [0] : vector<16xf32>, vector<16xi32> -> vector<16xf32>
      %rev3A_285 = arith.constant 15 : i32
      %rev3A_286 = vector.broadcast %rev3A_285 : i32 to vector<16xi32>
      %rev3A_287 = tpu.iota {dimensions = array<i32: 0>} : vector<16xi32>
      %rev3A_288 = arith.subi %rev3A_286, %rev3A_287 : vector<16xi32>
      %rev3A_289 = tpu.dynamic_gather %masked_sort3A_265[%rev3A_288] in [0] : vector<16xi32>, vector<16xi32> -> vector<16xi32>
      %le3A_290 = arith.cmpf ole, %masked_sort3A_241, %rev3A_274 : vector<16xf32>
      %select_n3A_291 = arith.select %le3A_290, %masked_sort3A_241, %rev3A_274 : vector<16xi1>, vector<16xf32>
      %select_n3A_292 = arith.select %le3A_290, %masked_sort3A_242, %rev3A_279 : vector<16xi1>, vector<16xi32>
      %select_n3A_293 = arith.select %le3A_290, %rev3A_274, %masked_sort3A_241 : vector<16xi1>, vector<16xf32>
      %select_n3A_294 = arith.select %le3A_290, %rev3A_279, %masked_sort3A_242 : vector<16xi1>, vector<16xi32>
      %le3A_295 = arith.cmpf ole, %masked_sort3A_245, %rev3A_284 : vector<16xf32>
      %select_n3A_296 = arith.select %le3A_295, %masked_sort3A_245, %rev3A_284 : vector<16xi1>, vector<16xf32>
      %select_n3A_297 = arith.select %le3A_295, %masked_sort3A_246, %rev3A_289 : vector<16xi1>, vector<16xi32>
      %select_n3A_298 = arith.select %le3A_295, %rev3A_284, %masked_sort3A_245 : vector<16xi1>, vector<16xf32>
      %select_n3A_299 = arith.select %le3A_295, %rev3A_289, %masked_sort3A_246 : vector<16xi1>, vector<16xi32>
      %le3A_300 = arith.cmpf ole, %select_n3A_291, %select_n3A_296 : vector<16xf32>
      %select_n3A_301 = arith.select %le3A_300, %select_n3A_291, %select_n3A_296 : vector<16xi1>, vector<16xf32>
      %select_n3A_302 = arith.select %le3A_300, %select_n3A_292, %select_n3A_297 : vector<16xi1>, vector<16xi32>
      %select_n3A_303 = arith.select %le3A_300, %select_n3A_296, %select_n3A_291 : vector<16xi1>, vector<16xf32>
      %select_n3A_304 = arith.select %le3A_300, %select_n3A_297, %select_n3A_292 : vector<16xi1>, vector<16xi32>
      %masked_sort3A_305 = arith.constant dense<true> : vector<16xi1>
      %masked_sort3A_306, %masked_sort3A_307, %masked_sort3A_308 = tpu.sort %select_n3A_301, %select_n3A_302 masked %masked_sort3A_305 : (vector<16xf32>, vector<16xi32>, vector<16xi1>) -> (vector<16xi1>, vector<16xf32>, vector<16xi32>)
      %masked_sort3A_309 = arith.constant dense<true> : vector<16xi1>
      %masked_sort3A_310, %masked_sort3A_311, %masked_sort3A_312 = tpu.sort %select_n3A_303, %select_n3A_304 masked %masked_sort3A_309 : (vector<16xf32>, vector<16xi32>, vector<16xi1>) -> (vector<16xi1>, vector<16xf32>, vector<16xi32>)
      %le3A_313 = arith.cmpf ole, %select_n3A_293, %select_n3A_298 : vector<16xf32>
      %select_n3A_314 = arith.select %le3A_313, %select_n3A_293, %select_n3A_298 : vector<16xi1>, vector<16xf32>
      %select_n3A_315 = arith.select %le3A_313, %select_n3A_294, %select_n3A_299 : vector<16xi1>, vector<16xi32>
      %select_n3A_316 = arith.select %le3A_313, %select_n3A_298, %select_n3A_293 : vector<16xi1>, vector<16xf32>
      %select_n3A_317 = arith.select %le3A_313, %select_n3A_299, %select_n3A_294 : vector<16xi1>, vector<16xi32>
      %masked_sort3A_318 = arith.constant dense<true> : vector<16xi1>
      %masked_sort3A_319, %masked_sort3A_320, %masked_sort3A_321 = tpu.sort %select_n3A_314, %select_n3A_315 masked %masked_sort3A_318 : (vector<16xf32>, vector<16xi32>, vector<16xi1>) -> (vector<16xi1>, vector<16xf32>, vector<16xi32>)
      %masked_sort3A_322 = arith.constant dense<true> : vector<16xi1>
      %masked_sort3A_323, %masked_sort3A_324, %masked_sort3A_325 = tpu.sort %select_n3A_316, %select_n3A_317 masked %masked_sort3A_322 : (vector<16xf32>, vector<16xi32>, vector<16xi1>) -> (vector<16xi1>, vector<16xf32>, vector<16xi32>)
      %ge3A = arith.constant 2 : i32
      %ge3A_326 = arith.cmpi sge, %add3A_107, %ge3A : i32
      %convert_element_type3A = arith.extui %ge3A_326 : i1 to i32
      %cond3A = arith.constant 0 : i32
      %cond3A_327 = arith.cmpi ne, %convert_element_type3A, %cond3A : i32
      scf.if %cond3A_327 {
        %sub3A_573 = arith.constant 2 : i32
        %sub3A_574 = arith.subi %add3A_110, %sub3A_573 : i32
        %dma_wait3A_575 = arith.constant 0 : i32
        %dma_wait3A_576 = tpu.memref_slice %arg11[%rem3A_111, %dma_wait3A_575] : memref<2x64xi32, #tpu.memory_space<vmem>> -> memref<1x64xi32, #tpu.memory_space<vmem>>
        %dma_wait3A_577 = tpu.memref_squeeze %dma_wait3A_576 : memref<1x64xi32, #tpu.memory_space<vmem>> -> memref<64xi32, #tpu.memory_space<vmem>>
        %dma_wait3A_578 = arith.constant 0 : i32
        %dma_wait3A_579 = tpu.memref_slice %arg4[%sub3A_574, %dma_wait3A_578] : memref<1024x64xi32, #tpu.memory_space<hbm>> -> memref<1x64xi32, #tpu.memory_space<hbm>>
        %dma_wait3A_580 = tpu.memref_squeeze %dma_wait3A_579 : memref<1x64xi32, #tpu.memory_space<hbm>> -> memref<64xi32, #tpu.memory_space<hbm>>
        %dma_wait3A_581 = arith.constant 0 : i32
        %dma_wait3A_582 = tpu.memref_slice %arg4[%sub3A_574, %dma_wait3A_581] : memref<1024x64xi32, #tpu.memory_space<hbm>> -> memref<1x64xi32, #tpu.memory_space<hbm>>
        %dma_wait3A_583 = tpu.memref_squeeze %dma_wait3A_582 : memref<1x64xi32, #tpu.memory_space<hbm>> -> memref<64xi32, #tpu.memory_space<hbm>>
        %dma_wait3A_584 = arith.constant 0 : i32
        %dma_wait3A_585 = tpu.memref_slice %arg11[%rem3A_111, %dma_wait3A_584] : memref<2x64xi32, #tpu.memory_space<vmem>> -> memref<1x64xi32, #tpu.memory_space<vmem>>
        %dma_wait3A_586 = tpu.memref_squeeze %dma_wait3A_585 : memref<1x64xi32, #tpu.memory_space<vmem>> -> memref<64xi32, #tpu.memory_space<vmem>>
        tpu.wait_dma2 semaphore(%arg15 : memref<!tpu.dma_semaphore, #tpu.memory_space<semaphore_mem>>) src(%dma_wait3A_586 : memref<64xi32, #tpu.memory_space<vmem>>) dst(%dma_wait3A_583 : memref<64xi32, #tpu.memory_space<hbm>>)
        %sub3A_587 = arith.constant 2 : i32
        %sub3A_588 = arith.subi %add3A_110, %sub3A_587 : i32
        %dma_wait3A_589 = arith.constant 0 : i32
        %dma_wait3A_590 = tpu.memref_slice %arg12[%rem3A_111, %dma_wait3A_589] : memref<2x16xf32, #tpu.memory_space<vmem>> -> memref<1x16xf32, #tpu.memory_space<vmem>>
        %dma_wait3A_591 = tpu.memref_squeeze %dma_wait3A_590 : memref<1x16xf32, #tpu.memory_space<vmem>> -> memref<16xf32, #tpu.memory_space<vmem>>
        %dma_wait3A_592 = arith.constant 0 : i32
        %dma_wait3A_593 = tpu.memref_slice %arg5[%sub3A_588, %dma_wait3A_592] : memref<1024x16xf32, #tpu.memory_space<hbm>> -> memref<1x16xf32, #tpu.memory_space<hbm>>
        %dma_wait3A_594 = tpu.memref_squeeze %dma_wait3A_593 : memref<1x16xf32, #tpu.memory_space<hbm>> -> memref<16xf32, #tpu.memory_space<hbm>>
        %dma_wait3A_595 = arith.constant 0 : i32
        %dma_wait3A_596 = tpu.memref_slice %arg5[%sub3A_588, %dma_wait3A_595] : memref<1024x16xf32, #tpu.memory_space<hbm>> -> memref<1x16xf32, #tpu.memory_space<hbm>>
        %dma_wait3A_597 = tpu.memref_squeeze %dma_wait3A_596 : memref<1x16xf32, #tpu.memory_space<hbm>> -> memref<16xf32, #tpu.memory_space<hbm>>
        %dma_wait3A_598 = arith.constant 0 : i32
        %dma_wait3A_599 = tpu.memref_slice %arg12[%rem3A_111, %dma_wait3A_598] : memref<2x16xf32, #tpu.memory_space<vmem>> -> memref<1x16xf32, #tpu.memory_space<vmem>>
        %dma_wait3A_600 = tpu.memref_squeeze %dma_wait3A_599 : memref<1x16xf32, #tpu.memory_space<vmem>> -> memref<16xf32, #tpu.memory_space<vmem>>
        tpu.wait_dma2 semaphore(%arg16 : memref<!tpu.dma_semaphore, #tpu.memory_space<semaphore_mem>>) src(%dma_wait3A_600 : memref<16xf32, #tpu.memory_space<vmem>>) dst(%dma_wait3A_597 : memref<16xf32, #tpu.memory_space<hbm>>)
      } else {
      }
      %swap3A_328 = arith.index_cast %rem3A_111 : i32 to index
      %swap3A_329 = arith.constant 0 : index
      %swap3A_330 = tpu.vector_load %arg11[%swap3A_328, %swap3A_329] {strides = array<i32>} : memref<2x64xi32, #tpu.memory_space<vmem>>, vector<16xi32>,
      tpu.vector_store %arg11[%swap3A_328, %swap3A_329], %masked_sort3A_308 {strides = array<i32>} : memref<2x64xi32, #tpu.memory_space<vmem>>, vector<16xi32>,
      %swap3A_331 = arith.index_cast %rem3A_111 : i32 to index
      %swap3A_332 = arith.constant 16 : index
      %swap3A_333 = tpu.vector_load %arg11[%swap3A_331, %swap3A_332] {strides = array<i32>} : memref<2x64xi32, #tpu.memory_space<vmem>>, vector<16xi32>,
      tpu.vector_store %arg11[%swap3A_331, %swap3A_332], %masked_sort3A_312 {strides = array<i32>} : memref<2x64xi32, #tpu.memory_space<vmem>>, vector<16xi32>,
      %swap3A_334 = arith.index_cast %rem3A_111 : i32 to index
      %swap3A_335 = arith.constant 32 : index
      %swap3A_336 = tpu.vector_load %arg11[%swap3A_334, %swap3A_335] {strides = array<i32>} : memref<2x64xi32, #tpu.memory_space<vmem>>, vector<16xi32>,
      tpu.vector_store %arg11[%swap3A_334, %swap3A_335], %masked_sort3A_321 {strides = array<i32>} : memref<2x64xi32, #tpu.memory_space<vmem>>, vector<16xi32>,
      %swap3A_337 = arith.index_cast %rem3A_111 : i32 to index
      %swap3A_338 = arith.constant 48 : index
      %swap3A_339 = tpu.vector_load %arg11[%swap3A_337, %swap3A_338] {strides = array<i32>} : memref<2x64xi32, #tpu.memory_space<vmem>>, vector<16xi32>,
      tpu.vector_store %arg11[%swap3A_337, %swap3A_338], %masked_sort3A_325 {strides = array<i32>} : memref<2x64xi32, #tpu.memory_space<vmem>>, vector<16xi32>,
      %dma_start3A_340 = arith.constant 0 : i32
      %dma_start3A_341 = tpu.memref_slice %arg11[%rem3A_111, %dma_start3A_340] : memref<2x64xi32, #tpu.memory_space<vmem>> -> memref<1x64xi32, #tpu.memory_space<vmem>>
      %dma_start3A_342 = tpu.memref_squeeze %dma_start3A_341 : memref<1x64xi32, #tpu.memory_space<vmem>> -> memref<64xi32, #tpu.memory_space<vmem>>
      %dma_start3A_343 = arith.constant 0 : i32
      %dma_start3A_344 = arith.constant 0 : i32
      %dma_start3A_345 = tpu.memref_slice %arg3[%dma_start3A_343, %dma_start3A_344] : memref<16384x128xf32, #tpu.memory_space<hbm>> -> memref<16384x128xf32, #tpu.memory_space<hbm>>
      tpu.enqueue_indirect_dma source(%dma_start3A_345 : memref<16384x128xf32, #tpu.memory_space<hbm>>) target(%arg10 : memref<64x128xf32, #tpu.memory_space<vmem>>) offsets(%dma_start3A_342 : memref<64xi32, #tpu.memory_space<vmem>>) semaphore(%arg17 : memref<!tpu.dma_semaphore, #tpu.memory_space<semaphore_mem>>)
      %bitcast_convert_type3A_346 = tpu.bitcast %masked_sort3A_307 : vector<16xf32> -> vector<16xi32>
      %shift_right_arithmetic3A = arith.constant 1 : i32
      %shift_right_arithmetic3A_347 = vector.broadcast %shift_right_arithmetic3A : i32 to vector<16xi32>
      %shift_right_arithmetic3A_348 = arith.shrsi %bitcast_convert_type3A_346, %shift_right_arithmetic3A_347 : vector<16xi32>
      %sub3A_349 = arith.constant 1597463007 : i32
      %sub3A_350 = vector.broadcast %sub3A_349 : i32 to vector<16xi32>
      %sub3A_351 = arith.subi %sub3A_350, %shift_right_arithmetic3A_348 : vector<16xi32>
      %bitcast_convert_type3A_352 = tpu.bitcast %sub3A_351 : vector<16xi32> -> vector<16xf32>
      %mul3A_353 = arith.constant 5.000000e-01 : f32
      %mul3A_354 = vector.broadcast %mul3A_353 : f32 to vector<16xf32>
      %mul3A_355 = arith.mulf %mul3A_354, %masked_sort3A_307 : vector<16xf32>
      %mul3A_356 = arith.mulf %mul3A_355, %bitcast_convert_type3A_352 : vector<16xf32>
      %mul3A_357 = arith.mulf %mul3A_356, %bitcast_convert_type3A_352 : vector<16xf32>
      %sub3A_358 = arith.constant 1.500000e+00 : f32
      %sub3A_359 = vector.broadcast %sub3A_358 : f32 to vector<16xf32>
      %sub3A_360 = arith.subf %sub3A_359, %mul3A_357 : vector<16xf32>
      %mul3A_361 = arith.mulf %bitcast_convert_type3A_352, %sub3A_360 : vector<16xf32>
      %mul3A_362 = arith.constant 5.000000e-01 : f32
      %mul3A_363 = vector.broadcast %mul3A_362 : f32 to vector<16xf32>
      %mul3A_364 = arith.mulf %mul3A_363, %masked_sort3A_307 : vector<16xf32>
      %mul3A_365 = arith.mulf %mul3A_364, %mul3A_361 : vector<16xf32>
      %mul3A_366 = arith.mulf %mul3A_365, %mul3A_361 : vector<16xf32>
      %sub3A_367 = arith.constant 1.500000e+00 : f32
      %sub3A_368 = vector.broadcast %sub3A_367 : f32 to vector<16xf32>
      %sub3A_369 = arith.subf %sub3A_368, %mul3A_366 : vector<16xf32>
      %mul3A_370 = arith.mulf %mul3A_361, %sub3A_369 : vector<16xf32>
      %mul3A_371 = arith.constant 5.000000e-01 : f32
      %mul3A_372 = vector.broadcast %mul3A_371 : f32 to vector<16xf32>
      %mul3A_373 = arith.mulf %mul3A_372, %masked_sort3A_307 : vector<16xf32>
      %mul3A_374 = arith.mulf %mul3A_373, %mul3A_370 : vector<16xf32>
      %mul3A_375 = arith.mulf %mul3A_374, %mul3A_370 : vector<16xf32>
      %sub3A_376 = arith.constant 1.500000e+00 : f32
      %sub3A_377 = vector.broadcast %sub3A_376 : f32 to vector<16xf32>
      %sub3A_378 = arith.subf %sub3A_377, %mul3A_375 : vector<16xf32>
      %mul3A_379 = arith.mulf %mul3A_370, %sub3A_378 : vector<16xf32>
      %mul3A_380 = arith.constant 5.000000e-01 : f32
      %mul3A_381 = vector.broadcast %mul3A_380 : f32 to vector<16xf32>
      %mul3A_382 = arith.mulf %mul3A_381, %masked_sort3A_307 : vector<16xf32>
      %mul3A_383 = arith.mulf %mul3A_382, %mul3A_379 : vector<16xf32>
      %mul3A_384 = arith.mulf %mul3A_383, %mul3A_379 : vector<16xf32>
      %sub3A_385 = arith.constant 1.500000e+00 : f32
      %sub3A_386 = vector.broadcast %sub3A_385 : f32 to vector<16xf32>
      %sub3A_387 = arith.subf %sub3A_386, %mul3A_384 : vector<16xf32>
      %mul3A_388 = arith.mulf %mul3A_379, %sub3A_387 : vector<16xf32>
      %mul3A_389 = arith.mulf %masked_sort3A_307, %mul3A_388 : vector<16xf32>
      %bitcast_convert_type3A_390 = tpu.bitcast %masked_sort3A_311 : vector<16xf32> -> vector<16xi32>
      %shift_right_arithmetic3A_391 = arith.constant 1 : i32
      %shift_right_arithmetic3A_392 = vector.broadcast %shift_right_arithmetic3A_391 : i32 to vector<16xi32>
      %shift_right_arithmetic3A_393 = arith.shrsi %bitcast_convert_type3A_390, %shift_right_arithmetic3A_392 : vector<16xi32>
      %sub3A_394 = arith.constant 1597463007 : i32
      %sub3A_395 = vector.broadcast %sub3A_394 : i32 to vector<16xi32>
      %sub3A_396 = arith.subi %sub3A_395, %shift_right_arithmetic3A_393 : vector<16xi32>
      %bitcast_convert_type3A_397 = tpu.bitcast %sub3A_396 : vector<16xi32> -> vector<16xf32>
      %mul3A_398 = arith.constant 5.000000e-01 : f32
      %mul3A_399 = vector.broadcast %mul3A_398 : f32 to vector<16xf32>
      %mul3A_400 = arith.mulf %mul3A_399, %masked_sort3A_311 : vector<16xf32>
      %mul3A_401 = arith.mulf %mul3A_400, %bitcast_convert_type3A_397 : vector<16xf32>
      %mul3A_402 = arith.mulf %mul3A_401, %bitcast_convert_type3A_397 : vector<16xf32>
      %sub3A_403 = arith.constant 1.500000e+00 : f32
      %sub3A_404 = vector.broadcast %sub3A_403 : f32 to vector<16xf32>
      %sub3A_405 = arith.subf %sub3A_404, %mul3A_402 : vector<16xf32>
      %mul3A_406 = arith.mulf %bitcast_convert_type3A_397, %sub3A_405 : vector<16xf32>
      %mul3A_407 = arith.constant 5.000000e-01 : f32
      %mul3A_408 = vector.broadcast %mul3A_407 : f32 to vector<16xf32>
      %mul3A_409 = arith.mulf %mul3A_408, %masked_sort3A_311 : vector<16xf32>
      %mul3A_410 = arith.mulf %mul3A_409, %mul3A_406 : vector<16xf32>
      %mul3A_411 = arith.mulf %mul3A_410, %mul3A_406 : vector<16xf32>
      %sub3A_412 = arith.constant 1.500000e+00 : f32
      %sub3A_413 = vector.broadcast %sub3A_412 : f32 to vector<16xf32>
      %sub3A_414 = arith.subf %sub3A_413, %mul3A_411 : vector<16xf32>
      %mul3A_415 = arith.mulf %mul3A_406, %sub3A_414 : vector<16xf32>
      %mul3A_416 = arith.constant 5.000000e-01 : f32
      %mul3A_417 = vector.broadcast %mul3A_416 : f32 to vector<16xf32>
      %mul3A_418 = arith.mulf %mul3A_417, %masked_sort3A_311 : vector<16xf32>
      %mul3A_419 = arith.mulf %mul3A_418, %mul3A_415 : vector<16xf32>
      %mul3A_420 = arith.mulf %mul3A_419, %mul3A_415 : vector<16xf32>
      %sub3A_421 = arith.constant 1.500000e+00 : f32
      %sub3A_422 = vector.broadcast %sub3A_421 : f32 to vector<16xf32>
      %sub3A_423 = arith.subf %sub3A_422, %mul3A_420 : vector<16xf32>
      %mul3A_424 = arith.mulf %mul3A_415, %sub3A_423 : vector<16xf32>
      %mul3A_425 = arith.constant 5.000000e-01 : f32
      %mul3A_426 = vector.broadcast %mul3A_425 : f32 to vector<16xf32>
      %mul3A_427 = arith.mulf %mul3A_426, %masked_sort3A_311 : vector<16xf32>
      %mul3A_428 = arith.mulf %mul3A_427, %mul3A_424 : vector<16xf32>
      %mul3A_429 = arith.mulf %mul3A_428, %mul3A_424 : vector<16xf32>
      %sub3A_430 = arith.constant 1.500000e+00 : f32
      %sub3A_431 = vector.broadcast %sub3A_430 : f32 to vector<16xf32>
      %sub3A_432 = arith.subf %sub3A_431, %mul3A_429 : vector<16xf32>
      %mul3A_433 = arith.mulf %mul3A_424, %sub3A_432 : vector<16xf32>
      %mul3A_434 = arith.mulf %masked_sort3A_311, %mul3A_433 : vector<16xf32>
      %add3A_435 = arith.addf %mul3A_389, %mul3A_434 : vector<16xf32>
      %bitcast_convert_type3A_436 = tpu.bitcast %masked_sort3A_320 : vector<16xf32> -> vector<16xi32>
      %shift_right_arithmetic3A_437 = arith.constant 1 : i32
      %shift_right_arithmetic3A_438 = vector.broadcast %shift_right_arithmetic3A_437 : i32 to vector<16xi32>
      %shift_right_arithmetic3A_439 = arith.shrsi %bitcast_convert_type3A_436, %shift_right_arithmetic3A_438 : vector<16xi32>
      %sub3A_440 = arith.constant 1597463007 : i32
      %sub3A_441 = vector.broadcast %sub3A_440 : i32 to vector<16xi32>
      %sub3A_442 = arith.subi %sub3A_441, %shift_right_arithmetic3A_439 : vector<16xi32>
      %bitcast_convert_type3A_443 = tpu.bitcast %sub3A_442 : vector<16xi32> -> vector<16xf32>
      %mul3A_444 = arith.constant 5.000000e-01 : f32
      %mul3A_445 = vector.broadcast %mul3A_444 : f32 to vector<16xf32>
      %mul3A_446 = arith.mulf %mul3A_445, %masked_sort3A_320 : vector<16xf32>
      %mul3A_447 = arith.mulf %mul3A_446, %bitcast_convert_type3A_443 : vector<16xf32>
      %mul3A_448 = arith.mulf %mul3A_447, %bitcast_convert_type3A_443 : vector<16xf32>
      %sub3A_449 = arith.constant 1.500000e+00 : f32
      %sub3A_450 = vector.broadcast %sub3A_449 : f32 to vector<16xf32>
      %sub3A_451 = arith.subf %sub3A_450, %mul3A_448 : vector<16xf32>
      %mul3A_452 = arith.mulf %bitcast_convert_type3A_443, %sub3A_451 : vector<16xf32>
      %mul3A_453 = arith.constant 5.000000e-01 : f32
      %mul3A_454 = vector.broadcast %mul3A_453 : f32 to vector<16xf32>
      %mul3A_455 = arith.mulf %mul3A_454, %masked_sort3A_320 : vector<16xf32>
      %mul3A_456 = arith.mulf %mul3A_455, %mul3A_452 : vector<16xf32>
      %mul3A_457 = arith.mulf %mul3A_456, %mul3A_452 : vector<16xf32>
      %sub3A_458 = arith.constant 1.500000e+00 : f32
      %sub3A_459 = vector.broadcast %sub3A_458 : f32 to vector<16xf32>
      %sub3A_460 = arith.subf %sub3A_459, %mul3A_457 : vector<16xf32>
      %mul3A_461 = arith.mulf %mul3A_452, %sub3A_460 : vector<16xf32>
      %mul3A_462 = arith.constant 5.000000e-01 : f32
      %mul3A_463 = vector.broadcast %mul3A_462 : f32 to vector<16xf32>
      %mul3A_464 = arith.mulf %mul3A_463, %masked_sort3A_320 : vector<16xf32>
      %mul3A_465 = arith.mulf %mul3A_464, %mul3A_461 : vector<16xf32>
      %mul3A_466 = arith.mulf %mul3A_465, %mul3A_461 : vector<16xf32>
      %sub3A_467 = arith.constant 1.500000e+00 : f32
      %sub3A_468 = vector.broadcast %sub3A_467 : f32 to vector<16xf32>
      %sub3A_469 = arith.subf %sub3A_468, %mul3A_466 : vector<16xf32>
      %mul3A_470 = arith.mulf %mul3A_461, %sub3A_469 : vector<16xf32>
      %mul3A_471 = arith.constant 5.000000e-01 : f32
      %mul3A_472 = vector.broadcast %mul3A_471 : f32 to vector<16xf32>
      %mul3A_473 = arith.mulf %mul3A_472, %masked_sort3A_320 : vector<16xf32>
      %mul3A_474 = arith.mulf %mul3A_473, %mul3A_470 : vector<16xf32>
      %mul3A_475 = arith.mulf %mul3A_474, %mul3A_470 : vector<16xf32>
      %sub3A_476 = arith.constant 1.500000e+00 : f32
      %sub3A_477 = vector.broadcast %sub3A_476 : f32 to vector<16xf32>
      %sub3A_478 = arith.subf %sub3A_477, %mul3A_475 : vector<16xf32>
      %mul3A_479 = arith.mulf %mul3A_470, %sub3A_478 : vector<16xf32>
      %mul3A_480 = arith.mulf %masked_sort3A_320, %mul3A_479 : vector<16xf32>
      %add3A_481 = arith.addf %add3A_435, %mul3A_480 : vector<16xf32>
      %bitcast_convert_type3A_482 = tpu.bitcast %masked_sort3A_324 : vector<16xf32> -> vector<16xi32>
      %shift_right_arithmetic3A_483 = arith.constant 1 : i32
      %shift_right_arithmetic3A_484 = vector.broadcast %shift_right_arithmetic3A_483 : i32 to vector<16xi32>
      %shift_right_arithmetic3A_485 = arith.shrsi %bitcast_convert_type3A_482, %shift_right_arithmetic3A_484 : vector<16xi32>
      %sub3A_486 = arith.constant 1597463007 : i32
      %sub3A_487 = vector.broadcast %sub3A_486 : i32 to vector<16xi32>
      %sub3A_488 = arith.subi %sub3A_487, %shift_right_arithmetic3A_485 : vector<16xi32>
      %bitcast_convert_type3A_489 = tpu.bitcast %sub3A_488 : vector<16xi32> -> vector<16xf32>
      %mul3A_490 = arith.constant 5.000000e-01 : f32
      %mul3A_491 = vector.broadcast %mul3A_490 : f32 to vector<16xf32>
      %mul3A_492 = arith.mulf %mul3A_491, %masked_sort3A_324 : vector<16xf32>
      %mul3A_493 = arith.mulf %mul3A_492, %bitcast_convert_type3A_489 : vector<16xf32>
      %mul3A_494 = arith.mulf %mul3A_493, %bitcast_convert_type3A_489 : vector<16xf32>
      %sub3A_495 = arith.constant 1.500000e+00 : f32
      %sub3A_496 = vector.broadcast %sub3A_495 : f32 to vector<16xf32>
      %sub3A_497 = arith.subf %sub3A_496, %mul3A_494 : vector<16xf32>
      %mul3A_498 = arith.mulf %bitcast_convert_type3A_489, %sub3A_497 : vector<16xf32>
      %mul3A_499 = arith.constant 5.000000e-01 : f32
      %mul3A_500 = vector.broadcast %mul3A_499 : f32 to vector<16xf32>
      %mul3A_501 = arith.mulf %mul3A_500, %masked_sort3A_324 : vector<16xf32>
      %mul3A_502 = arith.mulf %mul3A_501, %mul3A_498 : vector<16xf32>
      %mul3A_503 = arith.mulf %mul3A_502, %mul3A_498 : vector<16xf32>
      %sub3A_504 = arith.constant 1.500000e+00 : f32
      %sub3A_505 = vector.broadcast %sub3A_504 : f32 to vector<16xf32>
      %sub3A_506 = arith.subf %sub3A_505, %mul3A_503 : vector<16xf32>
      %mul3A_507 = arith.mulf %mul3A_498, %sub3A_506 : vector<16xf32>
      %mul3A_508 = arith.constant 5.000000e-01 : f32
      %mul3A_509 = vector.broadcast %mul3A_508 : f32 to vector<16xf32>
      %mul3A_510 = arith.mulf %mul3A_509, %masked_sort3A_324 : vector<16xf32>
      %mul3A_511 = arith.mulf %mul3A_510, %mul3A_507 : vector<16xf32>
      %mul3A_512 = arith.mulf %mul3A_511, %mul3A_507 : vector<16xf32>
      %sub3A_513 = arith.constant 1.500000e+00 : f32
      %sub3A_514 = vector.broadcast %sub3A_513 : f32 to vector<16xf32>
      %sub3A_515 = arith.subf %sub3A_514, %mul3A_512 : vector<16xf32>
      %mul3A_516 = arith.mulf %mul3A_507, %sub3A_515 : vector<16xf32>
      %mul3A_517 = arith.constant 5.000000e-01 : f32
      %mul3A_518 = vector.broadcast %mul3A_517 : f32 to vector<16xf32>
      %mul3A_519 = arith.mulf %mul3A_518, %masked_sort3A_324 : vector<16xf32>
      %mul3A_520 = arith.mulf %mul3A_519, %mul3A_516 : vector<16xf32>
      %mul3A_521 = arith.mulf %mul3A_520, %mul3A_516 : vector<16xf32>
      %sub3A_522 = arith.constant 1.500000e+00 : f32
      %sub3A_523 = vector.broadcast %sub3A_522 : f32 to vector<16xf32>
      %sub3A_524 = arith.subf %sub3A_523, %mul3A_521 : vector<16xf32>
      %mul3A_525 = arith.mulf %mul3A_516, %sub3A_524 : vector<16xf32>
      %mul3A_526 = arith.mulf %masked_sort3A_324, %mul3A_525 : vector<16xf32>
      %add3A_527 = arith.addf %add3A_481, %mul3A_526 : vector<16xf32>
      %dma_wait3A_528 = arith.constant 0 : i32
      %dma_wait3A_529 = tpu.memref_slice %arg11[%rem3A_111, %dma_wait3A_528] : memref<2x64xi32, #tpu.memory_space<vmem>> -> memref<1x64xi32, #tpu.memory_space<vmem>>
      %dma_wait3A_530 = tpu.memref_squeeze %dma_wait3A_529 : memref<1x64xi32, #tpu.memory_space<vmem>> -> memref<64xi32, #tpu.memory_space<vmem>>
      %dma_wait3A_531 = arith.constant 0 : i32
      %dma_wait3A_532 = arith.constant 0 : i32
      %dma_wait3A_533 = tpu.memref_slice %arg3[%dma_wait3A_531, %dma_wait3A_532] : memref<16384x128xf32, #tpu.memory_space<hbm>> -> memref<16384x128xf32, #tpu.memory_space<hbm>>
      tpu.wait_indirect_dma semaphore(%arg17 : memref<!tpu.dma_semaphore, #tpu.memory_space<semaphore_mem>>) src(%dma_wait3A_533 : memref<16384x128xf32, #tpu.memory_space<hbm>>) dst(%arg10 : memref<64x128xf32, #tpu.memory_space<vmem>>)
      %broadcast_in_dim3A_534 = arith.constant 0.000000e+00 : f32
      %broadcast_in_dim3A_535 = vector.broadcast %broadcast_in_dim3A_534 : f32 to vector<16xf32>
      %scan3A_536 = arith.constant 0 : i32
      %scan3A_537 = arith.constant 64 : i32
      %scan3A_538 = arith.addi %scan3A_536, %scan3A_537 : i32
      %scan3A_539 = arith.constant 8 : i32
      %scan3A_540 = scf.for %scan3A_573 = %scan3A_536 to %scan3A_538 step %scan3A_539 iter_args(%scan3A_574 = %broadcast_in_dim3A_535) -> (vector<16xf32>)  : i32 {
        %mul3A_575 = arith.constant 1 : i32
        %mul3A_576 = arith.muli %scan3A_573, %mul3A_575 : i32
        %add3A_577 = arith.constant 0 : i32
        %add3A_578 = arith.addi %add3A_577, %mul3A_576 : i32
        %get3A_579 = arith.index_cast %add3A_578 : i32 to index
        %get3A_580 = arith.constant 0 : index
        %get3A_581 = tpu.vector_load %arg10[%get3A_579, %get3A_580] {strides = array<i32>} : memref<64x128xf32, #tpu.memory_space<vmem>>, vector<16xf32>,
        %add3A_582 = arith.addf %scan3A_574, %get3A_581 : vector<16xf32>
        %scan3A_583 = arith.constant 1 : i32
        %scan3A_584 = arith.addi %scan3A_573, %scan3A_583 : i32
        %mul3A_585 = arith.constant 1 : i32
        %mul3A_586 = arith.muli %scan3A_584, %mul3A_585 : i32
        %add3A_587 = arith.constant 0 : i32
        %add3A_588 = arith.addi %add3A_587, %mul3A_586 : i32
        %get3A_589 = arith.index_cast %add3A_588 : i32 to index
        %get3A_590 = arith.constant 0 : index
        %get3A_591 = tpu.vector_load %arg10[%get3A_589, %get3A_590] {strides = array<i32>} : memref<64x128xf32, #tpu.memory_space<vmem>>, vector<16xf32>,
        %add3A_592 = arith.addf %add3A_582, %get3A_591 : vector<16xf32>
        %scan3A_593 = arith.constant 2 : i32
        %scan3A_594 = arith.addi %scan3A_573, %scan3A_593 : i32
        %mul3A_595 = arith.constant 1 : i32
        %mul3A_596 = arith.muli %scan3A_594, %mul3A_595 : i32
        %add3A_597 = arith.constant 0 : i32
        %add3A_598 = arith.addi %add3A_597, %mul3A_596 : i32
        %get3A_599 = arith.index_cast %add3A_598 : i32 to index
        %get3A_600 = arith.constant 0 : index
        %get3A_601 = tpu.vector_load %arg10[%get3A_599, %get3A_600] {strides = array<i32>} : memref<64x128xf32, #tpu.memory_space<vmem>>, vector<16xf32>,
        %add3A_602 = arith.addf %add3A_592, %get3A_601 : vector<16xf32>
        %scan3A_603 = arith.constant 3 : i32
        %scan3A_604 = arith.addi %scan3A_573, %scan3A_603 : i32
        %mul3A_605 = arith.constant 1 : i32
        %mul3A_606 = arith.muli %scan3A_604, %mul3A_605 : i32
        %add3A_607 = arith.constant 0 : i32
        %add3A_608 = arith.addi %add3A_607, %mul3A_606 : i32
        %get3A_609 = arith.index_cast %add3A_608 : i32 to index
        %get3A_610 = arith.constant 0 : index
        %get3A_611 = tpu.vector_load %arg10[%get3A_609, %get3A_610] {strides = array<i32>} : memref<64x128xf32, #tpu.memory_space<vmem>>, vector<16xf32>,
        %add3A_612 = arith.addf %add3A_602, %get3A_611 : vector<16xf32>
        %scan3A_613 = arith.constant 4 : i32
        %scan3A_614 = arith.addi %scan3A_573, %scan3A_613 : i32
        %mul3A_615 = arith.constant 1 : i32
        %mul3A_616 = arith.muli %scan3A_614, %mul3A_615 : i32
        %add3A_617 = arith.constant 0 : i32
        %add3A_618 = arith.addi %add3A_617, %mul3A_616 : i32
        %get3A_619 = arith.index_cast %add3A_618 : i32 to index
        %get3A_620 = arith.constant 0 : index
        %get3A_621 = tpu.vector_load %arg10[%get3A_619, %get3A_620] {strides = array<i32>} : memref<64x128xf32, #tpu.memory_space<vmem>>, vector<16xf32>,
        %add3A_622 = arith.addf %add3A_612, %get3A_621 : vector<16xf32>
        %scan3A_623 = arith.constant 5 : i32
        %scan3A_624 = arith.addi %scan3A_573, %scan3A_623 : i32
        %mul3A_625 = arith.constant 1 : i32
        %mul3A_626 = arith.muli %scan3A_624, %mul3A_625 : i32
        %add3A_627 = arith.constant 0 : i32
        %add3A_628 = arith.addi %add3A_627, %mul3A_626 : i32
        %get3A_629 = arith.index_cast %add3A_628 : i32 to index
        %get3A_630 = arith.constant 0 : index
        %get3A_631 = tpu.vector_load %arg10[%get3A_629, %get3A_630] {strides = array<i32>} : memref<64x128xf32, #tpu.memory_space<vmem>>, vector<16xf32>,
        %add3A_632 = arith.addf %add3A_622, %get3A_631 : vector<16xf32>
        %scan3A_633 = arith.constant 6 : i32
        %scan3A_634 = arith.addi %scan3A_573, %scan3A_633 : i32
        %mul3A_635 = arith.constant 1 : i32
        %mul3A_636 = arith.muli %scan3A_634, %mul3A_635 : i32
        %add3A_637 = arith.constant 0 : i32
        %add3A_638 = arith.addi %add3A_637, %mul3A_636 : i32
        %get3A_639 = arith.index_cast %add3A_638 : i32 to index
        %get3A_640 = arith.constant 0 : index
        %get3A_641 = tpu.vector_load %arg10[%get3A_639, %get3A_640] {strides = array<i32>} : memref<64x128xf32, #tpu.memory_space<vmem>>, vector<16xf32>,
        %add3A_642 = arith.addf %add3A_632, %get3A_641 : vector<16xf32>
        %scan3A_643 = arith.constant 7 : i32
        %scan3A_644 = arith.addi %scan3A_573, %scan3A_643 : i32
        %mul3A_645 = arith.constant 1 : i32
        %mul3A_646 = arith.muli %scan3A_644, %mul3A_645 : i32
        %add3A_647 = arith.constant 0 : i32
        %add3A_648 = arith.addi %add3A_647, %mul3A_646 : i32
        %get3A_649 = arith.index_cast %add3A_648 : i32 to index
        %get3A_650 = arith.constant 0 : index
        %get3A_651 = tpu.vector_load %arg10[%get3A_649, %get3A_650] {strides = array<i32>} : memref<64x128xf32, #tpu.memory_space<vmem>>, vector<16xf32>,
        %add3A_652 = arith.addf %add3A_642, %get3A_651 : vector<16xf32>
        scf.yield %add3A_652 : vector<16xf32>
      }
      %scan3A_541 = arith.constant 64 : i32
      %mul3A_542 = arith.constant 1.562500e-02 : f32
      %mul3A_543 = vector.broadcast %mul3A_542 : f32 to vector<16xf32>
      %mul3A_544 = arith.mulf %scan3A_540, %mul3A_543 : vector<16xf32>
      %swap3A_545 = arith.index_cast %rem3A_111 : i32 to index
      %swap3A_546 = arith.constant 0 : index
      %swap3A_547 = tpu.vector_load %arg12[%swap3A_545, %swap3A_546] {strides = array<i32>} : memref<2x16xf32, #tpu.memory_space<vmem>>, vector<16xf32>,
      tpu.vector_store %arg12[%swap3A_545, %swap3A_546], %mul3A_544 {strides = array<i32>} : memref<2x16xf32, #tpu.memory_space<vmem>>, vector<16xf32>,
      %dma_start3A_548 = arith.constant 0 : i32
      %dma_start3A_549 = tpu.memref_slice %arg11[%rem3A_111, %dma_start3A_548] : memref<2x64xi32, #tpu.memory_space<vmem>> -> memref<1x64xi32, #tpu.memory_space<vmem>>
      %dma_start3A_550 = tpu.memref_squeeze %dma_start3A_549 : memref<1x64xi32, #tpu.memory_space<vmem>> -> memref<64xi32, #tpu.memory_space<vmem>>
      %dma_start3A_551 = arith.constant 0 : i32
      %dma_start3A_552 = tpu.memref_slice %arg4[%add3A_110, %dma_start3A_551] : memref<1024x64xi32, #tpu.memory_space<hbm>> -> memref<1x64xi32, #tpu.memory_space<hbm>>
      %dma_start3A_553 = tpu.memref_squeeze %dma_start3A_552 : memref<1x64xi32, #tpu.memory_space<hbm>> -> memref<64xi32, #tpu.memory_space<hbm>>
      %dma_start3A_554 = arith.constant 0 : i32
      %dma_start3A_555 = tpu.memref_slice %arg4[%add3A_110, %dma_start3A_554] : memref<1024x64xi32, #tpu.memory_space<hbm>> -> memref<1x64xi32, #tpu.memory_space<hbm>>
      %dma_start3A_556 = tpu.memref_squeeze %dma_start3A_555 : memref<1x64xi32, #tpu.memory_space<hbm>> -> memref<64xi32, #tpu.memory_space<hbm>>
      %dma_start3A_557 = arith.constant 0 : i32
      %dma_start3A_558 = tpu.memref_slice %arg11[%rem3A_111, %dma_start3A_557] : memref<2x64xi32, #tpu.memory_space<vmem>> -> memref<1x64xi32, #tpu.memory_space<vmem>>
      %dma_start3A_559 = tpu.memref_squeeze %dma_start3A_558 : memref<1x64xi32, #tpu.memory_space<vmem>> -> memref<64xi32, #tpu.memory_space<vmem>>
      tpu.enqueue_dma source(%dma_start3A_559 : memref<64xi32, #tpu.memory_space<vmem>>) target(%dma_start3A_556 : memref<64xi32, #tpu.memory_space<hbm>>) target_semaphore(%arg15 : memref<!tpu.dma_semaphore, #tpu.memory_space<semaphore_mem>>)
      %dma_start3A_560 = arith.constant 0 : i32
      %dma_start3A_561 = tpu.memref_slice %arg12[%rem3A_111, %dma_start3A_560] : memref<2x16xf32, #tpu.memory_space<vmem>> -> memref<1x16xf32, #tpu.memory_space<vmem>>
      %dma_start3A_562 = tpu.memref_squeeze %dma_start3A_561 : memref<1x16xf32, #tpu.memory_space<vmem>> -> memref<16xf32, #tpu.memory_space<vmem>>
      %dma_start3A_563 = arith.constant 0 : i32
      %dma_start3A_564 = tpu.memref_slice %arg5[%add3A_110, %dma_start3A_563] : memref<1024x16xf32, #tpu.memory_space<hbm>> -> memref<1x16xf32, #tpu.memory_space<hbm>>
      %dma_start3A_565 = tpu.memref_squeeze %dma_start3A_564 : memref<1x16xf32, #tpu.memory_space<hbm>> -> memref<16xf32, #tpu.memory_space<hbm>>
      %dma_start3A_566 = arith.constant 0 : i32
      %dma_start3A_567 = tpu.memref_slice %arg5[%add3A_110, %dma_start3A_566] : memref<1024x16xf32, #tpu.memory_space<hbm>> -> memref<1x16xf32, #tpu.memory_space<hbm>>
      %dma_start3A_568 = tpu.memref_squeeze %dma_start3A_567 : memref<1x16xf32, #tpu.memory_space<hbm>> -> memref<16xf32, #tpu.memory_space<hbm>>
      %dma_start3A_569 = arith.constant 0 : i32
      %dma_start3A_570 = tpu.memref_slice %arg12[%rem3A_111, %dma_start3A_569] : memref<2x16xf32, #tpu.memory_space<vmem>> -> memref<1x16xf32, #tpu.memory_space<vmem>>
      %dma_start3A_571 = tpu.memref_squeeze %dma_start3A_570 : memref<1x16xf32, #tpu.memory_space<vmem>> -> memref<16xf32, #tpu.memory_space<vmem>>
      tpu.enqueue_dma source(%dma_start3A_571 : memref<16xf32, #tpu.memory_space<vmem>>) target(%dma_start3A_568 : memref<16xf32, #tpu.memory_space<hbm>>) target_semaphore(%arg16 : memref<!tpu.dma_semaphore, #tpu.memory_space<semaphore_mem>>)
      %add3A_572 = arith.addf %scan3A_103, %add3A_527 : vector<16xf32>
      scf.yield %add3A_572 : vector<16xf32>
    }
    %scan3A_24 = arith.constant 32 : i32
    %mul3A_25 = arith.constant 32 : i32
    %mul3A_26 = arith.muli %add3A, %mul3A_25 : i32
    %add3A_27 = arith.constant 31 : i32
    %add3A_28 = arith.addi %mul3A_26, %add3A_27 : i32
    %dma_wait3A = arith.constant 0 : i32
    %dma_wait3A_29 = arith.constant 0 : i32
    %dma_wait3A_30 = tpu.memref_slice %arg7[%dma_wait3A, %dma_wait3A_29] : memref<2x16384xf32, #tpu.memory_space<vmem>> -> memref<1x16384xf32, #tpu.memory_space<vmem>>
    %dma_wait3A_31 = tpu.memref_squeeze %dma_wait3A_30 : memref<1x16384xf32, #tpu.memory_space<vmem>> -> memref<16384xf32, #tpu.memory_space<vmem>>
    %dma_wait3A_32 = arith.constant 0 : i32
    %dma_wait3A_33 = tpu.memref_slice %arg2[%add3A_28, %dma_wait3A_32] : memref<1024x16384xf32, #tpu.memory_space<hbm>> -> memref<1x16384xf32, #tpu.memory_space<hbm>>
    %dma_wait3A_34 = tpu.memref_squeeze %dma_wait3A_33 : memref<1x16384xf32, #tpu.memory_space<hbm>> -> memref<16384xf32, #tpu.memory_space<hbm>>
    %dma_wait3A_35 = arith.constant 0 : i32
    %dma_wait3A_36 = tpu.memref_slice %arg7[%dma_wait3A, %dma_wait3A_35] : memref<2x16384xf32, #tpu.memory_space<vmem>> -> memref<1x16384xf32, #tpu.memory_space<vmem>>
    %dma_wait3A_37 = tpu.memref_squeeze %dma_wait3A_36 : memref<1x16384xf32, #tpu.memory_space<vmem>> -> memref<16384xf32, #tpu.memory_space<vmem>>
    %dma_wait3A_38 = arith.constant 0 : i32
    %dma_wait3A_39 = tpu.memref_slice %arg2[%add3A_28, %dma_wait3A_38] : memref<1024x16384xf32, #tpu.memory_space<hbm>> -> memref<1x16384xf32, #tpu.memory_space<hbm>>
    %dma_wait3A_40 = tpu.memref_squeeze %dma_wait3A_39 : memref<1x16384xf32, #tpu.memory_space<hbm>> -> memref<16384xf32, #tpu.memory_space<hbm>>
    tpu.wait_dma2 semaphore(%arg14 : memref<!tpu.dma_semaphore, #tpu.memory_space<semaphore_mem>>) src(%dma_wait3A_40 : memref<16384xf32, #tpu.memory_space<hbm>>) dst(%dma_wait3A_37 : memref<16384xf32, #tpu.memory_space<vmem>>)
    %mul3A_41 = arith.constant 32 : i32
    %mul3A_42 = arith.muli %add3A, %mul3A_41 : i32
    %add3A_43 = arith.constant 30 : i32
    %add3A_44 = arith.addi %mul3A_42, %add3A_43 : i32
    %dma_wait3A_45 = arith.constant 0 : i32
    %dma_wait3A_46 = arith.constant 0 : i32
    %dma_wait3A_47 = tpu.memref_slice %arg11[%dma_wait3A_45, %dma_wait3A_46] : memref<2x64xi32, #tpu.memory_space<vmem>> -> memref<1x64xi32, #tpu.memory_space<vmem>>
    %dma_wait3A_48 = tpu.memref_squeeze %dma_wait3A_47 : memref<1x64xi32, #tpu.memory_space<vmem>> -> memref<64xi32, #tpu.memory_space<vmem>>
    %dma_wait3A_49 = arith.constant 0 : i32
    %dma_wait3A_50 = tpu.memref_slice %arg4[%add3A_44, %dma_wait3A_49] : memref<1024x64xi32, #tpu.memory_space<hbm>> -> memref<1x64xi32, #tpu.memory_space<hbm>>
    %dma_wait3A_51 = tpu.memref_squeeze %dma_wait3A_50 : memref<1x64xi32, #tpu.memory_space<hbm>> -> memref<64xi32, #tpu.memory_space<hbm>>
    %dma_wait3A_52 = arith.constant 0 : i32
    %dma_wait3A_53 = tpu.memref_slice %arg4[%add3A_44, %dma_wait3A_52] : memref<1024x64xi32, #tpu.memory_space<hbm>> -> memref<1x64xi32, #tpu.memory_space<hbm>>
    %dma_wait3A_54 = tpu.memref_squeeze %dma_wait3A_53 : memref<1x64xi32, #tpu.memory_space<hbm>> -> memref<64xi32, #tpu.memory_space<hbm>>
    %dma_wait3A_55 = arith.constant 0 : i32
    %dma_wait3A_56 = tpu.memref_slice %arg11[%dma_wait3A_45, %dma_wait3A_55] : memref<2x64xi32, #tpu.memory_space<vmem>> -> memref<1x64xi32, #tpu.memory_space<vmem>>
    %dma_wait3A_57 = tpu.memref_squeeze %dma_wait3A_56 : memref<1x64xi32, #tpu.memory_space<vmem>> -> memref<64xi32, #tpu.memory_space<vmem>>
    tpu.wait_dma2 semaphore(%arg15 : memref<!tpu.dma_semaphore, #tpu.memory_space<semaphore_mem>>) src(%dma_wait3A_57 : memref<64xi32, #tpu.memory_space<vmem>>) dst(%dma_wait3A_54 : memref<64xi32, #tpu.memory_space<hbm>>)
    %dma_wait3A_58 = arith.constant 0 : i32
    %dma_wait3A_59 = arith.constant 0 : i32
    %dma_wait3A_60 = tpu.memref_slice %arg12[%dma_wait3A_58, %dma_wait3A_59] : memref<2x16xf32, #tpu.memory_space<vmem>> -> memref<1x16xf32, #tpu.memory_space<vmem>>
    %dma_wait3A_61 = tpu.memref_squeeze %dma_wait3A_60 : memref<1x16xf32, #tpu.memory_space<vmem>> -> memref<16xf32, #tpu.memory_space<vmem>>
    %dma_wait3A_62 = arith.constant 0 : i32
    %dma_wait3A_63 = tpu.memref_slice %arg5[%add3A_44, %dma_wait3A_62] : memref<1024x16xf32, #tpu.memory_space<hbm>> -> memref<1x16xf32, #tpu.memory_space<hbm>>
    %dma_wait3A_64 = tpu.memref_squeeze %dma_wait3A_63 : memref<1x16xf32, #tpu.memory_space<hbm>> -> memref<16xf32, #tpu.memory_space<hbm>>
    %dma_wait3A_65 = arith.constant 0 : i32
    %dma_wait3A_66 = tpu.memref_slice %arg5[%add3A_44, %dma_wait3A_65] : memref<1024x16xf32, #tpu.memory_space<hbm>> -> memref<1x16xf32, #tpu.memory_space<hbm>>
    %dma_wait3A_67 = tpu.memref_squeeze %dma_wait3A_66 : memref<1x16xf32, #tpu.memory_space<hbm>> -> memref<16xf32, #tpu.memory_space<hbm>>
    %dma_wait3A_68 = arith.constant 0 : i32
    %dma_wait3A_69 = tpu.memref_slice %arg12[%dma_wait3A_58, %dma_wait3A_68] : memref<2x16xf32, #tpu.memory_space<vmem>> -> memref<1x16xf32, #tpu.memory_space<vmem>>
    %dma_wait3A_70 = tpu.memref_squeeze %dma_wait3A_69 : memref<1x16xf32, #tpu.memory_space<vmem>> -> memref<16xf32, #tpu.memory_space<vmem>>
    tpu.wait_dma2 semaphore(%arg16 : memref<!tpu.dma_semaphore, #tpu.memory_space<semaphore_mem>>) src(%dma_wait3A_70 : memref<16xf32, #tpu.memory_space<vmem>>) dst(%dma_wait3A_67 : memref<16xf32, #tpu.memory_space<hbm>>)
    %mul3A_71 = arith.constant 32 : i32
    %mul3A_72 = arith.muli %add3A, %mul3A_71 : i32
    %add3A_73 = arith.constant 31 : i32
    %add3A_74 = arith.addi %mul3A_72, %add3A_73 : i32
    %dma_wait3A_75 = arith.constant 1 : i32
    %dma_wait3A_76 = arith.constant 0 : i32
    %dma_wait3A_77 = tpu.memref_slice %arg11[%dma_wait3A_75, %dma_wait3A_76] : memref<2x64xi32, #tpu.memory_space<vmem>> -> memref<1x64xi32, #tpu.memory_space<vmem>>
    %dma_wait3A_78 = tpu.memref_squeeze %dma_wait3A_77 : memref<1x64xi32, #tpu.memory_space<vmem>> -> memref<64xi32, #tpu.memory_space<vmem>>
    %dma_wait3A_79 = arith.constant 0 : i32
    %dma_wait3A_80 = tpu.memref_slice %arg4[%add3A_74, %dma_wait3A_79] : memref<1024x64xi32, #tpu.memory_space<hbm>> -> memref<1x64xi32, #tpu.memory_space<hbm>>
    %dma_wait3A_81 = tpu.memref_squeeze %dma_wait3A_80 : memref<1x64xi32, #tpu.memory_space<hbm>> -> memref<64xi32, #tpu.memory_space<hbm>>
    %dma_wait3A_82 = arith.constant 0 : i32
    %dma_wait3A_83 = tpu.memref_slice %arg4[%add3A_74, %dma_wait3A_82] : memref<1024x64xi32, #tpu.memory_space<hbm>> -> memref<1x64xi32, #tpu.memory_space<hbm>>
    %dma_wait3A_84 = tpu.memref_squeeze %dma_wait3A_83 : memref<1x64xi32, #tpu.memory_space<hbm>> -> memref<64xi32, #tpu.memory_space<hbm>>
    %dma_wait3A_85 = arith.constant 0 : i32
    %dma_wait3A_86 = tpu.memref_slice %arg11[%dma_wait3A_75, %dma_wait3A_85] : memref<2x64xi32, #tpu.memory_space<vmem>> -> memref<1x64xi32, #tpu.memory_space<vmem>>
    %dma_wait3A_87 = tpu.memref_squeeze %dma_wait3A_86 : memref<1x64xi32, #tpu.memory_space<vmem>> -> memref<64xi32, #tpu.memory_space<vmem>>
    tpu.wait_dma2 semaphore(%arg15 : memref<!tpu.dma_semaphore, #tpu.memory_space<semaphore_mem>>) src(%dma_wait3A_87 : memref<64xi32, #tpu.memory_space<vmem>>) dst(%dma_wait3A_84 : memref<64xi32, #tpu.memory_space<hbm>>)
    %dma_wait3A_88 = arith.constant 1 : i32
    %dma_wait3A_89 = arith.constant 0 : i32
    %dma_wait3A_90 = tpu.memref_slice %arg12[%dma_wait3A_88, %dma_wait3A_89] : memref<2x16xf32, #tpu.memory_space<vmem>> -> memref<1x16xf32, #tpu.memory_space<vmem>>
    %dma_wait3A_91 = tpu.memref_squeeze %dma_wait3A_90 : memref<1x16xf32, #tpu.memory_space<vmem>> -> memref<16xf32, #tpu.memory_space<vmem>>
    %dma_wait3A_92 = arith.constant 0 : i32
    %dma_wait3A_93 = tpu.memref_slice %arg5[%add3A_74, %dma_wait3A_92] : memref<1024x16xf32, #tpu.memory_space<hbm>> -> memref<1x16xf32, #tpu.memory_space<hbm>>
    %dma_wait3A_94 = tpu.memref_squeeze %dma_wait3A_93 : memref<1x16xf32, #tpu.memory_space<hbm>> -> memref<16xf32, #tpu.memory_space<hbm>>
    %dma_wait3A_95 = arith.constant 0 : i32
    %dma_wait3A_96 = tpu.memref_slice %arg5[%add3A_74, %dma_wait3A_95] : memref<1024x16xf32, #tpu.memory_space<hbm>> -> memref<1x16xf32, #tpu.memory_space<hbm>>
    %dma_wait3A_97 = tpu.memref_squeeze %dma_wait3A_96 : memref<1x16xf32, #tpu.memory_space<hbm>> -> memref<16xf32, #tpu.memory_space<hbm>>
    %dma_wait3A_98 = arith.constant 0 : i32
    %dma_wait3A_99 = tpu.memref_slice %arg12[%dma_wait3A_88, %dma_wait3A_98] : memref<2x16xf32, #tpu.memory_space<vmem>> -> memref<1x16xf32, #tpu.memory_space<vmem>>
    %dma_wait3A_100 = tpu.memref_squeeze %dma_wait3A_99 : memref<1x16xf32, #tpu.memory_space<vmem>> -> memref<16xf32, #tpu.memory_space<vmem>>
    tpu.wait_dma2 semaphore(%arg16 : memref<!tpu.dma_semaphore, #tpu.memory_space<semaphore_mem>>) src(%dma_wait3A_100 : memref<16xf32, #tpu.memory_space<vmem>>) dst(%dma_wait3A_97 : memref<16xf32, #tpu.memory_space<hbm>>)
    %swap3A = arith.constant 0 : index
    %swap3A_101 = tpu.vector_load %arg13[%swap3A] {strides = array<i32>} : memref<16xf32, #tpu.memory_space<vmem>>, vector<16xf32>,
    tpu.vector_store %arg13[%swap3A], %scan3A_23 {strides = array<i32>} : memref<16xf32, #tpu.memory_space<vmem>>, vector<16xf32>,
    "tpu.region"() ({
      %run_scoped3A = tpu.sem_alloc : memref<!tpu.dma_semaphore, #tpu.memory_space<semaphore_mem>>
      %dma_start3A_102 = arith.constant 0 : i32
      %dma_start3A_103 = tpu.memref_slice %arg6[%add3A, %dma_start3A_102] : memref<32x16xf32, #tpu.memory_space<hbm>> -> memref<1x16xf32, #tpu.memory_space<hbm>>
      %dma_start3A_104 = tpu.memref_squeeze %dma_start3A_103 : memref<1x16xf32, #tpu.memory_space<hbm>> -> memref<16xf32, #tpu.memory_space<hbm>>
      %dma_start3A_105 = arith.constant 0 : i32
      %dma_start3A_106 = tpu.memref_slice %arg6[%add3A, %dma_start3A_105] : memref<32x16xf32, #tpu.memory_space<hbm>> -> memref<1x16xf32, #tpu.memory_space<hbm>>
      %dma_start3A_107 = tpu.memref_squeeze %dma_start3A_106 : memref<1x16xf32, #tpu.memory_space<hbm>> -> memref<16xf32, #tpu.memory_space<hbm>>
      tpu.enqueue_dma source(%arg13 : memref<16xf32, #tpu.memory_space<vmem>>) target(%dma_start3A_107 : memref<16xf32, #tpu.memory_space<hbm>>) target_semaphore(%run_scoped3A : memref<!tpu.dma_semaphore, #tpu.memory_space<semaphore_mem>>)
      %dma_wait3A_108 = arith.constant 0 : i32
      %dma_wait3A_109 = tpu.memref_slice %arg6[%add3A, %dma_wait3A_108] : memref<32x16xf32, #tpu.memory_space<hbm>> -> memref<1x16xf32, #tpu.memory_space<hbm>>
      %dma_wait3A_110 = tpu.memref_squeeze %dma_wait3A_109 : memref<1x16xf32, #tpu.memory_space<hbm>> -> memref<16xf32, #tpu.memory_space<hbm>>
      %dma_wait3A_111 = arith.constant 0 : i32
      %dma_wait3A_112 = tpu.memref_slice %arg6[%add3A, %dma_wait3A_111] : memref<32x16xf32, #tpu.memory_space<hbm>> -> memref<1x16xf32, #tpu.memory_space<hbm>>
      %dma_wait3A_113 = tpu.memref_squeeze %dma_wait3A_112 : memref<1x16xf32, #tpu.memory_space<hbm>> -> memref<16xf32, #tpu.memory_space<hbm>>
      tpu.wait_dma2 semaphore(%run_scoped3A : memref<!tpu.dma_semaphore, #tpu.memory_space<semaphore_mem>>) src(%arg13 : memref<16xf32, #tpu.memory_space<vmem>>) dst(%dma_wait3A_113 : memref<16xf32, #tpu.memory_space<hbm>>)
      tpu.yield
    }) : () -> ()
    return
  }
}

module attributes {stable_mosaic.version = 14 : i64} {
  func.func @_d2_body(%arg0: i32, %arg1: memref<2048x16xf32, #tpu.memory_space<vmem>>, %arg2: memref<1024x16xf32, #tpu.memory_space<vmem>>, %arg3: memref<1024x2048xf32, #tpu.memory_space<vmem>>) attributes {dimension_semantics = [#tpu.dimension_semantics<arbitrary>], iteration_bounds = array<i64: 8>, scalar_prefetch = 0 : i64, scratch_operands = 0 : i64, tpu.core_type = #tpu.core_type<tc>, window_params = [{transform_indices = @transform_0, window_bounds = array<i64: 2048, 16>}, {pipeline_mode = #tpu.pipeline_mode<synchronous>, transform_indices = @transform_1, window_bounds = array<i64: 1024, 16>}, {transform_indices = @transform_2, window_bounds = array<i64: 1024, 2048>}]} {
    %get3A = arith.constant 0 : index
    %get3A_0 = arith.constant 0 : index
    %get3A_1 = vector.load %arg1[%get3A, %get3A_0] : memref<2048x16xf32, #tpu.memory_space<vmem>>, vector<2048x16xf32>
    %get3A_2 = arith.constant 0 : index
    %get3A_3 = arith.constant 0 : index
    %get3A_4 = vector.load %arg2[%get3A_2, %get3A_3] : memref<1024x16xf32, #tpu.memory_space<vmem>>, vector<1024x16xf32>
    %mul3A = arith.mulf %get3A_1, %get3A_1 : vector<2048x16xf32>
    %reduce_sum3A = arith.constant dense<0.000000e+00> : vector<2048xf32>
    %reduce_sum3A_5 = vector.multi_reduction <add>, %mul3A, %reduce_sum3A [1] : vector<2048x16xf32> to vector<2048xf32>
    %broadcast_in_dim3A = vector.shape_cast %reduce_sum3A_5 : vector<2048xf32> to vector<1x2048xf32>
    %mul3A_6 = arith.mulf %get3A_4, %get3A_4 : vector<1024x16xf32>
    %reduce_sum3A_7 = arith.constant dense<0.000000e+00> : vector<1024xf32>
    %reduce_sum3A_8 = vector.multi_reduction <add>, %mul3A_6, %reduce_sum3A_7 [1] : vector<1024x16xf32> to vector<1024xf32>
    %broadcast_in_dim3A_9 = vector.shape_cast %reduce_sum3A_8 : vector<1024xf32> to vector<1024x1xf32>
    %dot_general3A = arith.constant dense<0.000000e+00> : vector<1024x2048xf32>
    %dot_general3A_10 = tpu.matmul %get3A_4, %get3A_1, %dot_general3A {dimension_numbers = #tpu.dot_dimension_numbers<[1], [1], [0], [0], [0, 0, 1, 0], [], []>, transpose_lhs_hint = false} : vector<1024x16xf32>, vector<2048x16xf32>, vector<1024x2048xf32> -> vector<1024x2048xf32>
    %mul3A_11 = arith.constant 2.000000e+00 : f32
    %mul3A_12 = vector.broadcast %mul3A_11 : f32 to vector<1024x2048xf32>
    %mul3A_13 = arith.mulf %mul3A_12, %dot_general3A_10 : vector<1024x2048xf32>
    %sub3A = vector.broadcast %broadcast_in_dim3A_9 : vector<1024x1xf32> to vector<1024x2048xf32>
    %sub3A_14 = arith.subf %sub3A, %mul3A_13 : vector<1024x2048xf32>
    %add3A = vector.broadcast %broadcast_in_dim3A : vector<1x2048xf32> to vector<1024x2048xf32>
    %add3A_15 = arith.addf %sub3A_14, %add3A : vector<1024x2048xf32>
    %max3A = arith.constant 9.99999996E-13 : f32
    %max3A_16 = vector.broadcast %max3A : f32 to vector<1024x2048xf32>
    %max3A_17 = arith.maximumf %add3A_15, %max3A_16 : vector<1024x2048xf32>
    %swap3A = arith.constant 0 : index
    %swap3A_18 = arith.constant 0 : index
    %swap3A_19 = vector.load %arg3[%swap3A, %swap3A_18] : memref<1024x2048xf32, #tpu.memory_space<vmem>>, vector<1024x2048xf32>
    tpu.vector_store %arg3[%swap3A, %swap3A_18], %max3A_17 {strides = array<i32>} : memref<1024x2048xf32, #tpu.memory_space<vmem>>, vector<1024x2048xf32>,
    return
  }
  func.func @transform_0(%arg0: i32) -> (i32, i32) {
    %c0_i32 = arith.constant 0 : i32
    %c0_i32_0 = arith.constant 0 : i32
    return %arg0, %c0_i32 : i32, i32
  }
  func.func @transform_1(%arg0: i32) -> (i32, i32) {
    %c0_i32 = arith.constant 0 : i32
    %c0_i32_0 = arith.constant 0 : i32
    %c0_i32_1 = arith.constant 0 : i32
    return %c0_i32, %c0_i32_0 : i32, i32
  }
  func.func @transform_2(%arg0: i32) -> (i32, i32) {
    %c0_i32 = arith.constant 0 : i32
    %c0_i32_0 = arith.constant 0 : i32
    return %c0_i32, %arg0 : i32, i32
  }
}

</mosaic_0001>

<sc_bundles>
// kernel: kernel.4.cloned.1.call-start
scs
__scs_entry_jumppad:
0x0: {  	(pc) =	sbr.rel $0x88, $3  }
0x1: {  	(tag) =	ssettag $0x0;
	lr =	simm.s32 $0x1  }
0x2: {  	[smem:$0x3F9F] =	sst lr;
	_ =	strace $0xD0000000  }
0x3: {  	_ = 	snop  }
0x4: {  	_ = 	snop  }
0x5: {  	_ = 	snop  }
0x6: {  	_ = 	snop  }
0x7: {  	_ = 	snop  }
__scs_overlays_trampoline_lowered:
0x8: {  	[smem:$0x3FAE] =	sst s0  }
0x9: {  	[smem:$0x3FAF] =	sst s1  }
0xa: {  	[smem:$0x3FB0] =	sst s2  }
0xb: {  	[smem:$0x3FB1] =	sst s3  }
0xc: {  	[smem:$0x3FB2] =	sst s4  }
0xd: {  	[smem:$0x3FB3] =	sst s5  }
0xe: {  	[smem:$0x3FB4] =	sst s6  }
0xf: {  	[smem:$0x3FB5] =	sst s7  }
0x10: {  	[smem:$0x3FB6] =	sst s8  }
0x11: {  	[smem:$0x3FB7] =	sst s9;
	s0 =	simm.s32 @!p0 $0x0  }
0x12: {  	s1 =	sld [smem:$0x3F9D];
	s0 =	simm.s32 @p0 $0x1  }
0x13: {  	[smem:$0x3FB8] =	sst s0;
	s0 =	simm.s32 @!p1 $0x0  }
0x14: {  	s2 =	sld [smem:$0x3F9C];
	s0 =	simm.s32 @p1 $0x1  }
0x15: {  	[smem:$0x3FB9] =	sst s0;
	s0 =	simm.s32 @!p2 $0x0  }
0x16: {  	s3 =	sld [smem:$0x3FDB];
	s0 =	simm.s32 @p2 $0x1  }
0x17: {  	s4 =	simm.s32 $0x1BF5;
	[smem:$0x3FBB] =	sst s0  }
0x18: {  	s0 =	sld [smem:$0x3F9E];
	_ =	swait.ge [sflag:s4], $0x0  }
0x19: {  	s7 =	sld [smem:$0x3F9F]  }
0x1a: {  	s8 =	sadd.s32 $0xFFFFE003, lr  }
0x1b: {  	s9 =	sadd.s32 $0xFFFFFEF7, lr;
	s5 =	simm.s32 $0xFFFFFFFF;
	p2 =	slt.u32 s8, $0xFFFFF086  }
0x1c: {  	p1 =	slt.u32 s9, $0xF7A;
	s5 =	simm.s32 @!p2 $0x0  }
0x1d: {  	s5 =	simm.s32 @p1 $0x1;
	p0 =	seq.s32 s7, s2  }
0x1e: {  	s7 =	smul.u32 @!p0 $0xF7A, s2;
	p2 =	seq.s32 @!p0 s5, $0x0  }
0x1f: {  	s9 =	smul.u32 $0xF7A, s1;
	s8 =	simm.s32 @!p0 $0x1BF5;
	p2 =	por !p2, p0  }
0x20: {  	[sflag:s8] =	ssyncset.s32 @!p0 $0xFFFFF086;
	s6 =	sadd.s32 @!p0 s3, s7;
	s7 =	simm.s32 @!p0 $0x108  }
0x21: {  	s3 =	sadd.s32 s3, s9;
	s6 =	sadd.s32 @!p0 $0x88, s6;
	s7 =	simm.s32 @p2 $0x1082  }
0x22: {  	[simem:s7], [sflag:s8] =	dma.local @!p0 [hbm:s6], $0xF7A  }
0x23: {  	s9 =	sor.u32 $0xD0000000, s2;
	s6 =	simm.s32 $0x108;
	_ =	swait.ge @!p0 [sflag:s8], $0x0  }
0x24: {  	s3 =	sadd.s32 $0x88, s3;
	s6 =	simm.s32 @!p1 $0x1082;
	[sflag:s4] =	ssyncset.s32 $0xFFFFF086  }
0x25: {  	[simem:s6], [sflag:s4] =	dma.local [hbm:s3], $0xF7A  }
0x26: {  	[smem:$0x3F9F] =	sst s1;
	(tag) =	ssettag s2;
	_ =	strace s9  }
0x27: {  	s1 =	sld [smem:$0x3FAF]  }
0x28: {  	s2 =	sld [smem:$0x3FB0]  }
0x29: {  	s4 =	sld [smem:$0x3FB2]  }
0x2a: {  	p0 =	seq.s32 s5, $0x0;
	s5 =	sld [smem:$0x3FB3]  }
0x2b: {  	s6 =	sld [smem:$0x3FB4]  }
0x2c: {  	s7 =	sld [smem:$0x3FB5]  }
0x2d: {  	s3 =	simm.s32 $0x108;
	s8 =	sld [smem:$0x3FB6]  }
0x2e: {  	s3 =	simm.s32 @!p0 $0x1082;
	s9 =	sld [smem:$0x3FB7]  }
0x2f: {  	lr =	sadd.s32 s0, s3;
	s0 =	sld [smem:$0x3FAE]  }
0x30: {  	s3 =	sld [smem:$0x3FB1]  }
0x31: {  	[smem:$0x3FBA] =	sst s10  }
0x32: {  	s10 =	sld [smem:$0x3FB8];
	_ =	sdelay $0x3  }
0x33: {  	p0 =	seq.s32 s10, $0x1;
	s10 =	sld [smem:$0x3FBA];
	_ =	sdelay $0x3  }
0x34: {  	[smem:$0x3FBA] =	sst s10  }
0x35: {  	s10 =	sld [smem:$0x3FB9];
	_ =	sdelay $0x3  }
0x36: {  	p1 =	seq.s32 s10, $0x1;
	s10 =	sld [smem:$0x3FBA];
	_ =	sdelay $0x3  }
0x37: {  	[smem:$0x3FBA] =	sst s10  }
0x38: {  	s10 =	sld [smem:$0x3FBB]  }
0x39: {  	_ = 	snop;
	(pc) =	sbr.ind lr, $3  }
0x3a: {  	_ = 	snop  }
0x3b: {  	_ = 	snop  }
0x3c: {  	p2 =	seq.s32 s10, $0x1;
	s10 =	sld [smem:$0x3FBA]  }
0x3d: {  	_ =	shalt  }
0x3e: {  	_ =	shalt  }
0x3f: {  	_ =	shalt  }
0x40: {  	_ =	shalt  }
0x41: {  	_ =	shalt  }
0x42: {  	_ =	shalt  }
0x43: {  	_ =	shalt  }
0x44: {  	_ =	shalt  }
0x45: {  	_ =	shalt  }
0x46: {  	_ =	shalt  }
0x47: {  	_ =	shalt  }
0x48: {  	_ =	shalt  }
0x49: {  	_ =	shalt  }
0x4a: {  	_ =	shalt  }
0x4b: {  	_ =	shalt  }
0x4c: {  	_ =	shalt  }
0x4d: {  	_ =	shalt  }
0x4e: {  	_ =	shalt  }
0x4f: {  	_ =	shalt  }
0x50: {  	_ =	shalt  }
0x51: {  	_ =	shalt  }
0x52: {  	_ =	shalt  }
0x53: {  	_ =	shalt  }
0x54: {  	_ =	shalt  }
0x55: {  	_ =	shalt  }
0x56: {  	_ =	shalt  }
0x57: {  	_ =	shalt  }
0x58: {  	_ =	shalt  }
0x59: {  	_ =	shalt  }
0x5a: {  	_ =	shalt  }
0x5b: {  	_ =	shalt  }
0x5c: {  	_ =	shalt  }
0x5d: {  	_ =	shalt  }
0x5e: {  	_ =	shalt  }
0x5f: {  	_ =	shalt  }
0x60: {  	_ =	shalt  }
0x61: {  	_ =	shalt  }
0x62: {  	_ =	shalt  }
0x63: {  	_ =	shalt  }
0x64: {  	_ =	shalt  }
0x65: {  	_ =	shalt  }
0x66: {  	_ =	shalt  }
0x67: {  	_ =	shalt  }
0x68: {  	_ =	shalt  }
0x69: {  	_ =	shalt  }
0x6a: {  	_ =	shalt  }
0x6b: {  	_ =	shalt  }
0x6c: {  	_ =	shalt  }
0x6d: {  	_ =	shalt  }
0x6e: {  	_ =	shalt  }
0x6f: {  	_ =	shalt  }
0x70: {  	_ =	shalt  }
0x71: {  	_ =	shalt  }
0x72: {  	_ =	shalt  }
0x73: {  	_ =	shalt  }
0x74: {  	_ =	shalt  }
0x75: {  	_ =	shalt  }
0x76: {  	_ =	shalt  }
0x77: {  	_ =	shalt  }
0x78: {  	_ =	shalt  }
0x79: {  	_ =	shalt  }
0x7a: {  	_ =	shalt  }
0x7b: {  	_ =	shalt  }
0x7c: {  	_ =	shalt  }
0x7d: {  	_ =	shalt  }
0x7e: {  	_ =	shalt  }
0x7f: {  	_ =	shalt  }
0x80: {  	_ =	shalt  }
0x81: {  	_ =	shalt  }
0x82: {  	_ =	shalt  }
0x83: {  	_ =	shalt  }
0x84: {  	_ =	shalt  }
0x85: {  	_ =	shalt  }
0x86: {  	_ =	shalt  }
0x87: {  	_ =	shalt  }
.Lfunc_end0:
.L_simem_size_0:
called_computation_lowered:
.L_overlay_start_0:
0x88: {  	s2 =	sld [smem:$0x3FD9]  }
0x89: {  	s3 =	sld [smem:$0x3FFE];
	_ =	sdelay $0x1  }
0x8a: {  	s1 =	srdreg.scid  }
0x8b: {  	s0 =	sand.u32 $0x1, s1  }
0x8c: {  	s16 =	sshll.u32 s0, $0xA;
	s2 =	sadd.s32 s3, s2  }
0x8d: {  	s2 =	sadd.s32 s2, s16  }
0x8e: {  	[smem:$0x3FC6] =	sst s2  }
0x8f: {  	_ = 	snop  }
0x90: {  	(tm) =	ssettm $0x1  }
0x91: {  	s17 =	sld [smem:$0x3FFB];
	_ =	sdelay $0x3  }
0x92: {  	_ =	strace s17  }
0x93: {  	s2 =	sld [smem:$0x3FFC];
	_ =	sdelay $0x3  }
0x94: {  	_ =	strace s2  }
0x95: {  	s2 =	sld [smem:$0x3FFD];
	_ =	sdelay $0x3  }
0x96: {  	_ =	strace s2  }
0x97: {  	_ =	strace $0x8FFFFFFF  }
0x98: {  	s18 =	sld [smem:$0x3FDB];
	_ =	sdelay $0x1  }
0x99: {  	s19 =	simm.s32 $_scs_section_size  }
0x9a: {  	s4 =	simm.s32 $_size__tile_overlayer_lowered;
	s5 =	simm.s32 $_tile_overlayer_lowered  }
0x9b: {  	s22 =	simm.s32 $0x1BFF;
	s21 =	sshll.u32 s5, $0x1;
	s2 =	sadd.s32 s19, s18  }
0x9c: {  	s6 =	simm.s32 $0x0;
	s20 =	sshll.u32 s4, $0x1;
	s4 =	sadd.s32 s21, s2  }
0x9d: {  	[timem:s6], [sflag:s22] =	dma.local [hbm:s4], s20  }
0x9e: {  	_ =	swait.ge [sflag:s22], s20  }
0x9f: {  	s3 =	ssub.s32 $0x0, s20;
	[sflag:s22] =	ssyncset.done $0x0  }
0xa0: {  	[sflag:s22] =	ssyncadd.s32 s3;
	_ =	sdelay $0x1  }
0xa1: {  	s23 =	simm.s32 $0x1B8B  }
0xa2: {  	_ =	swait.ge [sflag:s23], $0x1  }
0xa3: {  	[sflag:s23] =	ssyncset.done $0x0  }
0xa4: {  	s25 =	simm.s32 $0x1B8E;
	s24 =	sld [smem:$0x3FFE];
	[sflag:s23] =	ssyncadd.s32 $0xFFFFFFFF  }
0xa5: {  	s26 =	simm.s32 $execute0_lowered;
	[smem:$0x3FD2] =	sst s25  }
0xa6: {  	s4 =	sshll.u32 s26, $0x1;
	_ =	strace $0x80000046;
	[dreg:$0x1] =	wrdreg $0xFFFFFFFF  }
0xa7: {  	s28 =	simm.s32 $_size_execute0_lowered;
	s2 =	sadd.s32 s2, s4;
	[dreg:$0x0] =	wrdreg $0x0  }
0xa8: {  	s4 =	sshll.u32 s28, $0x1;
	[dreg:$0x2] =	wrdreg s2  }
0xa9: {  	[dreg:$0x3] =	wrdreg s4  }
0xaa: {  	[dreg:$0x4] =	wrdreg $0xC0  }
0xab: {  	_ =	task [dreg:s6], $0x5FFFF  }
0xac: {  	[dreg:$0x1] =	wrdreg $0xFFFFFFFF  }
0xad: {  	[dreg:$0x0] =	wrdreg $0x60  }
0xae: {  	[dreg:$0x2] =	wrdreg s24  }
0xaf: {  	[dreg:$0x3] =	wrdreg $0x9  }
0xb0: {  	_ =	task.clear_ibuf [dreg:s6], $0x4FFFF;
	_ =	strace $0x90000046  }
0xb1: {  	s29 =	simm.s32 $0x9;
	_ =	strace $0x80000048  }
0xb2: {  	_ =	swait.ge [sflag:s29], $0x1  }
0xb3: {  	[sflag:s29] =	ssyncadd.s32 $0xFFFFFFFF  }
0xb4: {  	_ =	strace $0x90000048  }
0xb5: {  	_ =	sfence  }
0xb6: {  	s30 =	sld [smem:$0x0];
	_ =	sdelay $0x2  }
0xb7: {  	s31 =	sshll.u32 s1, $0xD;
	s1 =	sshrl.u32 s1, $0x2  }
0xb8: {  	s3 =	sand.u32 $0x4000, s31;
	s1 =	sadd.s32 s1, s30  }
0xb9: {  	s0 =	sor.u32 s3, s0;
	s1 =	sshll.u32 s1, $0x11  }
0xba: {  	s0 =	sor.u32 s1, s0  }
0xbb: {  	s0 =	sadd.s32 $0x8F2B, s0  }
0xbc: {  	[sflag:s0] =	ssyncadd.remote.s32 $0x1  }
0xbd: {  	_ =	sfence.sel $0xFFFF  }
0xbe: {  	[dreg:$0x0] =	wrdreg $0xFFFFFFFF;
	(pc) =	sbr.abs _section_cstart, $3  }
0xbf: {  	[dreg:$0x1] =	wrdreg $0xFFFFFFFF  }
0xc0: {  	_ =	task.clear_ibuf [dreg:s6], $0x2FFFF;
	_ =	strace $0x9FFFFFFF  }
0xc1: {  	(tm) =	ssettm $0x7FFFFFFF  }
tec
execute0_lowered:
.L_overlay_start_1:
0x0: {  	(tag) =	ssettag $0x1  }
0x1: {  	s7 =	rddreg [dreg:$0x0]  }
0x2: {  	s0 =	rddreg [dreg:$0x1]  }
0x3: {  	s1 =	simm.s32 $0x0;
	s5 =	srdreg.scid;
	s2 =	stileid.u32  }
0x4: {  	s12 =	simm.s32 $0x8000;
	s13 =	simm.s32 $0x8200;
	s14 =	simm.s32 $0x40  }
0x5: {  	s15 =	simm.s32 $0x8400;
	s16 =	simm.s32 $0x4;
	s17 =	simm.s32 $0x2  }
0x6: {  	s18 =	simm.s32 $0x3;
	s19 =	simm.s32 $0xA600;
	s20 =	simm.s32 $0x5  }
0x7: {  	s21 =	simm.s32 $0x0;
	[smem:$0x7FF] =	sst s1;
	s3 =	sadd.s32 $0x600, s7  }
0x8: {  	s4 =	sadd.s32 $0x200600, s7;
	s6 =	sand.u32 $0x1, s5;
	s8 =	sshll.u32 s2, $0x1  }
0x9: {  	s5 =	sadd.s32 $0x240600, s7;
	_ =	strace $0x80000047;
	s8 =	sor.u32 s6, s8  }
0xa: {  	s9 =	ssub.s32 $0x2, s6;
	s6 =	sadd.s32 $0x244600, s7;
	s10 =	sshll.u32 s8, $0x4  }
0xb: {  	s11 =	sshrl.u32 s9, $0x1;
	s31 =	sshll.u32 s8, $0x10;
	s10 =	sadd.s32 s10, s7  }
0xc: {  	v0 =	vimm.f32 $0.0e+00;
	s11 =	ssub.s32 s9, s11;
	s7 =	sshll.u32 s8, $0x5;
	s8 =	sadd.s32 s3, s31  }
0xd: {  	v1 =	vimm.s32 $0x0;
	v2 =	vimm.f32 $+Inf;
	v3 =	vlaneseq.u32;
	s9 =	sadd.s32 $0x248600, s10;
	s10 =	smax.u32 s11, $0x1;
	s11 =	simm.s32 $0x1  }
.LBB2_1:
0xe: {  	s22 =	simm.s32 $0x0;
	s24 =	simm.s32 $0x0  }
.LBB2_2:
0xf: {  	p0 =	sne.s32 s24, $0x3F80  }
.Ltmp0:
0x10: {  	_ = 	snop;
	(pc) =	sbr.rel @p0 .LBB2_2-.Ltmp0, $4  }
0x11: {  	_ = 	snop  }
0x12: {  	s25 =	sadd.s32 s24, s8;
	s23 =	simm.s32 $0x0  }
0x13: {  	[tilespmem:s22], [sflag:$0x1] =	stream.linear.gather [hbm4b:s25+s23], $0x80, $0x38;
	[tilespmem:$0xA680] =	vst v63  }
0x14: {  	s24 =	sadd.s32 $0x80, s24;
	s22 =	sadd.s32 $0x100, s22  }
0x15: {  	v4 =	vimm.f32 $0.0e+00  }
.LBB2_4:
0x16: {  	s22 =	sadd.s32 $0x1, s23  }
0x17: {  	_ =	swait.ge [sflag:s11], $0x4000;
	s24 =	smin.u32 s22, $0x1F  }
0x18: {  	s26 =	sshll.u32 s23, $0x7;
	s25 =	sor.u32 s7, s24;
	s24 =	sshll.u32 s24, $0x4  }
0x19: {  	[sflag:s11] =	ssyncset.done $0x0;
	s25 =	sshll.u32 s25, $0xB;
	s28 =	sand.u32 $0x70, s24  }
0x1a: {  	s24 =	sand.u32 $0x80, s26;
	s31 =	sand.u32 $0x1FC000, s25;
	s28 =	sadd.s32 s3, s28  }
0x1b: {  	[sflag:s11] =	ssyncadd.s32 $0xFFFFC000;
	s25 =	sxor.u32 $0x80, s24;
	s26 =	sadd.s32 s31, s28  }
0x1c: {  	s28 =	simm.s32 $0x80;
	s29 =	sadd.s32 $0x100, s25;
	s30 =	sadd.s32 $0x0, s26  }
.LBB2_5:
0x1d: {  	[tilespmem:s25], [sflag:$0x1] =	stream.linear.gather [hbm4b:s30+s1], $0x80, $0x38;
	[tilespmem:$0xA680] =	vst v63  }
0x1e: {  	s30 =	smov.u32 s28;
	s25 =	smov.u32 s29;
	p0 =	sne.s32 s28, $0x3F80  }
.Ltmp1:
0x1f: {  	s28 =	sadd.s32 $0x80, s28;
	(pc) =	sbr.rel @p0 .LBB2_5-.Ltmp1, $2  }
0x20: {  	_ =	sdelay $0x2  }
0x21: {  	s29 =	sadd.s32 $0x100, s29;
	s30 =	sadd.s32 s30, s26  }
0x22: {  	[tilespmem:s25], [sflag:$0x1] =	stream.linear.gather [hbm4b:s30+s1], $0x80, $0x38;
	v14 =	vimm.f32 $+Inf;
	[tilespmem:$0xA680] =	vst v63  }
0x23: {  	[tilespmem:$0x8000] =	vst v14  }
0x24: {  	[tilespmem:$0x8010] =	vst v14  }
0x25: {  	[tilespmem:$0x8020] =	vst v14  }
0x26: {  	[tilespmem:$0x8030] =	vst v14  }
0x27: {  	[tilespmem:$0x8040] =	vst v14  }
0x28: {  	[tilespmem:$0x8050] =	vst v14  }
0x29: {  	[tilespmem:$0x8060] =	vst v14  }
0x2a: {  	[tilespmem:$0x8070] =	vst v14  }
0x2b: {  	[tilespmem:$0x8080] =	vst v14  }
0x2c: {  	[tilespmem:$0x8090] =	vst v14  }
0x2d: {  	[tilespmem:$0x80A0] =	vst v14  }
0x2e: {  	[tilespmem:$0x80B0] =	vst v14  }
0x2f: {  	[tilespmem:$0x80C0] =	vst v14  }
0x30: {  	[tilespmem:$0x80D0] =	vst v14  }
0x31: {  	[tilespmem:$0x80E0] =	vst v14  }
0x32: {  	[tilespmem:$0x80F0] =	vst v14  }
0x33: {  	[tilespmem:$0x8100] =	vst v14  }
0x34: {  	[tilespmem:$0x8110] =	vst v14  }
0x35: {  	[tilespmem:$0x8120] =	vst v14  }
0x36: {  	[tilespmem:$0x8130] =	vst v14  }
0x37: {  	[tilespmem:$0x8140] =	vst v14  }
0x38: {  	[tilespmem:$0x8150] =	vst v14  }
0x39: {  	[tilespmem:$0x8160] =	vst v14  }
0x3a: {  	[tilespmem:$0x8170] =	vst v14  }
0x3b: {  	[tilespmem:$0x8180] =	vst v14  }
0x3c: {  	[tilespmem:$0x8190] =	vst v14  }
0x3d: {  	[tilespmem:$0x81A0] =	vst v14  }
.Ltmp2:
0x3e: {  	[tilespmem:$0x81B0] =	vst v14;
	(pc) =	sbr.rel .LBB2_7-.Ltmp2, $4  }
0x3f: {  	[tilespmem:$0x81C0] =	vst v14  }
0x40: {  	[tilespmem:$0x81D0] =	vst v14  }
0x41: {  	[tilespmem:$0x81E0] =	vst v14  }
0x42: {  	s25 =	simm.s32 $0x0;
	v13 =	vimm.s32 $0x0;
	[tilespmem:$0x81F0] =	vst v14  }
.LBB2_14:
0x43: {  	vm7 =	vle.f32 v12, v14  }
0x44: {  	v15 =	vsel vm7, $0x1, v1  }
0x45: {  	vm6 =	vle.f32 v11, v14;
	(xrf0) =	vadd.scan.msk.s32 $0xffff, v15  }
0x46: {  	v15 =	vsel vm6, $0x1, v1  }
0x47: {  	vm5 =	vle.f32 v10, v14;
	(xrf0) =	vadd.scan.msk.s32 $0xffff, v15  }
0x48: {  	v15 =	vsel vm5, $0x1, v1  }
0x49: {  	vm4 =	vle.f32 v9, v14;
	(xrf0) =	vadd.scan.msk.s32 $0xffff, v15  }
0x4a: {  	v13 =	vpsel p0, $0x40, v13;
	v15 =	vsel vm4, $0x1, v1  }
0x4b: {  	vm2 =	vle.f32 v8, v14;
	vm1 =	vle.f32 v7, v14;
	v16 =	vmpcnt.ones.xlane vm7;
	v17, _, _ =	vpop (xrf0);
	(xrf0) =	vadd.scan.msk.s32 $0xffff, v15  }
0x4c: {  	vm0 =	vle.f32 v6, v14;
	v15 =	vsel vm2, $0x1, v1;
	v17 =	vadd.s32 v17, v13  }
0x4d: {  	v18 =	vmpcnt.ones.xlane vm6;
	v19, _, _ =	vpop (xrf0);
	(xrf0) =	vadd.scan.msk.s32 $0xffff, v15;
	v13 =	vadd.s32 v13, v16;
	v15 =	vadd.s32 $0xFFFFFFFF, v17  }
0x4e: {  	vm3 =	vle.f32 v5, v14;
	v44 =	vsel vm1, $0x1, v1;
	v45 =	vadd.s32 v19, v13  }
0x4f: {  	v46 =	vmpcnt.ones.xlane vm5;
	v20, _, _ =	vpop (xrf0);
	(xrf0) =	vadd.scan.msk.s32 $0xffff, v44;
	v13 =	vadd.s32 v18, v13;
	v47 =	vadd.s32 $0xFFFFFFFF, v45  }
0x50: {  	v48 =	vmpcnt.ones.xlane vm4;
	v49 =	vsel vm0, $0x1, v1;
	v20 =	vadd.s32 v20, v13  }
0x51: {  	s26 =	sshll.u32 s25, $0x7;
	v21 =	vmpcnt.ones.xlane vm2;
	v13 =	vadd.s32 v46, v13;
	v50 =	vadd.s32 $0xFFFFFFFF, v20;
	v22, _, _ =	vpop (xrf0);
	(xrf0) =	vadd.scan.msk.s32 $0xffff, v49  }
0x52: {  	v51 =	vsel vm3, $0x1, v1;
	v52 =	vor.u32 s26, v3;
	[tilespmem:v15+s12+$0x0] =	vst.idx.msk vm7, v12;
	v12 =	vadd.s32 v13, v22  }
0x53: {  	s28 =	sor.u32 $0x10, s26;
	v53, _, _ =	vpop (xrf0);
	(xrf0) =	vadd.scan.msk.s32 $0xffff, v51;
	v13 =	vadd.s32 v48, v13;
	[tilespmem:v15+s13+$0x0] =	vst.idx.msk vm7, v52;
	v12 =	vadd.s32 $0xFFFFFFFF, v12  }
0x54: {  	v15 =	vor.u32 s28, v3;
	v54 =	vadd.s32 v13, v53;
	[tilespmem:v47+s12+$0x0] =	vst.idx.msk vm6, v11  }
0x55: {  	s30 =	sor.u32 $0x20, s26;
	v56 =	vmpcnt.ones.xlane vm1;
	v55, _, _ =	vpop (xrf0);
	v13 =	vadd.s32 v21, v13;
	v11 =	vadd.s32 $0xFFFFFFFF, v54;
	[tilespmem:v47+s13+$0x0] =	vst.idx.msk vm6, v15  }
0x56: {  	v57 =	vadd.s32 v13, v55;
	v15 =	vor.u32 s30, v3;
	[tilespmem:v50+s12+$0x0] =	vst.idx.msk vm5, v10  }
0x57: {  	s31 =	sor.u32 $0x30, s26;
	v59 =	vmpcnt.ones.xlane vm0;
	v13 =	vadd.s32 v56, v13;
	v10 =	vadd.s32 $0xFFFFFFFF, v57;
	v58, _, _ =	vpop (xrf0);
	[tilespmem:v50+s13+$0x0] =	vst.idx.msk vm5, v15  }
0x58: {  	v15 =	vor.u32 s31, v3;
	[tilespmem:v12+s12+$0x0] =	vst.idx.msk vm4, v9;
	v60 =	vadd.s32 v13, v58  }
0x59: {  	s29 =	sor.u32 $0x40, s26;
	v61, _, _ =	vpop (xrf0);
	v13 =	vadd.s32 v59, v13;
	[tilespmem:v12+s13+$0x0] =	vst.idx.msk vm4, v15;
	v9 =	vadd.s32 $0xFFFFFFFF, v60  }
0x5a: {  	v12 =	vor.u32 s29, v3;
	v62 =	vadd.s32 v13, v61;
	[tilespmem:v11+s12+$0x0] =	vst.idx.msk vm2, v8  }
0x5b: {  	s30 =	sor.u32 $0x50, s26;
	v8 =	vadd.s32 $0xFFFFFFFF, v62;
	[tilespmem:v11+s13+$0x0] =	vst.idx.msk vm2, v12  }
0x5c: {  	v63 =	vor.u32 s30, v3;
	[tilespmem:v10+s12+$0x0] =	vst.idx.msk vm1, v7  }
0x5d: {  	s31 =	sor.u32 $0x60, s26;
	[tilespmem:v10+s13+$0x0] =	vst.idx.msk vm1, v63  }
0x5e: {  	v7 =	vor.u32 s31, v3;
	[tilespmem:v9+s12+$0x0] =	vst.idx.msk vm0, v6  }
0x5f: {  	s26 =	sor.u32 $0x70, s26;
	v6 =	vmpcnt.ones.xlane vm3;
	[tilespmem:v9+s13+$0x0] =	vst.idx.msk vm0, v7  }
0x60: {  	v7 =	vor.u32 s26, v3;
	[tilespmem:v8+s12+$0x0] =	vst.idx.msk vm3, v5  }
0x61: {  	v13 =	vadd.s32 v6, v13;
	[tilespmem:v8+s13+$0x0] =	vst.idx.msk vm3, v7  }
.LBB2_15:
0x62: {  	s25 =	sadd.s32 $0x1, s25  }
0x63: {  	p0 =	sne.s32 s25, $0x80  }
.Ltmp3:
0x64: {  	_ = 	snop;
	(pc) =	sbr.rel @!p0 .LBB2_16-.Ltmp3, $1  }
0x65: {  	_ =	sdelay $0x3  }
.LBB2_7:
0x66: {  	s26 =	sshll.u32 s25, $0x8  }
0x67: {  	s26 =	sand.u32 $0x3FFFFF00, s26  }
0x68: {  	s26 =	sor.u32 s26, s24  }
0x69: {  	v12 =	vld [tilespmem:s26+$0x0]  }
0x6a: {  	v11 =	vld [tilespmem:s26+$0x10]  }
0x6b: {  	v10 =	vld [tilespmem:s26+$0x20]  }
0x6c: {  	v9 =	vld [tilespmem:s26+$0x30]  }
0x6d: {  	v8 =	vld [tilespmem:s26+$0x40]  }
0x6e: {  	v7 =	vld [tilespmem:s26+$0x50]  }
0x6f: {  	v6 =	vld [tilespmem:s26+$0x60];
	vm0 =	vle.f32 v12, v14;
	vm1 =	vle.f32 v11, v14  }
0x70: {  	v5 =	vld [tilespmem:s26+$0x70];
	vm10 =	vle.f32 v10, v14;
	vm0 =	vmor vm0, vm1  }
0x71: {  	vm11 =	vle.f32 v9, v14;
	vm0 =	vmor vm0, vm10  }
0x72: {  	vm12 =	vle.f32 v8, v14;
	vm0 =	vmor vm0, vm11  }
0x73: {  	vm13 =	vle.f32 v7, v14;
	vm0 =	vmor vm0, vm12  }
0x74: {  	vm14 =	vle.f32 v6, v14;
	vm0 =	vmor vm0, vm13  }
0x75: {  	vm15 =	vle.f32 v5, v14;
	vm0 =	vmor vm0, vm14  }
0x76: {  	vm0 =	vmor vm0, vm15  }
0x77: {  	v15 =	vsel vm0, $0x3F800000, v0  }
0x78: {  	(xrf0) =	vmax.scan.msk.f32 $0xffff, v15;
	_ =	sdelay $0x5  }
0x79: {  	v15, _, _ =	vpop (xrf0)  }
0x7a: {  	(v2sf) =	vpush v15, $0xF;
	_ =	sdelay $0xe  }
0x7b: {  	s31 =	spop (v2sf)  }
0x7c: {  	p0 =	sgt.f32 s31, $0.0e+00  }
.Ltmp4:
0x7d: {  	_ = 	snop;
	(pc) =	sbr.rel @!p0 .LBB2_15-.Ltmp4, $1  }
0x7e: {  	_ =	sdelay $0x3  }
0x7f: {  	vm0 =	vgt.s32 v13, $0x17F  }
0x80: {  	v15 =	vsel vm0, $0x3F800000, v0  }
0x81: {  	(xrf0) =	vmax.scan.msk.f32 $0xffff, v15;
	_ =	sdelay $0x5  }
0x82: {  	v15, _, _ =	vpop (xrf0)  }
0x83: {  	(v2sf) =	vpush v15, $0xF;
	_ =	sdelay $0xe  }
0x84: {  	s26 =	spop (v2sf)  }
0x85: {  	p0 =	sgt.f32 s26, $0.0e+00  }
.Ltmp5:
0x86: {  	_ = 	snop;
	(pc) =	sbr.rel @!p0 .LBB2_14-.Ltmp5, $1  }
0x87: {  	_ =	sdelay $0x3  }
0x88: {  	v46 =	vld [tilespmem:$0x8000]  }
0x89: {  	v45 =	vld [tilespmem:$0x8010]  }
0x8a: {  	v44 =	vld [tilespmem:$0x8020]  }
0x8b: {  	v43 =	vld [tilespmem:$0x8030]  }
0x8c: {  	v42 =	vld [tilespmem:$0x8040]  }
0x8d: {  	v41 =	vld [tilespmem:$0x8050]  }
0x8e: {  	v40 =	vld [tilespmem:$0x8060]  }
0x8f: {  	v39 =	vld [tilespmem:$0x8070]  }
0x90: {  	v38 =	vld [tilespmem:$0x8080]  }
0x91: {  	v37 =	vld [tilespmem:$0x8090]  }
0x92: {  	v36 =	vld [tilespmem:$0x80A0]  }
0x93: {  	v35 =	vld [tilespmem:$0x80B0]  }
0x94: {  	v34 =	vld [tilespmem:$0x80C0]  }
0x95: {  	v33 =	vld [tilespmem:$0x80D0]  }
0x96: {  	v32 =	vld [tilespmem:$0x80E0]  }
0x97: {  	v31 =	vld [tilespmem:$0x80F0]  }
0x98: {  	v30 =	vld [tilespmem:$0x8100]  }
0x99: {  	v29 =	vld [tilespmem:$0x8110]  }
0x9a: {  	v28 =	vld [tilespmem:$0x8120]  }
0x9b: {  	v27 =	vld [tilespmem:$0x8130]  }
0x9c: {  	v26 =	vld [tilespmem:$0x8140]  }
0x9d: {  	v25 =	vld [tilespmem:$0x8150]  }
0x9e: {  	v24 =	vld [tilespmem:$0x8160]  }
0x9f: {  	v23 =	vld [tilespmem:$0x8170]  }
0xa0: {  	v22 =	vld [tilespmem:$0x8180]  }
0xa1: {  	v21 =	vld [tilespmem:$0x8190]  }
0xa2: {  	v20 =	vld [tilespmem:$0x81A0]  }
0xa3: {  	v19 =	vld [tilespmem:$0x81B0]  }
0xa4: {  	v18 =	vld [tilespmem:$0x81C0]  }
0xa5: {  	v16 =	vld [tilespmem:$0x81D0]  }
0xa6: {  	v14 =	vimm.s32 $0x0;
	v47 =	vimm.s32 $0x7F800000;
	v17 =	vld [tilespmem:$0x81E0]  }
0xa7: {  	v15 =	vld [tilespmem:$0x81F0];
	s26 =	simm.s32 $0x1E;
	v48 =	vsub.s32 v47, v14  }
.LBB2_10:
0xa8: {  	p1 =	sne.s32 s26, $0x1;
	v48 =	vshrl.u32 v48, $0x1  }
0xa9: {  	v48 =	vadd.s32 v14, v48  }
0xaa: {  	vm0 =	vle.f32 v46, v48;
	vm1 =	vle.f32 v45, v48  }
0xab: {  	v49 =	vmpcnt.ones.xlane vm0;
	v50 =	vmpcnt.ones.xlane vm1;
	vm0 =	vle.f32 v44, v48  }
0xac: {  	v51 =	vmpcnt.ones.xlane vm0;
	vm0 =	vle.f32 v43, v48  }
0xad: {  	v49 =	vadd.s32 v50, v49;
	v50 =	vmpcnt.ones.xlane vm0;
	vm0 =	vle.f32 v42, v48  }
0xae: {  	v49 =	vadd.s32 v51, v49;
	v51 =	vmpcnt.ones.xlane vm0;
	vm0 =	vle.f32 v41, v48  }
0xaf: {  	v49 =	vadd.s32 v50, v49;
	v50 =	vmpcnt.ones.xlane vm0;
	vm0 =	vle.f32 v40, v48  }
0xb0: {  	v49 =	vadd.s32 v51, v49;
	v51 =	vmpcnt.ones.xlane vm0;
	vm0 =	vle.f32 v39, v48  }
0xb1: {  	v49 =	vadd.s32 v50, v49;
	v50 =	vmpcnt.ones.xlane vm0;
	vm0 =	vle.f32 v38, v48  }
0xb2: {  	v49 =	vadd.s32 v51, v49;
	v51 =	vmpcnt.ones.xlane vm0;
	vm0 =	vle.f32 v37, v48  }
0xb3: {  	v49 =	vadd.s32 v50, v49;
	v50 =	vmpcnt.ones.xlane vm0;
	vm0 =	vle.f32 v36, v48  }
0xb4: {  	v49 =	vadd.s32 v49, v51;
	v51 =	vmpcnt.ones.xlane vm0;
	vm0 =	vle.f32 v35, v48  }
0xb5: {  	v49 =	vadd.s32 v50, v49;
	v50 =	vmpcnt.ones.xlane vm0;
	vm0 =	vle.f32 v34, v48  }
0xb6: {  	v49 =	vadd.s32 v51, v49;
	v51 =	vmpcnt.ones.xlane vm0;
	vm0 =	vle.f32 v33, v48  }
0xb7: {  	v49 =	vadd.s32 v50, v49;
	v50 =	vmpcnt.ones.xlane vm0;
	vm0 =	vle.f32 v32, v48  }
0xb8: {  	v49 =	vadd.s32 v51, v49;
	v51 =	vmpcnt.ones.xlane vm0;
	vm0 =	vle.f32 v31, v48  }
0xb9: {  	v49 =	vadd.s32 v50, v49;
	v50 =	vmpcnt.ones.xlane vm0;
	vm0 =	vle.f32 v30, v48  }
0xba: {  	v49 =	vadd.s32 v51, v49;
	v51 =	vmpcnt.ones.xlane vm0;
	vm0 =	vle.f32 v29, v48  }
0xbb: {  	v49 =	vadd.s32 v50, v49;
	v50 =	vmpcnt.ones.xlane vm0;
	vm0 =	vle.f32 v28, v48  }
0xbc: {  	v49 =	vadd.s32 v49, v51;
	v51 =	vmpcnt.ones.xlane vm0;
	vm0 =	vle.f32 v27, v48  }
0xbd: {  	v49 =	vadd.s32 v50, v49;
	v50 =	vmpcnt.ones.xlane vm0;
	vm0 =	vle.f32 v26, v48  }
0xbe: {  	v49 =	vadd.s32 v51, v49;
	v51 =	vmpcnt.ones.xlane vm0;
	vm0 =	vle.f32 v25, v48  }
0xbf: {  	v49 =	vadd.s32 v50, v49;
	v50 =	vmpcnt.ones.xlane vm0;
	vm0 =	vle.f32 v24, v48  }
0xc0: {  	v49 =	vadd.s32 v51, v49;
	v51 =	vmpcnt.ones.xlane vm0;
	vm0 =	vle.f32 v23, v48  }
0xc1: {  	v49 =	vadd.s32 v50, v49;
	v50 =	vmpcnt.ones.xlane vm0;
	vm0 =	vle.f32 v22, v48  }
0xc2: {  	v49 =	vadd.s32 v51, v49;
	v51 =	vmpcnt.ones.xlane vm0;
	vm0 =	vle.f32 v21, v48  }
0xc3: {  	v49 =	vadd.s32 v50, v49;
	v50 =	vmpcnt.ones.xlane vm0;
	vm0 =	vle.f32 v20, v48  }
0xc4: {  	v49 =	vadd.s32 v49, v51;
	v51 =	vmpcnt.ones.xlane vm0;
	vm0 =	vle.f32 v19, v48  }
0xc5: {  	v49 =	vadd.s32 v50, v49;
	v50 =	vmpcnt.ones.xlane vm0;
	vm0 =	vle.f32 v18, v48  }
0xc6: {  	v49 =	vadd.s32 v51, v49;
	v51 =	vmpcnt.ones.xlane vm0;
	vm0 =	vle.f32 v16, v48  }
0xc7: {  	v49 =	vadd.s32 v50, v49;
	v50 =	vmpcnt.ones.xlane vm0;
	vm0 =	vle.f32 v17, v48  }
0xc8: {  	v49 =	vadd.s32 v51, v49;
	v51 =	vmpcnt.ones.xlane vm0;
	vm0 =	vle.f32 v15, v48  }
0xc9: {  	v49 =	vadd.s32 v50, v49;
	v50 =	vmpcnt.ones.xlane vm0  }
.Ltmp6:
0xca: {  	v49 =	vadd.s32 v51, v49;
	(pc) =	sbr.rel @p1 .LBB2_10-.Ltmp6, $4  }
0xcb: {  	v49 =	vadd.s32 v50, v49  }
0xcc: {  	vm0 =	vgt.s32 v49, $0x3F;
	v49 =	vadd.s32 $0x1, v48  }
0xcd: {  	v14 =	vsel vm0, v14, v49;
	v47 =	vsel vm0, v48, v47  }
0xce: {  	s26 =	sadd.s32 $0xFFFFFFFF, s26;
	v48 =	vsub.s32 v47, v14  }
0xcf: {  	v47 =	vshrl.u32 v48, $0x1  }
0xd0: {  	v47 =	vadd.s32 v14, v47  }
0xd1: {  	vm0 =	vle.f32 v46, v47;
	vm1 =	vle.f32 v45, v47  }
0xd2: {  	vm14 =	vle.f32 v44, v47;
	v46 =	vmpcnt.ones.xlane vm0;
	v52 =	vmpcnt.ones.xlane vm1  }
0xd3: {  	vm15 =	vle.f32 v43, v47;
	v49 =	vmpcnt.ones.xlane vm14  }
0xd4: {  	vm4 =	vle.f32 v42, v47;
	v53 =	vmpcnt.ones.xlane vm15;
	v46 =	vadd.s32 v52, v46  }
0xd5: {  	vm5 =	vle.f32 v41, v47;
	v54 =	vmpcnt.ones.xlane vm4;
	v46 =	vadd.s32 v49, v46  }
0xd6: {  	vm6 =	vle.f32 v40, v47;
	v55 =	vmpcnt.ones.xlane vm5;
	v46 =	vadd.s32 v53, v46  }
0xd7: {  	vm7 =	vle.f32 v39, v47;
	v56 =	vmpcnt.ones.xlane vm6;
	v46 =	vadd.s32 v54, v46  }
0xd8: {  	vm8 =	vle.f32 v38, v47;
	v57 =	vmpcnt.ones.xlane vm7;
	v46 =	vadd.s32 v55, v46  }
0xd9: {  	vm9 =	vle.f32 v37, v47;
	v58 =	vmpcnt.ones.xlane vm8;
	v46 =	vadd.s32 v56, v46  }
0xda: {  	vm10 =	vle.f32 v36, v47;
	v59 =	vmpcnt.ones.xlane vm9;
	v46 =	vadd.s32 v57, v46  }
0xdb: {  	vm11 =	vle.f32 v35, v47;
	v60 =	vmpcnt.ones.xlane vm10;
	v46 =	vadd.s32 v46, v58  }
0xdc: {  	vm12 =	vle.f32 v34, v47;
	v61 =	vmpcnt.ones.xlane vm11;
	v46 =	vadd.s32 v59, v46  }
0xdd: {  	vm13 =	vle.f32 v33, v47;
	v62 =	vmpcnt.ones.xlane vm12;
	v46 =	vadd.s32 v60, v46  }
0xde: {  	v63 =	vmpcnt.ones.xlane vm13;
	vm14 =	vle.f32 v32, v47;
	v46 =	vadd.s32 v61, v46  }
0xdf: {  	vm15 =	vle.f32 v31, v47;
	v52 =	vmpcnt.ones.xlane vm14;
	v46 =	vadd.s32 v62, v46  }
0xe0: {  	vm4 =	vle.f32 v30, v47;
	v53 =	vmpcnt.ones.xlane vm15;
	v46 =	vadd.s32 v63, v46  }
0xe1: {  	vm5 =	vle.f32 v29, v47;
	v54 =	vmpcnt.ones.xlane vm4;
	v46 =	vadd.s32 v52, v46  }
0xe2: {  	vm6 =	vle.f32 v28, v47;
	v55 =	vmpcnt.ones.xlane vm5;
	v46 =	vadd.s32 v53, v46  }
0xe3: {  	vm7 =	vle.f32 v27, v47;
	v56 =	vmpcnt.ones.xlane vm6;
	v46 =	vadd.s32 v46, v54  }
0xe4: {  	vm8 =	vle.f32 v26, v47;
	v57 =	vmpcnt.ones.xlane vm7;
	v46 =	vadd.s32 v55, v46  }
0xe5: {  	vm9 =	vle.f32 v25, v47;
	v58 =	vmpcnt.ones.xlane vm8;
	v46 =	vadd.s32 v56, v46  }
0xe6: {  	vm10 =	vle.f32 v24, v47;
	v59 =	vmpcnt.ones.xlane vm9;
	v46 =	vadd.s32 v57, v46  }
0xe7: {  	vm11 =	vle.f32 v23, v47;
	v60 =	vmpcnt.ones.xlane vm10;
	v46 =	vadd.s32 v58, v46  }
0xe8: {  	vm12 =	vle.f32 v22, v47;
	v61 =	vmpcnt.ones.xlane vm11;
	v46 =	vadd.s32 v59, v46  }
0xe9: {  	vm13 =	vle.f32 v21, v47;
	v62 =	vmpcnt.ones.xlane vm12;
	v46 =	vadd.s32 v60, v46  }
0xea: {  	vm14 =	vle.f32 v20, v47;
	v63 =	vmpcnt.ones.xlane vm13;
	v46 =	vadd.s32 v61, v46  }
0xeb: {  	vm15 =	vle.f32 v19, v47;
	v52 =	vmpcnt.ones.xlane vm14;
	v46 =	vadd.s32 v46, v62  }
0xec: {  	vm4 =	vle.f32 v18, v47;
	v53 =	vmpcnt.ones.xlane vm15;
	v46 =	vadd.s32 v63, v46  }
0xed: {  	vm5 =	vle.f32 v16, v47;
	v54 =	vmpcnt.ones.xlane vm4;
	v46 =	vadd.s32 v52, v46  }
0xee: {  	vm6 =	vle.f32 v17, v47;
	v55 =	vmpcnt.ones.xlane vm5;
	v46 =	vadd.s32 v53, v46  }
0xef: {  	vm7 =	vle.f32 v15, v47;
	v56 =	vmpcnt.ones.xlane vm6;
	v46 =	vadd.s32 v54, v46  }
0xf0: {  	v50 =	vld [tilespmem:$0x8000];
	v57 =	vmpcnt.ones.xlane vm7;
	v46 =	vadd.s32 v55, v46  }
0xf1: {  	v46 =	vadd.s32 v56, v46  }
0xf2: {  	v46 =	vadd.s32 v57, v46  }
0xf3: {  	v58 =	vadd.s32 $0x1, v47;
	vm8 =	vgt.s32 v46, $0x3F  }
0xf4: {  	v14 =	vsel vm8, v14, v58  }
0xf5: {  	vm0 =	vlt.f32 v50, v14;
	vm9 =	vlt.f32 v45, v14  }
0xf6: {  	vm10 =	vlt.f32 v44, v14;
	v59 =	vmpcnt.ones.xlane vm0;
	v60 =	vmpcnt.ones.xlane vm9  }
0xf7: {  	vm11 =	vlt.f32 v43, v14;
	v44 =	vmpcnt.ones.xlane vm10  }
0xf8: {  	vm12 =	vlt.f32 v42, v14;
	v62 =	vmpcnt.ones.xlane vm11;
	v61 =	vadd.s32 v60, v59  }
0xf9: {  	vm13 =	vlt.f32 v41, v14;
	v46 =	vmpcnt.ones.xlane vm12;
	v63 =	vadd.s32 v44, v61  }
0xfa: {  	vm14 =	vlt.f32 v40, v14;
	v48 =	vmpcnt.ones.xlane vm13;
	v47 =	vadd.s32 v62, v63  }
0xfb: {  	vm15 =	vlt.f32 v39, v14;
	v50 =	vmpcnt.ones.xlane vm14;
	v49 =	vadd.s32 v46, v47  }
0xfc: {  	vm4 =	vlt.f32 v38, v14;
	v52 =	vmpcnt.ones.xlane vm15;
	v51 =	vadd.s32 v48, v49  }
0xfd: {  	vm5 =	vlt.f32 v37, v14;
	v54 =	vmpcnt.ones.xlane vm4;
	v53 =	vadd.s32 v50, v51  }
0xfe: {  	vm6 =	vlt.f32 v36, v14;
	v56 =	vmpcnt.ones.xlane vm5;
	v55 =	vadd.s32 v52, v53  }
0xff: {  	vm7 =	vlt.f32 v35, v14;
	v58 =	vmpcnt.ones.xlane vm6;
	v57 =	vadd.s32 v55, v54  }
0x100: {  	vm8 =	vlt.f32 v34, v14;
	v60 =	vmpcnt.ones.xlane vm7;
	v59 =	vadd.s32 v56, v57  }
0x101: {  	vm9 =	vlt.f32 v33, v14;
	v62 =	vmpcnt.ones.xlane vm8;
	v61 =	vadd.s32 v58, v59  }
0x102: {  	vm10 =	vlt.f32 v32, v14;
	v36 =	vmpcnt.ones.xlane vm9;
	v63 =	vadd.s32 v60, v61  }
0x103: {  	vm11 =	vlt.f32 v31, v14;
	v38 =	vmpcnt.ones.xlane vm10;
	v37 =	vadd.s32 v62, v63  }
0x104: {  	vm12 =	vlt.f32 v30, v14;
	v40 =	vmpcnt.ones.xlane vm11;
	v39 =	vadd.s32 v36, v37  }
0x105: {  	vm13 =	vlt.f32 v29, v14;
	v42 =	vmpcnt.ones.xlane vm12;
	v41 =	vadd.s32 v38, v39  }
0x106: {  	vm14 =	vlt.f32 v28, v14;
	v44 =	vmpcnt.ones.xlane vm13;
	v43 =	vadd.s32 v40, v41  }
0x107: {  	vm15 =	vlt.f32 v27, v14;
	v46 =	vmpcnt.ones.xlane vm14;
	v45 =	vadd.s32 v43, v42  }
0x108: {  	vm4 =	vlt.f32 v26, v14;
	v48 =	vmpcnt.ones.xlane vm15;
	v47 =	vadd.s32 v44, v45  }
0x109: {  	vm5 =	vlt.f32 v25, v14;
	v50 =	vmpcnt.ones.xlane vm4;
	v49 =	vadd.s32 v46, v47  }
0x10a: {  	vm6 =	vlt.f32 v24, v14;
	v52 =	vmpcnt.ones.xlane vm5;
	v51 =	vadd.s32 v48, v49  }
0x10b: {  	vm7 =	vlt.f32 v23, v14;
	v54 =	vmpcnt.ones.xlane vm6;
	v53 =	vadd.s32 v50, v51  }
0x10c: {  	vm8 =	vlt.f32 v22, v14;
	v56 =	vmpcnt.ones.xlane vm7;
	v55 =	vadd.s32 v52, v53  }
0x10d: {  	vm9 =	vlt.f32 v21, v14;
	v58 =	vmpcnt.ones.xlane vm8;
	v57 =	vadd.s32 v54, v55  }
0x10e: {  	vm10 =	vlt.f32 v20, v14;
	v60 =	vmpcnt.ones.xlane vm9;
	v59 =	vadd.s32 v56, v57  }
0x10f: {  	vm11 =	vlt.f32 v19, v14;
	v62 =	vmpcnt.ones.xlane vm10;
	v61 =	vadd.s32 v59, v58  }
0x110: {  	vm12 =	vlt.f32 v18, v14;
	v63 =	vmpcnt.ones.xlane vm11;
	v19 =	vadd.s32 v60, v61  }
0x111: {  	vm13 =	vlt.f32 v16, v14;
	v18 =	vadd.s32 v62, v19;
	v19 =	vmpcnt.ones.xlane vm12  }
0x112: {  	vm14 =	vlt.f32 v17, v14;
	v16 =	vadd.s32 v63, v18;
	v18 =	vmpcnt.ones.xlane vm13  }
0x113: {  	v17 =	vmpcnt.ones.xlane vm14;
	vm15 =	vlt.f32 v15, v14;
	v16 =	vadd.s32 v19, v16  }
0x114: {  	v15 =	vadd.s32 v18, v16;
	v16 =	vmpcnt.ones.xlane vm15  }
0x115: {  	v15 =	vadd.s32 v17, v15  }
0x116: {  	v15 =	vadd.s32 v16, v15  }
0x117: {  	s26 =	simm.s32 $0xFFFFFFFC;
	s28 =	simm.s32 $0x8220;
	s29 =	simm.s32 $0x8020;
	v17 =	vimm.s32 $0x0;
	v16 =	vimm.s32 $0x0;
	v15 =	vsub.s32 $0x40, v15  }
.LBB2_12:
0x118: {  	v18 =	vld [tilespmem:s29+$0xFFFFFFE0];
	_ =	sdelay $0x4  }
0x119: {  	vm0 =	veq.f32 v18, v14  }
0x11a: {  	v19 =	vsel vm0, $0x1, v1  }
0x11b: {  	(xrf0) =	vadd.scan.msk.s32 $0xffff, v19;
	_ =	sdelay $0x5  }
0x11c: {  	v19, _, _ =	vpop (xrf0)  }
0x11d: {  	v19 =	vadd.s32 v19, v17  }
0x11e: {  	v19 =	vadd.s32 $0xFFFFFFFF, v19  }
0x11f: {  	vm1 =	vlt.s32 v19, v15  }
0x120: {  	vm2 =	vlt.f32 v18, v14;
	vm1 =	vmand vm0, vm1  }
0x121: {  	vm1 =	vmor vm2, vm1  }
0x122: {  	v19 =	vsel vm1, $0x1, v1  }
0x123: {  	(xrf0) =	vadd.scan.msk.s32 $0xffff, v19;
	_ =	sdelay $0x5  }
0x124: {  	v19, _, _ =	vpop (xrf0)  }
0x125: {  	v19 =	vadd.s32 v19, v16  }
0x126: {  	v19 =	vadd.s32 $0xFFFFFFFF, v19  }
0x127: {  	v20 =	vld [tilespmem:s28+$0xFFFFFFE0];
	_ =	sdelay $0x3  }
0x128: {  	[tilespmem:v19+s12+$0x0] =	vst.idx.msk vm1, v18  }
0x129: {  	[tilespmem:v19+s13+$0x0] =	vst.idx.msk vm1, v20  }
0x12a: {  	v18 =	vld [tilespmem:s29+$0xFFFFFFF0];
	_ =	sdelay $0x4  }
0x12b: {  	vm8 =	veq.f32 v18, v14  }
0x12c: {  	v19 =	vsel vm8, $0x1, v1  }
0x12d: {  	(xrf0) =	vadd.scan.msk.s32 $0xffff, v19;
	_ =	sdelay $0x1  }
0x12e: {  	v19 =	vmpcnt.ones.xlane vm0;
	_ =	sdelay $0x3  }
0x12f: {  	v17 =	vadd.s32 v17, v19;
	v19, _, _ =	vpop (xrf0)  }
0x130: {  	v19 =	vadd.s32 v19, v17  }
0x131: {  	v19 =	vadd.s32 $0xFFFFFFFF, v19  }
0x132: {  	vm9 =	vlt.s32 v19, v15  }
0x133: {  	vm3 =	vlt.f32 v18, v14;
	vm0 =	vmand vm8, vm9  }
0x134: {  	vm0 =	vmor vm3, vm0  }
0x135: {  	v19 =	vsel vm0, $0x1, v1  }
0x136: {  	(xrf0) =	vadd.scan.msk.s32 $0xffff, v19;
	_ =	sdelay $0x1  }
0x137: {  	v19 =	vmpcnt.ones.xlane vm1;
	_ =	sdelay $0x3  }
0x138: {  	v16 =	vadd.s32 v16, v19;
	v19, _, _ =	vpop (xrf0)  }
0x139: {  	v19 =	vadd.s32 v19, v16  }
0x13a: {  	v19 =	vadd.s32 $0xFFFFFFFF, v19  }
0x13b: {  	v20 =	vld [tilespmem:s28+$0xFFFFFFF0];
	_ =	sdelay $0x3  }
0x13c: {  	[tilespmem:v19+s12+$0x0] =	vst.idx.msk vm0, v18  }
0x13d: {  	[tilespmem:v19+s13+$0x0] =	vst.idx.msk vm0, v20  }
0x13e: {  	v18 =	vld [tilespmem:s29+$0x0];
	_ =	sdelay $0x4  }
0x13f: {  	vm10 =	veq.f32 v18, v14  }
0x140: {  	v19 =	vsel vm10, $0x1, v1  }
0x141: {  	(xrf0) =	vadd.scan.msk.s32 $0xffff, v19;
	_ =	sdelay $0x1  }
0x142: {  	v19 =	vmpcnt.ones.xlane vm8;
	_ =	sdelay $0x3  }
0x143: {  	v17 =	vadd.s32 v17, v19;
	v19, _, _ =	vpop (xrf0)  }
0x144: {  	v19 =	vadd.s32 v19, v17  }
0x145: {  	v19 =	vadd.s32 $0xFFFFFFFF, v19  }
0x146: {  	vm11 =	vlt.s32 v19, v15  }
0x147: {  	vm12 =	vlt.f32 v18, v14;
	vm2 =	vmand vm10, vm11  }
0x148: {  	vm2 =	vmor vm12, vm2  }
0x149: {  	v19 =	vsel vm2, $0x1, v1  }
0x14a: {  	(xrf0) =	vadd.scan.msk.s32 $0xffff, v19;
	_ =	sdelay $0x1  }
0x14b: {  	v19 =	vmpcnt.ones.xlane vm0;
	_ =	sdelay $0x3  }
0x14c: {  	v16 =	vadd.s32 v16, v19;
	v19, _, _ =	vpop (xrf0)  }
0x14d: {  	v19 =	vadd.s32 v19, v16  }
0x14e: {  	v19 =	vadd.s32 $0xFFFFFFFF, v19  }
0x14f: {  	v20 =	vld [tilespmem:s28+$0x0];
	_ =	sdelay $0x3  }
0x150: {  	[tilespmem:v19+s12+$0x0] =	vst.idx.msk vm2, v18  }
0x151: {  	[tilespmem:v19+s13+$0x0] =	vst.idx.msk vm2, v20  }
0x152: {  	v18 =	vld [tilespmem:s29+$0x10];
	_ =	sdelay $0x4  }
0x153: {  	vm13 =	veq.f32 v18, v14  }
0x154: {  	v19 =	vsel vm13, $0x1, v1  }
0x155: {  	(xrf0) =	vadd.scan.msk.s32 $0xffff, v19;
	_ =	sdelay $0x1  }
0x156: {  	v19 =	vmpcnt.ones.xlane vm10;
	_ =	sdelay $0x3  }
0x157: {  	v17 =	vadd.s32 v17, v19;
	v19, _, _ =	vpop (xrf0)  }
0x158: {  	v19 =	vadd.s32 v19, v17  }
0x159: {  	v19 =	vadd.s32 $0xFFFFFFFF, v19  }
0x15a: {  	vm14 =	vlt.s32 v19, v15  }
0x15b: {  	vm15 =	vlt.f32 v18, v14;
	vm1 =	vmand vm13, vm14  }
0x15c: {  	vm1 =	vmor vm15, vm1  }
0x15d: {  	v19 =	vsel vm1, $0x1, v1  }
0x15e: {  	(xrf0) =	vadd.scan.msk.s32 $0xffff, v19;
	_ =	sdelay $0x1  }
0x15f: {  	v19 =	vmpcnt.ones.xlane vm2;
	_ =	sdelay $0x3  }
0x160: {  	v16 =	vadd.s32 v16, v19;
	v19, _, _ =	vpop (xrf0)  }
0x161: {  	v19 =	vadd.s32 v19, v16  }
0x162: {  	s26 =	sadd.s32 $0x4, s26;
	v19 =	vadd.s32 $0xFFFFFFFF, v19  }
0x163: {  	p1 =	slt.u32 s26, $0x1C;
	v20 =	vld [tilespmem:s28+$0x10]  }
.Ltmp7:
0x164: {  	_ = 	snop;
	(pc) =	sbr.rel @p1 .LBB2_12-.Ltmp7, $4  }
0x165: {  	_ = 	snop  }
0x166: {  	v22 =	vmpcnt.ones.xlane vm13;
	v21 =	vmpcnt.ones.xlane vm1  }
0x167: {  	[tilespmem:v19+s12+$0x0] =	vst.idx.msk vm1, v18  }
0x168: {  	s28 =	sadd.s32 $0x40, s28;
	s29 =	sadd.s32 $0x40, s29;
	v17 =	vadd.s32 v17, v22;
	v16 =	vadd.s32 v16, v21;
	[tilespmem:v19+s13+$0x0] =	vst.idx.msk vm1, v20  }
0x169: {  	[tilespmem:$0x8040] =	vst v2  }
0x16a: {  	[tilespmem:$0x8050] =	vst v2  }
0x16b: {  	[tilespmem:$0x8060] =	vst v2  }
0x16c: {  	[tilespmem:$0x8070] =	vst v2  }
0x16d: {  	[tilespmem:$0x8080] =	vst v2  }
0x16e: {  	[tilespmem:$0x8090] =	vst v2  }
0x16f: {  	[tilespmem:$0x80A0] =	vst v2  }
0x170: {  	[tilespmem:$0x80B0] =	vst v2  }
0x171: {  	[tilespmem:$0x80C0] =	vst v2  }
0x172: {  	[tilespmem:$0x80D0] =	vst v2  }
0x173: {  	[tilespmem:$0x80E0] =	vst v2  }
0x174: {  	[tilespmem:$0x80F0] =	vst v2  }
0x175: {  	[tilespmem:$0x8100] =	vst v2  }
0x176: {  	[tilespmem:$0x8110] =	vst v2  }
0x177: {  	[tilespmem:$0x8120] =	vst v2  }
0x178: {  	[tilespmem:$0x8130] =	vst v2  }
0x179: {  	[tilespmem:$0x8140] =	vst v2  }
0x17a: {  	[tilespmem:$0x8150] =	vst v2  }
0x17b: {  	[tilespmem:$0x8160] =	vst v2  }
0x17c: {  	[tilespmem:$0x8170] =	vst v2  }
0x17d: {  	[tilespmem:$0x8180] =	vst v2  }
0x17e: {  	[tilespmem:$0x8190] =	vst v2  }
0x17f: {  	[tilespmem:$0x81A0] =	vst v2  }
.Ltmp8:
0x180: {  	[tilespmem:$0x81B0] =	vst v2;
	(pc) =	sbr.rel .LBB2_14-.Ltmp8, $4  }
0x181: {  	[tilespmem:$0x81C0] =	vst v2  }
0x182: {  	[tilespmem:$0x81D0] =	vst v2  }
0x183: {  	[tilespmem:$0x81E0] =	vst v2  }
0x184: {  	[tilespmem:$0x81F0] =	vst v2  }
.LBB2_16:
0x185: {  	v5 =	vld [tilespmem:$0x8000]  }
0x186: {  	v9 =	vld [tilespmem:$0x8010]  }
0x187: {  	v6 =	vimm.s32 $0x0;
	v7 =	vimm.s32 $0x7F800000;
	v10 =	vld [tilespmem:$0x8020]  }
0x188: {  	v11 =	vld [tilespmem:$0x8030];
	v8 =	vsub.s32 v7, v6  }
0x189: {  	v12 =	vld [tilespmem:$0x8040];
	v8 =	vshrl.u32 v8, $0x1  }
0x18a: {  	v13 =	vld [tilespmem:$0x8050];
	v8 =	vadd.s32 v6, v8  }
0x18b: {  	vm0 =	vle.f32 v5, v8;
	vm1 =	vle.f32 v9, v8;
	v9 =	vld [tilespmem:$0x8060]  }
0x18c: {  	v14 =	vmpcnt.ones.xlane vm0;
	v15 =	vmpcnt.ones.xlane vm1;
	vm0 =	vle.f32 v10, v8;
	v10 =	vld [tilespmem:$0x8070]  }
0x18d: {  	v16 =	vmpcnt.ones.xlane vm0;
	vm0 =	vle.f32 v11, v8;
	v11 =	vld [tilespmem:$0x8080]  }
0x18e: {  	v30 =	vld [tilespmem:$0x8090];
	v14 =	vadd.s32 v15, v14;
	v29 =	vmpcnt.ones.xlane vm0;
	vm0 =	vle.f32 v12, v8  }
0x18f: {  	v32 =	vld [tilespmem:$0x80A0];
	v14 =	vadd.s32 v16, v14;
	v31 =	vmpcnt.ones.xlane vm0;
	vm0 =	vle.f32 v13, v8  }
0x190: {  	v14 =	vadd.s32 v29, v14;
	v33 =	vmpcnt.ones.xlane vm0;
	vm0 =	vle.f32 v9, v8;
	v9 =	vld [tilespmem:$0x80B0]  }
0x191: {  	v14 =	vadd.s32 v31, v14;
	v34 =	vmpcnt.ones.xlane vm0;
	vm0 =	vle.f32 v10, v8;
	v10 =	vld [tilespmem:$0x80C0]  }
0x192: {  	v14 =	vadd.s32 v33, v14;
	v35 =	vmpcnt.ones.xlane vm0;
	vm0 =	vle.f32 v11, v8;
	v11 =	vld [tilespmem:$0x80D0]  }
0x193: {  	v37 =	vld [tilespmem:$0x80E0];
	v14 =	vadd.s32 v34, v14;
	v36 =	vmpcnt.ones.xlane vm0;
	vm0 =	vle.f32 v30, v8  }
0x194: {  	v39 =	vld [tilespmem:$0x80F0];
	v14 =	vadd.s32 v35, v14;
	v38 =	vmpcnt.ones.xlane vm0;
	vm0 =	vle.f32 v32, v8  }
0x195: {  	v14 =	vadd.s32 v14, v36;
	v40 =	vmpcnt.ones.xlane vm0;
	vm0 =	vle.f32 v9, v8;
	v9 =	vld [tilespmem:$0x8100]  }
0x196: {  	v14 =	vadd.s32 v38, v14;
	v41 =	vmpcnt.ones.xlane vm0;
	vm0 =	vle.f32 v10, v8;
	v10 =	vld [tilespmem:$0x8110]  }
0x197: {  	v14 =	vadd.s32 v40, v14;
	v42 =	vmpcnt.ones.xlane vm0;
	vm0 =	vle.f32 v11, v8;
	v11 =	vld [tilespmem:$0x8120]  }
0x198: {  	v44 =	vld [tilespmem:$0x8130];
	v14 =	vadd.s32 v41, v14;
	v43 =	vmpcnt.ones.xlane vm0;
	vm0 =	vle.f32 v37, v8  }
0x199: {  	v46 =	vld [tilespmem:$0x8140];
	v14 =	vadd.s32 v42, v14;
	v45 =	vmpcnt.ones.xlane vm0;
	vm0 =	vle.f32 v39, v8  }
0x19a: {  	v14 =	vadd.s32 v43, v14;
	v47 =	vmpcnt.ones.xlane vm0;
	vm0 =	vle.f32 v9, v8;
	v9 =	vld [tilespmem:$0x8150]  }
0x19b: {  	v14 =	vadd.s32 v45, v14;
	v48 =	vmpcnt.ones.xlane vm0;
	vm0 =	vle.f32 v10, v8;
	v10 =	vld [tilespmem:$0x8160]  }
0x19c: {  	v14 =	vadd.s32 v47, v14;
	v49 =	vmpcnt.ones.xlane vm0;
	vm0 =	vle.f32 v11, v8;
	v11 =	vld [tilespmem:$0x8170]  }
0x19d: {  	v51 =	vld [tilespmem:$0x8180];
	v14 =	vadd.s32 v14, v48;
	v50 =	vmpcnt.ones.xlane vm0;
	vm0 =	vle.f32 v44, v8  }
0x19e: {  	v53 =	vld [tilespmem:$0x8190];
	v14 =	vadd.s32 v49, v14;
	v52 =	vmpcnt.ones.xlane vm0;
	vm0 =	vle.f32 v46, v8  }
0x19f: {  	v14 =	vadd.s32 v50, v14;
	v54 =	vmpcnt.ones.xlane vm0;
	vm0 =	vle.f32 v9, v8;
	v9 =	vld [tilespmem:$0x81A0]  }
0x1a0: {  	v14 =	vadd.s32 v52, v14;
	v55 =	vmpcnt.ones.xlane vm0;
	vm0 =	vle.f32 v10, v8;
	v10 =	vld [tilespmem:$0x81B0]  }
0x1a1: {  	v14 =	vadd.s32 v54, v14;
	v56 =	vmpcnt.ones.xlane vm0;
	vm0 =	vle.f32 v11, v8;
	v11 =	vld [tilespmem:$0x81C0]  }
0x1a2: {  	v58 =	vld [tilespmem:$0x81D0];
	v14 =	vadd.s32 v55, v14;
	v57 =	vmpcnt.ones.xlane vm0;
	vm0 =	vle.f32 v51, v8  }
0x1a3: {  	v60 =	vld [tilespmem:$0x81E0];
	v14 =	vadd.s32 v56, v14;
	v59 =	vmpcnt.ones.xlane vm0;
	vm0 =	vle.f32 v53, v8  }
0x1a4: {  	v14 =	vadd.s32 v57, v14;
	v61 =	vmpcnt.ones.xlane vm0;
	vm0 =	vle.f32 v9, v8;
	v9 =	vld [tilespmem:$0x81F0]  }
0x1a5: {  	v14 =	vadd.s32 v14, v59;
	v62 =	vmpcnt.ones.xlane vm0;
	vm0 =	vle.f32 v10, v8  }
0x1a6: {  	v10 =	vadd.s32 v61, v14;
	v63 =	vmpcnt.ones.xlane vm0;
	vm0 =	vle.f32 v11, v8  }
0x1a7: {  	v10 =	vadd.s32 v62, v10;
	v11 =	vmpcnt.ones.xlane vm0;
	vm0 =	vle.f32 v58, v8  }
0x1a8: {  	v10 =	vadd.s32 v63, v10;
	v12 =	vmpcnt.ones.xlane vm0;
	vm0 =	vle.f32 v60, v8  }
0x1a9: {  	v10 =	vadd.s32 v11, v10;
	v11 =	vmpcnt.ones.xlane vm0;
	vm0 =	vle.f32 v9, v8  }
0x1aa: {  	v9 =	vadd.s32 v12, v10;
	v10 =	vmpcnt.ones.xlane vm0  }
0x1ab: {  	v9 =	vadd.s32 v11, v9  }
0x1ac: {  	v10 =	vadd.s32 v10, v9  }
0x1ad: {  	s25 =	simm.s32 $0x1D;
	v11 =	vadd.s32 $0x1, v8;
	v9 =	vld [tilespmem:$0x8010];
	vm0 =	vgt.s32 v10, $0x3F  }
.LBB2_17:
0x1ae: {  	p0 =	sne.s32 s25, $0x1;
	v10 =	vld [tilespmem:$0x8020];
	v6 =	vsel vm0, v6, v11;
	v7 =	vsel vm0, v8, v7  }
0x1af: {  	v8 =	vsub.s32 v7, v6;
	v11 =	vld [tilespmem:$0x8030]  }
0x1b0: {  	v8 =	vshrl.u32 v8, $0x1;
	v12 =	vld [tilespmem:$0x8040]  }
0x1b1: {  	v8 =	vadd.s32 v6, v8;
	v13 =	vld [tilespmem:$0x8050]  }
0x1b2: {  	vm0 =	vle.f32 v5, v8;
	vm1 =	vle.f32 v9, v8;
	v9 =	vld [tilespmem:$0x8060]  }
0x1b3: {  	v14 =	vmpcnt.ones.xlane vm0;
	v15 =	vmpcnt.ones.xlane vm1;
	vm0 =	vle.f32 v10, v8;
	v10 =	vld [tilespmem:$0x8070]  }
0x1b4: {  	v16 =	vmpcnt.ones.xlane vm0;
	vm0 =	vle.f32 v11, v8;
	v11 =	vld [tilespmem:$0x8080]  }
0x1b5: {  	v14 =	vadd.s32 v15, v14;
	v15 =	vmpcnt.ones.xlane vm0;
	vm0 =	vle.f32 v12, v8;
	v12 =	vld [tilespmem:$0x8090]  }
0x1b6: {  	v14 =	vadd.s32 v16, v14;
	v16 =	vmpcnt.ones.xlane vm0;
	vm0 =	vle.f32 v13, v8;
	v13 =	vld [tilespmem:$0x80A0]  }
0x1b7: {  	v14 =	vadd.s32 v15, v14;
	v15 =	vmpcnt.ones.xlane vm0;
	vm0 =	vle.f32 v9, v8;
	v9 =	vld [tilespmem:$0x80B0]  }
0x1b8: {  	v14 =	vadd.s32 v16, v14;
	v16 =	vmpcnt.ones.xlane vm0;
	vm0 =	vle.f32 v10, v8;
	v10 =	vld [tilespmem:$0x80C0]  }
0x1b9: {  	v14 =	vadd.s32 v15, v14;
	v15 =	vmpcnt.ones.xlane vm0;
	vm0 =	vle.f32 v11, v8;
	v11 =	vld [tilespmem:$0x80D0]  }
0x1ba: {  	v14 =	vadd.s32 v16, v14;
	v16 =	vmpcnt.ones.xlane vm0;
	vm0 =	vle.f32 v12, v8;
	v12 =	vld [tilespmem:$0x80E0]  }
0x1bb: {  	v14 =	vadd.s32 v15, v14;
	v15 =	vmpcnt.ones.xlane vm0;
	vm0 =	vle.f32 v13, v8;
	v13 =	vld [tilespmem:$0x80F0]  }
0x1bc: {  	v14 =	vadd.s32 v14, v16;
	v16 =	vmpcnt.ones.xlane vm0;
	vm0 =	vle.f32 v9, v8;
	v9 =	vld [tilespmem:$0x8100]  }
0x1bd: {  	v14 =	vadd.s32 v15, v14;
	v15 =	vmpcnt.ones.xlane vm0;
	vm0 =	vle.f32 v10, v8;
	v10 =	vld [tilespmem:$0x8110]  }
0x1be: {  	v14 =	vadd.s32 v16, v14;
	v16 =	vmpcnt.ones.xlane vm0;
	vm0 =	vle.f32 v11, v8;
	v11 =	vld [tilespmem:$0x8120]  }
0x1bf: {  	v14 =	vadd.s32 v15, v14;
	v15 =	vmpcnt.ones.xlane vm0;
	vm0 =	vle.f32 v12, v8;
	v12 =	vld [tilespmem:$0x8130]  }
0x1c0: {  	v14 =	vadd.s32 v16, v14;
	v16 =	vmpcnt.ones.xlane vm0;
	vm0 =	vle.f32 v13, v8;
	v13 =	vld [tilespmem:$0x8140]  }
0x1c1: {  	v14 =	vadd.s32 v15, v14;
	v15 =	vmpcnt.ones.xlane vm0;
	vm0 =	vle.f32 v9, v8;
	v9 =	vld [tilespmem:$0x8150]  }
0x1c2: {  	v14 =	vadd.s32 v16, v14;
	v16 =	vmpcnt.ones.xlane vm0;
	vm0 =	vle.f32 v10, v8;
	v10 =	vld [tilespmem:$0x8160]  }
0x1c3: {  	v14 =	vadd.s32 v15, v14;
	v15 =	vmpcnt.ones.xlane vm0;
	vm0 =	vle.f32 v11, v8;
	v11 =	vld [tilespmem:$0x8170]  }
0x1c4: {  	v14 =	vadd.s32 v14, v16;
	v16 =	vmpcnt.ones.xlane vm0;
	vm0 =	vle.f32 v12, v8;
	v12 =	vld [tilespmem:$0x8180]  }
0x1c5: {  	v14 =	vadd.s32 v15, v14;
	v15 =	vmpcnt.ones.xlane vm0;
	vm0 =	vle.f32 v13, v8;
	v13 =	vld [tilespmem:$0x8190]  }
0x1c6: {  	v14 =	vadd.s32 v16, v14;
	v16 =	vmpcnt.ones.xlane vm0;
	vm0 =	vle.f32 v9, v8;
	v9 =	vld [tilespmem:$0x81A0]  }
0x1c7: {  	v14 =	vadd.s32 v15, v14;
	v15 =	vmpcnt.ones.xlane vm0;
	vm0 =	vle.f32 v10, v8;
	v10 =	vld [tilespmem:$0x81B0]  }
0x1c8: {  	v14 =	vadd.s32 v16, v14;
	v16 =	vmpcnt.ones.xlane vm0;
	vm0 =	vle.f32 v11, v8;
	v11 =	vld [tilespmem:$0x81C0]  }
0x1c9: {  	v14 =	vadd.s32 v15, v14;
	v15 =	vmpcnt.ones.xlane vm0;
	vm0 =	vle.f32 v12, v8;
	v12 =	vld [tilespmem:$0x81D0]  }
0x1ca: {  	v14 =	vadd.s32 v16, v14;
	v16 =	vmpcnt.ones.xlane vm0;
	vm0 =	vle.f32 v13, v8;
	v13 =	vld [tilespmem:$0x81E0]  }
0x1cb: {  	v14 =	vadd.s32 v15, v14;
	v15 =	vmpcnt.ones.xlane vm0;
	vm0 =	vle.f32 v9, v8;
	v9 =	vld [tilespmem:$0x81F0]  }
0x1cc: {  	v14 =	vadd.s32 v14, v16;
	v16 =	vmpcnt.ones.xlane vm0;
	vm0 =	vle.f32 v10, v8  }
0x1cd: {  	v10 =	vadd.s32 v15, v14;
	v14 =	vmpcnt.ones.xlane vm0;
	vm0 =	vle.f32 v11, v8  }
0x1ce: {  	v10 =	vadd.s32 v16, v10;
	v11 =	vmpcnt.ones.xlane vm0;
	vm0 =	vle.f32 v12, v8  }
0x1cf: {  	v10 =	vadd.s32 v14, v10;
	v12 =	vmpcnt.ones.xlane vm0;
	vm0 =	vle.f32 v13, v8  }
.Ltmp9:
0x1d0: {  	v10 =	vadd.s32 v11, v10;
	v11 =	vmpcnt.ones.xlane vm0;
	vm0 =	vle.f32 v9, v8;
	(pc) =	sbr.rel @p0 .LBB2_17-.Ltmp9, $4  }
0x1d1: {  	v9 =	vadd.s32 v12, v10;
	v10 =	vmpcnt.ones.xlane vm0  }
0x1d2: {  	v9 =	vadd.s32 v11, v9  }
0x1d3: {  	v10 =	vadd.s32 v10, v9  }
0x1d4: {  	s25 =	sadd.s32 $0xFFFFFFFF, s25;
	v11 =	vadd.s32 $0x1, v8;
	v9 =	vld [tilespmem:$0x8010];
	vm0 =	vgt.s32 v10, $0x3F  }
0x1d5: {  	v10 =	vld [tilespmem:$0x8020];
	v18 =	vsel vm0, v6, v11;
	v6 =	vsel vm0, v8, v7  }
0x1d6: {  	v13 =	vld [tilespmem:$0x8030];
	v6 =	vsub.s32 v6, v18  }
0x1d7: {  	v8 =	vld [tilespmem:$0x8040];
	v6 =	vshrl.u32 v6, $0x1  }
0x1d8: {  	v23 =	vadd.s32 v18, v6;
	v6 =	vld [tilespmem:$0x8050]  }
0x1d9: {  	v7 =	vld [tilespmem:$0x8060];
	vm13 =	vle.f32 v5, v23;
	vm1 =	vle.f32 v9, v23  }
0x1da: {  	v11 =	vld [tilespmem:$0x8070];
	v5 =	vmpcnt.ones.xlane vm13;
	v14 =	vmpcnt.ones.xlane vm1;
	vm14 =	vle.f32 v10, v23  }
0x1db: {  	v12 =	vld [tilespmem:$0x8080];
	vm15 =	vle.f32 v13, v23;
	v15 =	vmpcnt.ones.xlane vm14  }
0x1dc: {  	vm4 =	vle.f32 v8, v23;
	v16 =	vmpcnt.ones.xlane vm15;
	v5 =	vadd.s32 v14, v5;
	v14 =	vld [tilespmem:$0x8090]  }
0x1dd: {  	v17 =	vmpcnt.ones.xlane vm4;
	v5 =	vadd.s32 v15, v5;
	vm5 =	vle.f32 v6, v23;
	v15 =	vld [tilespmem:$0x80A0]  }
0x1de: {  	vm6 =	vle.f32 v7, v23;
	v5 =	vadd.s32 v16, v5;
	v19 =	vmpcnt.ones.xlane vm5;
	v16 =	vld [tilespmem:$0x80B0]  }
0x1df: {  	vm7 =	vle.f32 v11, v23;
	v20 =	vmpcnt.ones.xlane vm6;
	v5 =	vadd.s32 v17, v5;
	v17 =	vld [tilespmem:$0x80C0]  }
0x1e0: {  	vm8 =	vle.f32 v12, v23;
	v21 =	vmpcnt.ones.xlane vm7;
	v5 =	vadd.s32 v19, v5;
	v19 =	vld [tilespmem:$0x80D0]  }
0x1e1: {  	v22 =	vmpcnt.ones.xlane vm8;
	v5 =	vadd.s32 v20, v5;
	vm9 =	vle.f32 v14, v23;
	v20 =	vld [tilespmem:$0x80E0]  }
0x1e2: {  	v5 =	vadd.s32 v21, v5;
	v24 =	vmpcnt.ones.xlane vm9;
	vm10 =	vle.f32 v15, v23;
	v21 =	vld [tilespmem:$0x80F0]  }
0x1e3: {  	v5 =	vadd.s32 v5, v22;
	v25 =	vmpcnt.ones.xlane vm10;
	vm11 =	vle.f32 v16, v23;
	v22 =	vld [tilespmem:$0x8100]  }
0x1e4: {  	v26 =	vld [tilespmem:$0x8110];
	v5 =	vadd.s32 v24, v5;
	v42 =	vmpcnt.ones.xlane vm11;
	vm12 =	vle.f32 v17, v23  }
0x1e5: {  	v27 =	vld [tilespmem:$0x8120];
	v5 =	vadd.s32 v25, v5;
	v43 =	vmpcnt.ones.xlane vm12;
	vm13 =	vle.f32 v19, v23  }
0x1e6: {  	v28 =	vld [tilespmem:$0x8130];
	v5 =	vadd.s32 v42, v5;
	v44 =	vmpcnt.ones.xlane vm13;
	vm14 =	vle.f32 v20, v23  }
0x1e7: {  	v29 =	vld [tilespmem:$0x8140];
	v5 =	vadd.s32 v43, v5;
	v45 =	vmpcnt.ones.xlane vm14;
	vm15 =	vle.f32 v21, v23  }
0x1e8: {  	v30 =	vld [tilespmem:$0x8150];
	v5 =	vadd.s32 v44, v5;
	v46 =	vmpcnt.ones.xlane vm15;
	vm4 =	vle.f32 v22, v23  }
0x1e9: {  	v31 =	vld [tilespmem:$0x8160];
	vm5 =	vle.f32 v26, v23;
	v5 =	vadd.s32 v45, v5;
	v47 =	vmpcnt.ones.xlane vm4  }
0x1ea: {  	v32 =	vld [tilespmem:$0x8170];
	vm6 =	vle.f32 v27, v23;
	v48 =	vmpcnt.ones.xlane vm5;
	v5 =	vadd.s32 v46, v5  }
0x1eb: {  	v33 =	vld [tilespmem:$0x8180];
	vm7 =	vle.f32 v28, v23;
	v49 =	vmpcnt.ones.xlane vm6;
	v5 =	vadd.s32 v5, v47  }
0x1ec: {  	v34 =	vld [tilespmem:$0x8190];
	vm8 =	vle.f32 v29, v23;
	v50 =	vmpcnt.ones.xlane vm7;
	v5 =	vadd.s32 v48, v5  }
0x1ed: {  	v35 =	vld [tilespmem:$0x81A0];
	v51 =	vmpcnt.ones.xlane vm8;
	vm9 =	vle.f32 v30, v23;
	v5 =	vadd.s32 v49, v5  }
0x1ee: {  	v36 =	vld [tilespmem:$0x81B0];
	v52 =	vmpcnt.ones.xlane vm9;
	vm10 =	vle.f32 v31, v23;
	v5 =	vadd.s32 v50, v5  }
0x1ef: {  	v37 =	vld [tilespmem:$0x81C0];
	v53 =	vmpcnt.ones.xlane vm10;
	vm11 =	vle.f32 v32, v23;
	v5 =	vadd.s32 v51, v5  }
0x1f0: {  	v38 =	vld [tilespmem:$0x81D0];
	v54 =	vmpcnt.ones.xlane vm11;
	vm12 =	vle.f32 v33, v23;
	v5 =	vadd.s32 v52, v5  }
0x1f1: {  	v39 =	vld [tilespmem:$0x81E0];
	v55 =	vmpcnt.ones.xlane vm12;
	vm13 =	vle.f32 v34, v23;
	v5 =	vadd.s32 v53, v5  }
0x1f2: {  	v40 =	vld [tilespmem:$0x81F0];
	v56 =	vmpcnt.ones.xlane vm13;
	vm14 =	vle.f32 v35, v23;
	v5 =	vadd.s32 v54, v5  }
0x1f3: {  	v57 =	vmpcnt.ones.xlane vm14;
	vm15 =	vle.f32 v36, v23;
	v5 =	vadd.s32 v5, v55  }
0x1f4: {  	v58 =	vmpcnt.ones.xlane vm15;
	vm4 =	vle.f32 v37, v23;
	v5 =	vadd.s32 v56, v5  }
0x1f5: {  	vm5 =	vle.f32 v38, v23;
	v59 =	vmpcnt.ones.xlane vm4;
	v5 =	vadd.s32 v57, v5  }
0x1f6: {  	vm6 =	vle.f32 v39, v23;
	v60 =	vmpcnt.ones.xlane vm5;
	v5 =	vadd.s32 v58, v5  }
0x1f7: {  	vm7 =	vle.f32 v40, v23;
	v61 =	vmpcnt.ones.xlane vm6;
	v5 =	vadd.s32 v59, v5  }
0x1f8: {  	v41 =	vld [tilespmem:$0x8000];
	v62 =	vmpcnt.ones.xlane vm7;
	v5 =	vadd.s32 v60, v5  }
0x1f9: {  	v5 =	vadd.s32 v61, v5  }
0x1fa: {  	v5 =	vadd.s32 v62, v5  }
0x1fb: {  	vm8 =	vgt.s32 v5, $0x3F;
	v5 =	vadd.s32 $0x1, v23  }
0x1fc: {  	v5 =	vsel vm8, v18, v5  }
0x1fd: {  	vm0 =	vlt.f32 v41, v5;
	vm9 =	vlt.f32 v9, v5  }
0x1fe: {  	vm10 =	vlt.f32 v10, v5;
	v9 =	vmpcnt.ones.xlane vm0;
	v63 =	vmpcnt.ones.xlane vm9  }
0x1ff: {  	vm11 =	vlt.f32 v13, v5;
	v10 =	vmpcnt.ones.xlane vm10  }
0x200: {  	vm12 =	vlt.f32 v8, v5;
	v13 =	vmpcnt.ones.xlane vm11;
	v9 =	vadd.s32 v63, v9  }
0x201: {  	vm13 =	vlt.f32 v6, v5;
	v8 =	vadd.s32 v10, v9;
	v9 =	vmpcnt.ones.xlane vm12  }
0x202: {  	vm14 =	vlt.f32 v7, v5;
	v6 =	vadd.s32 v13, v8;
	v8 =	vmpcnt.ones.xlane vm13  }
0x203: {  	vm15 =	vlt.f32 v11, v5;
	v7 =	vmpcnt.ones.xlane vm14;
	v6 =	vadd.s32 v9, v6  }
0x204: {  	vm4 =	vlt.f32 v12, v5;
	v6 =	vadd.s32 v8, v6;
	v8 =	vmpcnt.ones.xlane vm15  }
0x205: {  	vm5 =	vlt.f32 v14, v5;
	v6 =	vadd.s32 v7, v6;
	v7 =	vmpcnt.ones.xlane vm4  }
0x206: {  	vm6 =	vlt.f32 v15, v5;
	v6 =	vadd.s32 v8, v6;
	v8 =	vmpcnt.ones.xlane vm5  }
0x207: {  	vm7 =	vlt.f32 v16, v5;
	v6 =	vadd.s32 v6, v7;
	v7 =	vmpcnt.ones.xlane vm6  }
0x208: {  	vm8 =	vlt.f32 v17, v5;
	v6 =	vadd.s32 v8, v6;
	v8 =	vmpcnt.ones.xlane vm7  }
0x209: {  	vm9 =	vlt.f32 v19, v5;
	v6 =	vadd.s32 v7, v6;
	v7 =	vmpcnt.ones.xlane vm8  }
0x20a: {  	vm10 =	vlt.f32 v20, v5;
	v6 =	vadd.s32 v8, v6;
	v8 =	vmpcnt.ones.xlane vm9  }
0x20b: {  	vm11 =	vlt.f32 v21, v5;
	v6 =	vadd.s32 v7, v6;
	v7 =	vmpcnt.ones.xlane vm10  }
0x20c: {  	vm12 =	vlt.f32 v22, v5;
	v6 =	vadd.s32 v8, v6;
	v8 =	vmpcnt.ones.xlane vm11  }
0x20d: {  	vm13 =	vlt.f32 v26, v5;
	v6 =	vadd.s32 v7, v6;
	v7 =	vmpcnt.ones.xlane vm12  }
0x20e: {  	vm14 =	vlt.f32 v27, v5;
	v6 =	vadd.s32 v8, v6;
	v8 =	vmpcnt.ones.xlane vm13  }
0x20f: {  	vm15 =	vlt.f32 v28, v5;
	v6 =	vadd.s32 v6, v7;
	v7 =	vmpcnt.ones.xlane vm14  }
0x210: {  	vm4 =	vlt.f32 v29, v5;
	v6 =	vadd.s32 v8, v6;
	v8 =	vmpcnt.ones.xlane vm15  }
0x211: {  	vm5 =	vlt.f32 v30, v5;
	v6 =	vadd.s32 v7, v6;
	v7 =	vmpcnt.ones.xlane vm4  }
0x212: {  	vm6 =	vlt.f32 v31, v5;
	v6 =	vadd.s32 v8, v6;
	v8 =	vmpcnt.ones.xlane vm5  }
0x213: {  	vm7 =	vlt.f32 v32, v5;
	v6 =	vadd.s32 v7, v6;
	v7 =	vmpcnt.ones.xlane vm6  }
0x214: {  	vm8 =	vlt.f32 v33, v5;
	v6 =	vadd.s32 v8, v6;
	v8 =	vmpcnt.ones.xlane vm7  }
0x215: {  	vm9 =	vlt.f32 v34, v5;
	v6 =	vadd.s32 v7, v6;
	v7 =	vmpcnt.ones.xlane vm8  }
0x216: {  	vm10 =	vlt.f32 v35, v5;
	v6 =	vadd.s32 v8, v6;
	v8 =	vmpcnt.ones.xlane vm9  }
0x217: {  	vm11 =	vlt.f32 v36, v5;
	v6 =	vadd.s32 v6, v7;
	v7 =	vmpcnt.ones.xlane vm10  }
0x218: {  	vm12 =	vlt.f32 v37, v5;
	v6 =	vadd.s32 v8, v6;
	v8 =	vmpcnt.ones.xlane vm11  }
0x219: {  	vm13 =	vlt.f32 v38, v5;
	v6 =	vadd.s32 v7, v6;
	v7 =	vmpcnt.ones.xlane vm12  }
0x21a: {  	vm14 =	vlt.f32 v39, v5;
	v6 =	vadd.s32 v8, v6;
	v8 =	vmpcnt.ones.xlane vm13  }
0x21b: {  	vm15 =	vlt.f32 v40, v5;
	v6 =	vadd.s32 v7, v6;
	v7 =	vmpcnt.ones.xlane vm14  }
0x21c: {  	v6 =	vadd.s32 v8, v6;
	v8 =	vmpcnt.ones.xlane vm15  }
0x21d: {  	v6 =	vadd.s32 v7, v6  }
0x21e: {  	v6 =	vadd.s32 v8, v6  }
0x21f: {  	s25 =	simm.s32 $0xFFFFFFFC;
	s26 =	simm.s32 $0x8220;
	s28 =	simm.s32 $0x8020;
	v7 =	vimm.s32 $0x0;
	v8 =	vimm.s32 $0x0;
	v6 =	vsub.s32 $0x40, v6  }
.LBB2_19:
0x220: {  	v9 =	vld [tilespmem:s28+$0xFFFFFFE0];
	_ =	sdelay $0x4  }
0x221: {  	vm0 =	veq.f32 v9, v5  }
0x222: {  	v10 =	vsel vm0, $0x1, v1  }
0x223: {  	(xrf0) =	vadd.scan.msk.s32 $0xffff, v10;
	_ =	sdelay $0x5  }
0x224: {  	v10, _, _ =	vpop (xrf0)  }
0x225: {  	v10 =	vadd.s32 v10, v8  }
0x226: {  	v10 =	vadd.s32 $0xFFFFFFFF, v10  }
0x227: {  	vm1 =	vlt.s32 v10, v6  }
0x228: {  	vm2 =	vlt.f32 v9, v5;
	vm1 =	vmand vm0, vm1  }
0x229: {  	vm1 =	vmor vm2, vm1  }
0x22a: {  	v10 =	vsel vm1, $0x1, v1  }
0x22b: {  	(xrf0) =	vadd.scan.msk.s32 $0xffff, v10;
	_ =	sdelay $0x5  }
0x22c: {  	v10, _, _ =	vpop (xrf0)  }
0x22d: {  	v10 =	vadd.s32 v10, v7  }
0x22e: {  	v10 =	vadd.s32 $0xFFFFFFFF, v10  }
0x22f: {  	v11 =	vld [tilespmem:s26+$0xFFFFFFE0];
	_ =	sdelay $0x3  }
0x230: {  	[tilespmem:v10+s12+$0x0] =	vst.idx.msk vm1, v9  }
0x231: {  	[tilespmem:v10+s13+$0x0] =	vst.idx.msk vm1, v11  }
0x232: {  	v9 =	vld [tilespmem:s28+$0xFFFFFFF0];
	_ =	sdelay $0x4  }
0x233: {  	vm8 =	veq.f32 v9, v5  }
0x234: {  	v10 =	vsel vm8, $0x1, v1  }
0x235: {  	(xrf0) =	vadd.scan.msk.s32 $0xffff, v10;
	_ =	sdelay $0x1  }
0x236: {  	v10 =	vmpcnt.ones.xlane vm0;
	_ =	sdelay $0x3  }
0x237: {  	v8 =	vadd.s32 v8, v10;
	v10, _, _ =	vpop (xrf0)  }
0x238: {  	v10 =	vadd.s32 v10, v8  }
0x239: {  	v10 =	vadd.s32 $0xFFFFFFFF, v10  }
0x23a: {  	vm9 =	vlt.s32 v10, v6  }
0x23b: {  	vm3 =	vlt.f32 v9, v5;
	vm0 =	vmand vm8, vm9  }
0x23c: {  	vm0 =	vmor vm3, vm0  }
0x23d: {  	v10 =	vsel vm0, $0x1, v1  }
0x23e: {  	(xrf0) =	vadd.scan.msk.s32 $0xffff, v10;
	_ =	sdelay $0x1  }
0x23f: {  	v10 =	vmpcnt.ones.xlane vm1;
	_ =	sdelay $0x3  }
0x240: {  	v7 =	vadd.s32 v7, v10;
	v10, _, _ =	vpop (xrf0)  }
0x241: {  	v10 =	vadd.s32 v10, v7  }
0x242: {  	v10 =	vadd.s32 $0xFFFFFFFF, v10  }
0x243: {  	v11 =	vld [tilespmem:s26+$0xFFFFFFF0];
	_ =	sdelay $0x3  }
0x244: {  	[tilespmem:v10+s12+$0x0] =	vst.idx.msk vm0, v9  }
0x245: {  	[tilespmem:v10+s13+$0x0] =	vst.idx.msk vm0, v11  }
0x246: {  	v9 =	vld [tilespmem:s28+$0x0];
	_ =	sdelay $0x4  }
0x247: {  	vm10 =	veq.f32 v9, v5  }
0x248: {  	v10 =	vsel vm10, $0x1, v1  }
0x249: {  	(xrf0) =	vadd.scan.msk.s32 $0xffff, v10;
	_ =	sdelay $0x1  }
0x24a: {  	v10 =	vmpcnt.ones.xlane vm8;
	_ =	sdelay $0x3  }
0x24b: {  	v8 =	vadd.s32 v8, v10;
	v10, _, _ =	vpop (xrf0)  }
0x24c: {  	v10 =	vadd.s32 v10, v8  }
0x24d: {  	v10 =	vadd.s32 $0xFFFFFFFF, v10  }
0x24e: {  	vm11 =	vlt.s32 v10, v6  }
0x24f: {  	vm12 =	vlt.f32 v9, v5;
	vm2 =	vmand vm10, vm11  }
0x250: {  	vm2 =	vmor vm12, vm2  }
0x251: {  	v10 =	vsel vm2, $0x1, v1  }
0x252: {  	(xrf0) =	vadd.scan.msk.s32 $0xffff, v10;
	_ =	sdelay $0x1  }
0x253: {  	v10 =	vmpcnt.ones.xlane vm0;
	_ =	sdelay $0x3  }
0x254: {  	v7 =	vadd.s32 v7, v10;
	v10, _, _ =	vpop (xrf0)  }
0x255: {  	v10 =	vadd.s32 v10, v7  }
0x256: {  	v10 =	vadd.s32 $0xFFFFFFFF, v10  }
0x257: {  	v11 =	vld [tilespmem:s26+$0x0];
	_ =	sdelay $0x3  }
0x258: {  	[tilespmem:v10+s12+$0x0] =	vst.idx.msk vm2, v9  }
0x259: {  	[tilespmem:v10+s13+$0x0] =	vst.idx.msk vm2, v11  }
0x25a: {  	v9 =	vld [tilespmem:s28+$0x10];
	_ =	sdelay $0x4  }
0x25b: {  	vm13 =	veq.f32 v9, v5  }
0x25c: {  	v10 =	vsel vm13, $0x1, v1  }
0x25d: {  	(xrf0) =	vadd.scan.msk.s32 $0xffff, v10;
	_ =	sdelay $0x1  }
0x25e: {  	v10 =	vmpcnt.ones.xlane vm10;
	_ =	sdelay $0x3  }
0x25f: {  	v8 =	vadd.s32 v8, v10;
	v10, _, _ =	vpop (xrf0)  }
0x260: {  	v10 =	vadd.s32 v10, v8  }
0x261: {  	v10 =	vadd.s32 $0xFFFFFFFF, v10  }
0x262: {  	vm14 =	vlt.s32 v10, v6  }
0x263: {  	vm15 =	vlt.f32 v9, v5;
	vm1 =	vmand vm13, vm14  }
0x264: {  	vm1 =	vmor vm15, vm1  }
0x265: {  	v10 =	vsel vm1, $0x1, v1  }
0x266: {  	(xrf0) =	vadd.scan.msk.s32 $0xffff, v10;
	_ =	sdelay $0x1  }
0x267: {  	v10 =	vmpcnt.ones.xlane vm2;
	_ =	sdelay $0x3  }
0x268: {  	v7 =	vadd.s32 v7, v10;
	v10, _, _ =	vpop (xrf0)  }
0x269: {  	v10 =	vadd.s32 v10, v7  }
0x26a: {  	s25 =	sadd.s32 $0x4, s25;
	v10 =	vadd.s32 $0xFFFFFFFF, v10  }
0x26b: {  	p0 =	slt.u32 s25, $0x1C;
	v11 =	vld [tilespmem:s26+$0x10]  }
.Ltmp10:
0x26c: {  	_ = 	snop;
	(pc) =	sbr.rel @p0 .LBB2_19-.Ltmp10, $4  }
0x26d: {  	_ = 	snop  }
0x26e: {  	v13 =	vmpcnt.ones.xlane vm13;
	v12 =	vmpcnt.ones.xlane vm1  }
0x26f: {  	[tilespmem:v10+s12+$0x0] =	vst.idx.msk vm1, v9  }
0x270: {  	s26 =	sadd.s32 $0x40, s26;
	s28 =	sadd.s32 $0x40, s28;
	v8 =	vadd.s32 v8, v13;
	v7 =	vadd.s32 v7, v12;
	[tilespmem:v10+s13+$0x0] =	vst.idx.msk vm1, v11  }
0x271: {  	v5 =	vld [tilespmem:$0x8000]  }
0x272: {  	v6 =	vld [tilespmem:$0x8200]  }
0x273: {  	v7 =	vld [tilespmem:$0x8010]  }
0x274: {  	v8 =	vld [tilespmem:$0x8210]  }
0x275: {  	v9 =	vld [tilespmem:$0x8020]  }
0x276: {  	v10 =	vld [tilespmem:$0x8220]  }
0x277: {  	v11 =	vld [tilespmem:$0x8030]  }
0x278: {  	v12 =	vld [tilespmem:$0x8230];
	_ =	sdelay $0x1  }
0x279: {  	(xrf1) =	vsort.ascd.msk.f32 $0xffff, v5, v6  }
0x27a: {  	(xrf1) =	vsort.ascd.msk.f32 $0xffff, v7, v8  }
0x27b: {  	(xrf1) =	vsort.ascd.msk.f32 $0xffff, v9, v10  }
0x27c: {  	(xrf1) =	vsort.ascd.msk.f32 $0xffff, v11, v12;
	_ =	sdelay $0x9  }
0x27d: {  	v5 =	vmul.u32 $0xFFFFFFFF, v3  }
0x27e: {  	v6, v7, _ =	vpop (xrf1)  }
0x27f: {  	v5 =	vadd.s32 $0xF, v5;
	v8, v34, _ =	vpop (xrf1)  }
0x280: {  	v8 =	vperm.xlane v8, v5;
	v10, v35, _ =	vpop (xrf1)  }
0x281: {  	v9 =	vperm.xlane v34, v5;
	v12, v13, _ =	vpop (xrf1)  }
0x282: {  	vm0 =	vle.f32 v6, v8;
	v12 =	vperm.xlane v12, v5;
	v36 =	vperm.xlane v13, v5  }
0x283: {  	v14 =	vsel vm0, v6, v8;
	v15 =	vsel vm0, v7, v9;
	v6 =	vsel vm0, v8, v6  }
0x284: {  	v7 =	vsel vm0, v9, v7;
	(xrf1) =	vsort.ascd.msk.f32 $0xffff, v14, v15;
	vm12 =	vle.f32 v10, v12  }
0x285: {  	(xrf1) =	vsort.ascd.msk.f32 $0xffff, v6, v7;
	v6 =	vsel vm12, v10, v12;
	v7 =	vsel vm12, v35, v36  }
0x286: {  	v37 =	vsel vm12, v12, v10;
	v8 =	vsel vm12, v36, v35;
	(xrf1) =	vsort.ascd.msk.f32 $0xffff, v6, v7  }
0x287: {  	(xrf1) =	vsort.ascd.msk.f32 $0xffff, v37, v8;
	_ =	sdelay $0xa  }
0x288: {  	v6, v7, _ =	vpop (xrf1)  }
0x289: {  	[tilespmem:$0x8040] =	vst v2;
	v8, v9, _ =	vpop (xrf1)  }
0x28a: {  	[tilespmem:$0x8050] =	vst v2;
	v38, v39, _ =	vpop (xrf1)  }
0x28b: {  	[tilespmem:$0x8060] =	vst v2;
	v41, v40, _ =	vpop (xrf1)  }
0x28c: {  	[tilespmem:$0x8070] =	vst v2;
	v10 =	vperm.xlane v38, v5;
	v12 =	vperm.xlane v41, v5  }
0x28d: {  	[tilespmem:$0x8080] =	vst v2;
	v13 =	vperm.xlane v40, v5;
	v5 =	vperm.xlane v39, v5  }
0x28e: {  	[tilespmem:$0x8090] =	vst v2;
	vm1 =	vle.f32 v8, v10;
	vm13 =	vle.f32 v6, v12  }
0x28f: {  	[tilespmem:$0x80A0] =	vst v2;
	v44 =	vsel vm1, v8, v10;
	v45 =	vsel vm1, v9, v5;
	v8 =	vsel vm1, v10, v8  }
0x290: {  	[tilespmem:$0x80B0] =	vst v2;
	v5 =	vsel vm1, v5, v9;
	v42 =	vsel vm13, v6, v12;
	v43 =	vsel vm13, v7, v13  }
0x291: {  	[tilespmem:$0x80C0] =	vst v2;
	v6 =	vsel vm13, v12, v6;
	v7 =	vsel vm13, v13, v7;
	vm14 =	vle.f32 v42, v44  }
0x292: {  	[tilespmem:$0x80D0] =	vst v2;
	vm15 =	vle.f32 v6, v8;
	v46 =	vsel vm14, v42, v44;
	v47 =	vsel vm14, v43, v45  }
0x293: {  	[tilespmem:$0x80E0] =	vst v2;
	v11 =	vsel vm14, v44, v42;
	v48 =	vsel vm14, v45, v43;
	(xrf1) =	vsort.ascd.msk.f32 $0xffff, v46, v47  }
0x294: {  	[tilespmem:$0x80F0] =	vst v2;
	v49 =	vsel vm15, v6, v8;
	v50 =	vsel vm15, v7, v5;
	(xrf1) =	vsort.ascd.msk.f32 $0xffff, v11, v48  }
0x295: {  	[tilespmem:$0x8100] =	vst v2;
	v6 =	vsel vm15, v8, v6;
	v5 =	vsel vm15, v5, v7;
	(xrf1) =	vsort.ascd.msk.f32 $0xffff, v49, v50  }
0x296: {  	[tilespmem:$0x8110] =	vst v2;
	(xrf1) =	vsort.ascd.msk.f32 $0xffff, v6, v5  }
0x297: {  	[tilespmem:$0x8120] =	vst v2  }
0x298: {  	[tilespmem:$0x8130] =	vst v2  }
0x299: {  	[tilespmem:$0x8140] =	vst v2  }
0x29a: {  	[tilespmem:$0x8150] =	vst v2  }
0x29b: {  	[tilespmem:$0x8160] =	vst v2  }
0x29c: {  	[tilespmem:$0x8170] =	vst v2  }
0x29d: {  	[tilespmem:$0x8180] =	vst v2  }
0x29e: {  	[tilespmem:$0x8190] =	vst v2  }
0x29f: {  	[tilespmem:$0x81A0] =	vst v2  }
0x2a0: {  	[tilespmem:$0x81B0] =	vst v2  }
0x2a1: {  	[tilespmem:$0x81C0] =	vst v2;
	v7, v51, _ =	vpop (xrf1)  }
0x2a2: {  	[tilespmem:$0x81D0] =	vst v2;
	v8, v52, _ =	vpop (xrf1)  }
0x2a3: {  	[tilespmem:$0x81E0] =	vst v2;
	p0 =	slt.u32 s23, $0x2;
	v6, v53, _ =	vpop (xrf1)  }
0x2a4: {  	[tilespmem:$0x81F0] =	vst v2;
	s25 =	simm.s32 @!p0 $0x2;
	v5, v54, _ =	vpop (xrf1)  }
0x2a5: {  	_ =	swait.ge @!p0 [sflag:s25], $0x80  }
0x2a6: {  	[sflag:s25] =	ssyncset.done @!p0 $0x0  }
0x2a7: {  	[sflag:s25] =	ssyncadd.s32 @!p0 $0xFFFFFF80;
	s25 =	simm.s32 @!p0 $0x3  }
0x2a8: {  	_ =	swait.ge @!p0 [sflag:s25], $0x80  }
0x2a9: {  	[sflag:s25] =	ssyncset.done @!p0 $0x0  }
0x2aa: {  	[sflag:s25] =	ssyncadd.s32 @!p0 $0xFFFFFF80  }
0x2ab: {  	[tilespmem:s24+$0xA400] =	vst v51  }
0x2ac: {  	[tilespmem:s24+$0xA410] =	vst v52  }
0x2ad: {  	[tilespmem:s24+$0xA420] =	vst v53  }
0x2ae: {  	s29 =	sor.u32 $0xA400, s24;
	[tilespmem:s24+$0xA430] =	vst v54  }
0x2af: {  	[tilespmem:s15], [sflag:$0x4] =	stream.indirect.gather [hbm4b:s4+s14], $0x80, s29, s14, $0xb8;
	[tilespmem:$0xA680] =	vst v63  }
0x2b0: {  	_ =	swait.ge [sflag:s16], $0x2000  }
0x2b1: {  	[sflag:s16] =	ssyncset.done $0x0  }
0x2b2: {  	[sflag:s16] =	ssyncadd.s32 $0xFFFFE000  }
0x2b3: {  	v55 =	vld [tilespmem:$0x8400];
	_ =	sdelay $0x1  }
0x2b4: {  	v56 =	vld [tilespmem:$0x8480];
	_ =	sdelay $0x1  }
0x2b5: {  	v57 =	vld [tilespmem:$0x8500]  }
0x2b6: {  	v9 =	vadd.f32 $0.0e+00, v55  }
0x2b7: {  	v58 =	vld [tilespmem:$0x8580]  }
0x2b8: {  	v9 =	vadd.f32 v56, v9  }
0x2b9: {  	v59 =	vld [tilespmem:$0x8600]  }
0x2ba: {  	v9 =	vadd.f32 v57, v9  }
0x2bb: {  	v60 =	vld [tilespmem:$0x8680]  }
0x2bc: {  	v9 =	vadd.f32 v58, v9  }
0x2bd: {  	v61 =	vld [tilespmem:$0x8700]  }
0x2be: {  	v9 =	vadd.f32 v59, v9  }
0x2bf: {  	v62 =	vld [tilespmem:$0x8780]  }
0x2c0: {  	v9 =	vadd.f32 v60, v9  }
0x2c1: {  	v63 =	vld [tilespmem:$0x8800]  }
0x2c2: {  	v9 =	vadd.f32 v61, v9  }
0x2c3: {  	v16 =	vld [tilespmem:$0x8880]  }
0x2c4: {  	v9 =	vadd.f32 v62, v9  }
0x2c5: {  	v17 =	vld [tilespmem:$0x8900]  }
0x2c6: {  	v9 =	vadd.f32 v63, v9  }
0x2c7: {  	v18 =	vld [tilespmem:$0x8980]  }
0x2c8: {  	v9 =	vadd.f32 v16, v9  }
0x2c9: {  	v19 =	vld [tilespmem:$0x8A00]  }
0x2ca: {  	v9 =	vadd.f32 v17, v9  }
0x2cb: {  	v20 =	vld [tilespmem:$0x8A80]  }
0x2cc: {  	v9 =	vadd.f32 v18, v9  }
0x2cd: {  	v21 =	vld [tilespmem:$0x8B00]  }
0x2ce: {  	v9 =	vadd.f32 v19, v9  }
0x2cf: {  	v22 =	vld [tilespmem:$0x8B80]  }
0x2d0: {  	v9 =	vadd.f32 v20, v9  }
0x2d1: {  	v23 =	vld [tilespmem:$0x8C00]  }
0x2d2: {  	v9 =	vadd.f32 v21, v9  }
0x2d3: {  	v24 =	vld [tilespmem:$0x8C80]  }
0x2d4: {  	v9 =	vadd.f32 v22, v9  }
0x2d5: {  	v25 =	vld [tilespmem:$0x8D00]  }
0x2d6: {  	v9 =	vadd.f32 v23, v9  }
0x2d7: {  	v26 =	vld [tilespmem:$0x8D80]  }
0x2d8: {  	v9 =	vadd.f32 v24, v9  }
0x2d9: {  	v27 =	vld [tilespmem:$0x8E00]  }
0x2da: {  	v9 =	vadd.f32 v25, v9  }
0x2db: {  	v28 =	vld [tilespmem:$0x8E80]  }
0x2dc: {  	v9 =	vadd.f32 v26, v9  }
0x2dd: {  	v29 =	vld [tilespmem:$0x8F00]  }
0x2de: {  	v9 =	vadd.f32 v27, v9  }
0x2df: {  	v30 =	vld [tilespmem:$0x8F80]  }
0x2e0: {  	v9 =	vadd.f32 v28, v9  }
0x2e1: {  	v31 =	vld [tilespmem:$0x9000]  }
0x2e2: {  	v9 =	vadd.f32 v29, v9  }
0x2e3: {  	v32 =	vld [tilespmem:$0x9080]  }
0x2e4: {  	v9 =	vadd.f32 v30, v9  }
0x2e5: {  	v33 =	vld [tilespmem:$0x9100]  }
0x2e6: {  	v9 =	vadd.f32 v31, v9  }
0x2e7: {  	v34 =	vld [tilespmem:$0x9180]  }
0x2e8: {  	v9 =	vadd.f32 v32, v9  }
0x2e9: {  	v35 =	vld [tilespmem:$0x9200]  }
0x2ea: {  	v9 =	vadd.f32 v33, v9  }
0x2eb: {  	v36 =	vld [tilespmem:$0x9280]  }
0x2ec: {  	v9 =	vadd.f32 v34, v9  }
0x2ed: {  	v37 =	vld [tilespmem:$0x9300]  }
0x2ee: {  	v9 =	vadd.f32 v35, v9  }
0x2ef: {  	v38 =	vld [tilespmem:$0x9380]  }
0x2f0: {  	v9 =	vadd.f32 v36, v9  }
0x2f1: {  	v39 =	vld [tilespmem:$0x9400]  }
0x2f2: {  	v9 =	vadd.f32 v37, v9  }
0x2f3: {  	v40 =	vld [tilespmem:$0x9480]  }
0x2f4: {  	v9 =	vadd.f32 v38, v9  }
0x2f5: {  	v41 =	vld [tilespmem:$0x9500]  }
0x2f6: {  	v9 =	vadd.f32 v39, v9  }
0x2f7: {  	v42 =	vld [tilespmem:$0x9580]  }
0x2f8: {  	v9 =	vadd.f32 v40, v9  }
0x2f9: {  	v43 =	vld [tilespmem:$0x9600]  }
0x2fa: {  	v9 =	vadd.f32 v41, v9  }
0x2fb: {  	v44 =	vld [tilespmem:$0x9680]  }
0x2fc: {  	v9 =	vadd.f32 v42, v9  }
0x2fd: {  	v45 =	vld [tilespmem:$0x9700]  }
0x2fe: {  	v9 =	vadd.f32 v43, v9  }
0x2ff: {  	v46 =	vld [tilespmem:$0x9780]  }
0x300: {  	v9 =	vadd.f32 v44, v9  }
0x301: {  	v47 =	vld [tilespmem:$0x9800]  }
0x302: {  	v9 =	vadd.f32 v45, v9  }
0x303: {  	v48 =	vld [tilespmem:$0x9880]  }
0x304: {  	v9 =	vadd.f32 v46, v9  }
0x305: {  	v49 =	vld [tilespmem:$0x9900]  }
0x306: {  	v9 =	vadd.f32 v47, v9  }
0x307: {  	v50 =	vld [tilespmem:$0x9980]  }
0x308: {  	v9 =	vadd.f32 v48, v9  }
0x309: {  	v51 =	vld [tilespmem:$0x9A00]  }
0x30a: {  	v9 =	vadd.f32 v49, v9  }
0x30b: {  	v52 =	vld [tilespmem:$0x9A80]  }
0x30c: {  	v9 =	vadd.f32 v50, v9  }
0x30d: {  	v53 =	vld [tilespmem:$0x9B00]  }
0x30e: {  	v9 =	vadd.f32 v51, v9  }
0x30f: {  	v54 =	vld [tilespmem:$0x9B80]  }
0x310: {  	v56 =	vshra.s32 v7, $0x1;
	v57 =	vmul.f32 $5.000000000e-01, v7;
	v9 =	vadd.f32 v52, v9  }
0x311: {  	v55 =	vld [tilespmem:$0x9C00];
	v10 =	vsub.s32 $0x5F3759DF, v56;
	v60 =	vshra.s32 v8, $0x1;
	v16 =	vmul.f32 $5.000000000e-01, v8  }
0x312: {  	v58 =	vmul.f32 v10, v57;
	v61 =	vsub.s32 $0x5F3759DF, v60;
	v9 =	vadd.f32 v53, v9  }
0x313: {  	v59 =	vld [tilespmem:$0x9C80];
	v17 =	vmul.f32 v61, v16;
	v18 =	vshra.s32 v6, $0x1;
	v19 =	vmul.f32 $5.000000000e-01, v6  }
0x314: {  	v11 =	vmul.f32 v10, v58;
	v18 =	vsub.s32 $0x5F3759DF, v18;
	v9 =	vadd.f32 v54, v9  }
0x315: {  	v62 =	vld [tilespmem:$0x9D00];
	v17 =	vmul.f32 v61, v17;
	v23 =	vmul.f32 v18, v19  }
0x316: {  	v20 =	vshra.s32 v5, $0x1;
	v21 =	vmul.f32 $5.000000000e-01, v5;
	v9 =	vadd.f32 v55, v9  }
0x317: {  	v17 =	vsub.f32 $1.500000000e+00, v17;
	v20 =	vsub.s32 $0x5F3759DF, v20;
	v22 =	vld [tilespmem:$0x9D80];
	v23 =	vmul.f32 v18, v23  }
0x318: {  	v11 =	vsub.f32 $1.500000000e+00, v11;
	v63 =	vmul.f32 v20, v21;
	v9 =	vadd.f32 v59, v9  }
0x319: {  	v12 =	vmul.f32 v61, v17;
	v24 =	vld [tilespmem:$0x9E00];
	v29 =	vsub.f32 $1.500000000e+00, v23  }
0x31a: {  	v10 =	vmul.f32 v10, v11;
	v27 =	vmul.f32 v20, v63;
	v9 =	vadd.f32 v62, v9  }
0x31b: {  	v28 =	vld [tilespmem:$0x9E80];
	v15 =	vmul.f32 v18, v29;
	v32 =	vmul.f32 v12, v16  }
0x31c: {  	v11 =	vsub.f32 $1.500000000e+00, v27;
	v30 =	vmul.f32 v10, v57;
	v9 =	vadd.f32 v22, v9  }
0x31d: {  	v31 =	vld [tilespmem:$0x9F00];
	v34 =	vmul.f32 v32, v12;
	v35 =	vmul.f32 v15, v19  }
0x31e: {  	v11 =	vmul.f32 v20, v11;
	v17 =	vmul.f32 v30, v10;
	v9 =	vadd.f32 v24, v9  }
0x31f: {  	v33 =	vld [tilespmem:$0x9F80];
	v20 =	vsub.f32 $1.500000000e+00, v34;
	v23 =	vmul.f32 v35, v15  }
0x320: {  	v36 =	vsub.f32 $1.500000000e+00, v17;
	v37 =	vmul.f32 v11, v21;
	v9 =	vadd.f32 v28, v9  }
0x321: {  	v12 =	vmul.f32 v20, v12;
	v38 =	vld [tilespmem:$0xA000];
	v41 =	vsub.f32 $1.500000000e+00, v23  }
0x322: {  	v10 =	vmul.f32 v36, v10;
	v39 =	vmul.f32 v37, v11;
	v9 =	vadd.f32 v31, v9  }
0x323: {  	v40 =	vld [tilespmem:$0xA080];
	v15 =	vmul.f32 v41, v15;
	v44 =	vmul.f32 v12, v16  }
0x324: {  	v14 =	vsub.f32 $1.500000000e+00, v39;
	v42 =	vmul.f32 v10, v57;
	v9 =	vadd.f32 v33, v9  }
0x325: {  	v43 =	vld [tilespmem:$0xA100];
	v46 =	vmul.f32 v44, v12;
	v47 =	vmul.f32 v15, v19  }
0x326: {  	v11 =	vmul.f32 v14, v11;
	v18 =	vmul.f32 v42, v10;
	v9 =	vadd.f32 v38, v9  }
0x327: {  	v45 =	vld [tilespmem:$0xA180];
	v20 =	vsub.f32 $1.500000000e+00, v46;
	v23 =	vmul.f32 v47, v15  }
0x328: {  	v48 =	vsub.f32 $1.500000000e+00, v18;
	v49 =	vmul.f32 v11, v21;
	v9 =	vadd.f32 v40, v9  }
0x329: {  	v12 =	vmul.f32 v20, v12;
	v50 =	vld [tilespmem:$0xA200];
	v53 =	vsub.f32 $1.500000000e+00, v23  }
0x32a: {  	v10 =	vmul.f32 v48, v10;
	v51 =	vmul.f32 v49, v11;
	v9 =	vadd.f32 v43, v9  }
0x32b: {  	v16 =	vmul.f32 v12, v16;
	v52 =	vld [tilespmem:$0xA280];
	v15 =	vmul.f32 v53, v15  }
0x32c: {  	v13 =	vmul.f32 v10, v57;
	v54 =	vsub.f32 $1.500000000e+00, v51;
	v9 =	vadd.f32 v45, v9  }
0x32d: {  	v16 =	vmul.f32 v16, v12;
	v55 =	vld [tilespmem:$0xA300];
	v19 =	vmul.f32 v15, v19  }
0x32e: {  	v13 =	vmul.f32 v13, v10;
	v11 =	vmul.f32 v54, v11;
	v9 =	vadd.f32 v50, v9  }
0x32f: {  	v56 =	vld [tilespmem:$0xA380];
	v16 =	vsub.f32 $1.500000000e+00, v16;
	v57 =	vmul.f32 v19, v15  }
0x330: {  	v13 =	vsub.f32 $1.500000000e+00, v13;
	v58 =	vmul.f32 v11, v21;
	v9 =	vadd.f32 v52, v9  }
0x331: {  	v12 =	vmul.f32 v16, v12;
	v59 =	vsub.f32 $1.500000000e+00, v57  }
0x332: {  	v10 =	vmul.f32 v13, v10;
	v60 =	vmul.f32 v58, v11;
	v9 =	vadd.f32 v55, v9  }
0x333: {  	v8 =	vmul.f32 v12, v8;
	v61 =	vmul.f32 v59, v15  }
0x334: {  	s26 =	sadd.s32 s7, s23;
	v7 =	vmul.f32 v10, v7;
	v62 =	vsub.f32 $1.500000000e+00, v60;
	v9 =	vadd.f32 v56, v9  }
0x335: {  	s30 =	sshll.u32 s23, $0x4;
	s26 =	sshll.u32 s26, $0x4;
	v6 =	vmul.f32 v61, v6  }
0x336: {  	s23 =	sand.u32 $0x70, s30;
	s26 =	sand.u32 $0xFFFFF80, s26;
	v7 =	vadd.f32 v8, v7;
	v63 =	vmul.f32 v62, v11;
	v9 =	vmul.f32 $1.562500000e-02, v9  }
0x337: {  	s23 =	sor.u32 s23, s26;
	p0 =	sne.s32 s22, $0x20  }
.Ltmp11:
0x338: {  	s26 =	sadd.s32 s5, s23;
	v6 =	vadd.f32 v7, v6;
	v5 =	vmul.f32 v63, v5;
	[tilespmem:s24+$0xA500] =	vst v9;
	(pc) =	sbr.rel @p0 .LBB2_4-.Ltmp11, $4  }
0x339: {  	[hbm4b:s26+s1] =	stream.linear.scatter [tilespmem:s29], [sflag:$0x2], $0x80, $0x38;
	[tilespmem:$0xA680] =	vst v63  }
0x33a: {  	s31 =	sor.u32 $0xA500, s24;
	s23 =	sadd.s32 s6, s23;
	v5 =	vadd.f32 v6, v5  }
0x33b: {  	[hbm4b:s23+s1] =	stream.linear.scatter [tilespmem:s31], [sflag:$0x3], $0x80, $0x38;
	[tilespmem:$0xA680] =	vst v63  }
0x33c: {  	v4 =	vadd.f32 v5, v4;
	s23 =	smov.u32 s22  }
0x33d: {  	_ =	swait.ge [sflag:s11], $0x4000  }
0x33e: {  	[sflag:s11] =	ssyncset.done $0x0  }
0x33f: {  	[sflag:s11] =	ssyncadd.s32 $0xFFFFC000  }
0x340: {  	_ =	swait.ge [sflag:s17], $0x80  }
0x341: {  	[sflag:s17] =	ssyncset.done $0x0  }
0x342: {  	[sflag:s17] =	ssyncadd.s32 $0xFFFFFF80  }
0x343: {  	_ =	swait.ge [sflag:s18], $0x80  }
0x344: {  	[sflag:s18] =	ssyncset.done $0x0  }
0x345: {  	[sflag:s18] =	ssyncadd.s32 $0xFFFFFF80  }
0x346: {  	_ =	swait.ge [sflag:s17], $0x80  }
0x347: {  	[sflag:s17] =	ssyncset.done $0x0  }
0x348: {  	[sflag:s17] =	ssyncadd.s32 $0xFFFFFF80  }
0x349: {  	_ =	swait.ge [sflag:s18], $0x80  }
0x34a: {  	s21 =	sadd.s32 $0x1, s21;
	[sflag:s18] =	ssyncset.done $0x0  }
0x34b: {  	p0 =	sne.s32 s21, s10;
	[sflag:s18] =	ssyncadd.s32 $0xFFFFFF80  }
.Ltmp12:
0x34c: {  	[tilespmem:$0xA600] =	vst v4;
	(pc) =	sbr.rel @p0 .LBB2_1-.Ltmp12, $4  }
0x34d: {  	[hbm4b:s9+s1] =	stream.linear.scatter [tilespmem:s19], [sflag:$0x5], $0x80, $0x38;
	[tilespmem:$0xA680] =	vst v63  }
0x34e: {  	_ =	swait.ge [sflag:s20], $0x80  }
0x34f: {  	[sflag:s20] =	ssyncset.done $0x0  }
0x350: {  	[sflag:s20] =	ssyncadd.s32 $0xFFFFFF80  }
0x351: {  	_ =	sfence.sel $0x180000  }
0x352: {  	[bflag:$0x0] =	sbarrier.arrive $0xFFFF  }
0x353: {  	p0 =	sne.s32 s2, $0x0;
	_ =	strace $0x90000047  }
0x354: {  	s0 =	sadd.s32 @!p0 $0x100000, s0;
	[bflag:$0x2] =	sbarrier.arrive $0xFFFF  }
0x355: {  	[sflag:s0] =	ssyncadd.tile.s32 @!p0 $0x1;
	_ =	shalt  }
.Lfunc_end2:
_tile_overlayer_lowered:
.L_overlay_start_2:
0x356: {  	(tag) =	ssettag $0x2  }
0x357: {  	s0 =	rddreg [dreg:$0x0];
	s2 =	stileid.u32  }
0x358: {  	s1 =	rddreg [dreg:$0x1];
	p0 =	sne.s32 s2, $0x0  }
0x359: {  	s3 =	rddreg [dreg:$0x2];
	[bflag:$0x3] =	sbarrier.arrive $0xFFFF;
	s2 =	simm.s32 @!p0 $0x1C05  }
0x35a: {  	[timem:s3], [sflag:s2] =	dma.local @!p0 [hbm:s0], s1  }
0x35b: {  	s0 =	simm.s32 @!p0 $0x5  }
0x35c: {  	_ =	swait.ge @!p0 [sflag:s0], s1  }
0x35d: {  	s1 =	ssub.s32 @!p0 $0x0, s1;
	[sflag:s0] =	ssyncset.done @!p0 $0x0  }
0x35e: {  	[sflag:s0] =	ssyncadd.s32 @!p0 s1  }
0x35f: {  	[bflag:$0x3] =	sbarrier.arrive $0xFFFF  }
0x360: {  	_ =	shalt  }

</sc_bundles>
